<compile_context>
chip_gen: v7x
topology: tpu7x:2x2x1
jax: 0.10.2.dev20260603
libtpu: 0.0.44.dev20260713+nightly
codegen_flags: <defaults>
</compile_context>

<pallas_src>
import functools

import jax
import jax.numpy as jnp
from jax import lax
from jax.experimental import pallas as pl
from jax.experimental.pallas import tpu as pltpu
from jax.experimental.pallas import tpu_sc as plsc

_NC = 2
_NS = 16
_NW = _NC * _NS
_CH = 80
_D = 128


def _round_up(v, m):
    return (v + m - 1) // m * m



def _make_sc_deg(E, NPAD):
    EPW = E // _NW
    NCH = EPW // _CH
    NR = NPAD // _D
    RPT = NR // _NS

    mesh = plsc.VectorSubcoreMesh(
        core_axis_name="c", subcore_axis_name="s",
        num_cores=_NC, num_subcores=_NS)

    @functools.partial(
        pl.kernel,
        out_type=jax.ShapeDtypeStruct((_NC, NR, _D), jnp.float32),
        mesh=mesh,
        scratch_types=dict(
            acc=pltpu.VMEM_SHARED((NR, _D), jnp.float32),
            hist=pltpu.VMEM((NR, _D), jnp.float32),
            idx_v=pltpu.VMEM((_CH,), jnp.int32),
            iota_v=pltpu.VMEM((NR,), jnp.int32),
        ),
        compiler_params=pltpu.CompilerParams(needs_layout_passes=False),
    )
    def deg_kernel(src_hbm, zblk_hbm, out_hbm, acc, hist, idx_v, iota_v):
        c = lax.axis_index("c")
        s = lax.axis_index("s")
        pltpu.sync_copy(zblk_hbm.at[pl.ds(0, NR)], hist)
        for m in range(NR // 16):
            iota_v[pl.ds(m * 16, 16)] = (
                lax.iota(jnp.int32, 16) + jnp.int32(m * 16))

        @pl.when(s == 0)
        def _():
            pltpu.sync_copy(zblk_hbm.at[pl.ds(0, NR)], acc)

        plsc.subcore_barrier()
        wbase = (c * _NS + s) * EPW
        one16 = jnp.ones((16,), jnp.float32)

        def body(k, carry):
            eb = wbase + k * _CH
            pltpu.sync_copy(src_hbm.at[pl.ds(eb, _CH)], idx_v)
            for b in range(_CH // 16):
                vec = idx_v[pl.ds(b * 16, 16)]
                row = lax.shift_right_logical(vec, 7)
                col = lax.bitwise_and(vec, jnp.int32(_D - 1))
                plsc.addupdate_scatter(hist, [row, col], one16)
            return carry

        lax.fori_loop(0, NCH, body, 0)
        pltpu.sync_copy(hist, acc.at[iota_v], add=True)
        plsc.subcore_barrier()

        @pl.when(s < NR // 8)
        def _():
            pltpu.sync_copy(acc.at[pl.ds(s * 8, 8)],
                            out_hbm.at[c, pl.ds(s * 8, 8)])

    return deg_kernel



def _make_sc_edge(NCH, NPAD):
    RPT = NPAD // _NS

    mesh = plsc.VectorSubcoreMesh(
        core_axis_name="c", subcore_axis_name="s",
        num_cores=_NC, num_subcores=_NS)

    @functools.partial(
        pl.kernel,
        out_type=jax.ShapeDtypeStruct((_NC, NPAD, _D), jnp.float32),
        mesh=mesh,
        scratch_types=dict(
            acc=pltpu.VMEM_SHARED((NPAD, _D), jnp.float32),
            wx0=pltpu.VMEM((_D * 16,), jnp.float32),
            wx1=pltpu.VMEM((_D * 16,), jnp.float32),
            grow0=pltpu.VMEM((_D, _D), jnp.float32),
            grow1=pltpu.VMEM((_D, _D), jnp.float32),
            sv0=pltpu.VMEM((_D,), jnp.int32),
            sv1=pltpu.VMEM((_D,), jnp.int32),
            dv0=pltpu.VMEM((_D,), jnp.int32),
            dv1=pltpu.VMEM((_D,), jnp.int32),
            gs0=pltpu.SemaphoreType.DMA,
            gs1=pltpu.SemaphoreType.DMA,
            ss0=pltpu.SemaphoreType.DMA,
            ss1=pltpu.SemaphoreType.DMA,
            isv0=pltpu.SemaphoreType.DMA,
            isv1=pltpu.SemaphoreType.DMA,
            idv0=pltpu.SemaphoreType.DMA,
            idv1=pltpu.SemaphoreType.DMA,
        ),
        compiler_params=pltpu.CompilerParams(needs_layout_passes=False),
    )
    def edge_kernel(tab_hbm, src_hbm, dst_hbm, w_hbm, zblk_hbm, out_hbm,
                    acc, wx0, wx1, grow0, grow1, sv0, sv1, dv0, dv1,
                    gs0, gs1, ss0, ss1, isv0, isv1, idv0, idv1):
        c = lax.axis_index("c")
        s = lax.axis_index("s")
        wid = c * _NS + s
        pltpu.sync_copy(zblk_hbm, acc.at[pl.ds(s * RPT, RPT)])
        plsc.subcore_barrier()

        dummy = tab_hbm.at[pl.ds(0, _D)]
        dummyr = src_hbm.at[wid, 0]
        dummyw = w_hbm.at[wid, 0]
        S = ((grow0, sv0, dv0, wx0, gs0, ss0, isv0, idv0),
             (grow1, sv1, dv1, wx1, gs1, ss1, isv1, idv1))

        pltpu.async_copy(src_hbm.at[wid, 0], sv0, isv0)
        pltpu.async_copy(w_hbm.at[wid, 0], wx0, isv0)
        pltpu.async_copy(src_hbm.at[wid, 1], sv1, isv1)
        pltpu.async_copy(w_hbm.at[wid, 1], wx1, isv1)
        pltpu.async_copy(dst_hbm.at[wid, 0], dv0, idv0)
        pltpu.async_copy(dst_hbm.at[wid, 1], dv1, idv1)
        pltpu.make_async_copy(dummyr, sv0, isv0).wait()
        pltpu.make_async_copy(dummyw, wx0, isv0).wait()
        pltpu.async_copy(tab_hbm.at[sv0], grow0, gs0)

        def mul_half(grow, wx, h):
            def mrow(i, carry):
                bw = wx[pl.ds(i * 16, 16)]
                for j in range(_D // 16):
                    sl = pl.ds(j * 16, 16)
                    grow[i, sl] = grow[i, sl] * bw
                return carry

            lax.fori_loop(h * (_D // 2), (h + 1) * (_D // 2), mrow, 0)

        def do_chunk(k, a, first):
            grow, sv, dv, wx, gs, ss, isv, idv = S[a]
            growB, svB, dvB, wxB, gsB, ssB, isvB, idvB = S[1 - a]
            pltpu.make_async_copy(dummy, grow, gs).wait()
            pass
            if not first:
                pltpu.make_async_copy(dummy, growB, ssB).wait()
                kp1 = jnp.minimum(k + 1, NCH - 1)
                pltpu.async_copy(dst_hbm.at[wid, kp1], dvB, idvB)
            pltpu.make_async_copy(dummyr, svB, isvB).wait()
            pltpu.make_async_copy(dummyw, wxB, isvB).wait()
            pltpu.async_copy(tab_hbm.at[svB], growB, gsB)
            pass
            kp2 = jnp.minimum(k + 2, NCH - 1)
            pltpu.async_copy(src_hbm.at[wid, kp2], sv, isv)
            pltpu.async_copy(w_hbm.at[wid, kp2], wx, isv)
            pltpu.make_async_copy(dummyr, dv, idv).wait()
            pltpu.async_copy(grow, acc.at[dv], ss, add=True)

        do_chunk(0, 0, True)

        def body(t, carry):
            do_chunk(2 * t + 1, 1, False)
            do_chunk(2 * t + 2, 0, False)
            return carry

        lax.fori_loop(0, (NCH - 2) // 2, body, 0)
        do_chunk(NCH - 1, 1, False)

        pltpu.make_async_copy(dummy, grow0, gs0).wait()
        pltpu.make_async_copy(dummy, grow1, ss1).wait()
        pltpu.make_async_copy(dummyr, sv1, isv1).wait()
        pltpu.make_async_copy(dummyw, wx1, isv1).wait()
        pltpu.make_async_copy(dummyr, dv0, idv0).wait()
        plsc.subcore_barrier()
        pltpu.sync_copy(acc.at[pl.ds(s * RPT, RPT)],
                        out_hbm.at[c, pl.ds(s * RPT, RPT)])

    return edge_kernel



def _tc_prescale_body(x_ref, deg_ref, o_ref):
    d = deg_ref[0, 0] + deg_ref[1, 0]
    norm = 1.0 / jnp.maximum(d, 1.0)
    o_ref[...] = x_ref[...] * norm[:, None]


def _tc_prescale(x, degp, blk):
    N = x.shape[0]
    grid = N // blk
    return pl.pallas_call(
        _tc_prescale_body,
        grid=(grid,),
        in_specs=[
            pl.BlockSpec((blk, _D), lambda i: (i, 0)),
            pl.BlockSpec((_NC, 1, blk), lambda i: (0, 0, i)),
        ],
        out_specs=pl.BlockSpec((blk, _D), lambda i: (i, 0)),
        out_shape=jax.ShapeDtypeStruct((N, _D), jnp.float32),
    )(x, degp)


def _tc_mid_body(agg_ref, W_ref, b_ref, deg_ref, o_ref):
    a = agg_ref[0] + agg_ref[1]
    h = jnp.dot(a, W_ref[...], preferred_element_type=jnp.float32)
    h = h + b_ref[...]
    h = jnp.maximum(h, 0.0)
    d = deg_ref[0, 0] + deg_ref[1, 0]
    norm = 1.0 / jnp.maximum(d, 1.0)
    o_ref[...] = h * norm[:, None]


def _tc_mid(agg, W, b2, degp, blk):
    NPAD = agg.shape[1]
    grid = NPAD // blk
    return pl.pallas_call(
        _tc_mid_body,
        grid=(grid,),
        in_specs=[
            pl.BlockSpec((_NC, blk, _D), lambda i: (0, i, 0)),
            pl.BlockSpec((_D, _D), lambda i: (0, 0)),
            pl.BlockSpec((1, _D), lambda i: (0, 0)),
            pl.BlockSpec((_NC, 1, blk), lambda i: (0, 0, i)),
        ],
        out_specs=pl.BlockSpec((blk, _D), lambda i: (i, 0)),
        out_shape=jax.ShapeDtypeStruct((NPAD, _D), jnp.float32),
    )(agg, W, b2, degp)


def _make_tc_final_body(ngrid, n_real):
    def body(agg_ref, W_ref, b_ref, Wp_ref, bp_ref, Wv_ref, bv_ref,
             pi_ref, v_ref, colsum):
        i = pl.program_id(0)
        a = agg_ref[0] + agg_ref[1]
        h2 = jnp.dot(a, W_ref[...], preferred_element_type=jnp.float32)
        h2 = h2 + b_ref[...]
        pi_ref[...] = (jnp.dot(h2, Wp_ref[...],
                               preferred_element_type=jnp.float32)
                       + bp_ref[...])
        blocksum = jnp.sum(a, axis=0, keepdims=True)

        @pl.when(i == 0)
        def _():
            colsum[...] = blocksum

        @pl.when(i > 0)
        def _():
            colsum[...] = colsum[...] + blocksum

        @pl.when(i == ngrid - 1)
        def _():
            m = colsum[...] / float(n_real)
            hv = jnp.dot(m, W_ref[...],
                         preferred_element_type=jnp.float32) + b_ref[...]
            v_ref[...] = (jnp.dot(hv, Wv_ref[...],
                                  preferred_element_type=jnp.float32)
                          + bv_ref[...])

    return body


def _tc_final(agg, W, b2, Wp, bp2, Wv, bv2, blk, n_real):
    NPAD = agg.shape[1]
    grid = NPAD // blk
    return pl.pallas_call(
        _make_tc_final_body(grid, n_real),
        grid=(grid,),
        in_specs=[
            pl.BlockSpec((_NC, blk, _D), lambda i: (0, i, 0)),
            pl.BlockSpec((_D, _D), lambda i: (0, 0)),
            pl.BlockSpec((1, _D), lambda i: (0, 0)),
            pl.BlockSpec((_D, 1), lambda i: (0, 0)),
            pl.BlockSpec((1, 1), lambda i: (0, 0)),
            pl.BlockSpec((_D, 1), lambda i: (0, 0)),
            pl.BlockSpec((1, 1), lambda i: (0, 0)),
        ],
        out_specs=[
            pl.BlockSpec((blk, 1), lambda i: (i, 0)),
            pl.BlockSpec((1, 1), lambda i: (0, 0)),
        ],
        out_shape=[
            jax.ShapeDtypeStruct((NPAD, 1), jnp.float32),
            jax.ShapeDtypeStruct((1, 1), jnp.float32),
        ],
        scratch_shapes=[pltpu.VMEM((1, _D), jnp.float32)],
    )(agg, W, b2, Wp, bp2, Wv, bv2)



def kernel(x, edge_index, w, W0, b0, W1, b1, Wp, bp, Wv, bv):
    N, D = x.shape
    E = edge_index.shape[1]
    NPAD = _round_up(N, _NS * 16)
    RPT = NPAD // _NS

    src = edge_index[0]
    dst = edge_index[1]

    zblk = jnp.zeros((RPT, _D), jnp.float32)

    degp = _make_sc_deg(E, NPAD)(src, zblk)
    degr = degp.reshape(_NC, 1, NPAD)

    EPW = E // _NW
    NCH = -(-EPW // _D)
    if NCH % 2:
        NCH += 1
    pad = NCH * _D - EPW
    spread = (jnp.arange(_NW, dtype=jnp.int32)[:, None] * pad
              + jnp.arange(pad, dtype=jnp.int32)[None, :]) % N
    src2 = jnp.concatenate(
        [src.reshape(_NW, EPW), spread], axis=1).reshape(_NW, NCH, _D)
    dst2 = jnp.concatenate(
        [dst.reshape(_NW, EPW), spread], axis=1).reshape(_NW, NCH, _D)
    w2 = jnp.pad(w.reshape(_NW, EPW), ((0, 0), (0, pad))).reshape(
        _NW, NCH, _D)
    wx = jnp.broadcast_to(w2[..., None], (_NW, NCH, _D, 16)).reshape(
        _NW, NCH, _D * 16)

    x_p = jnp.pad(x, ((0, NPAD - N), (0, 0)))
    hn0 = _tc_prescale(x_p, degr, 512)
    agg0 = _make_sc_edge(NCH, NPAD)(hn0, src2, dst2, wx, zblk)
    h1n = _tc_mid(agg0, W0, b0.reshape(1, _D), degr, 512)
    agg1 = _make_sc_edge(NCH, NPAD)(h1n, src2, dst2, wx, zblk)
    PI_p, V = _tc_final(agg1, W1, b1.reshape(1, _D),
                        Wp, bp.reshape(1, 1), Wv, bv.reshape(1, 1),
                        512, N)
    return (PI_p[:N], V)

# --- scband reference (transcript-rebuilt; emitter-appended) ---
"""Pipeline reference for scband-egnnc-16853451670157 (READ-ONLY COPY).

The authoritative reference and input builder live on the scoring server;
editing this copy changes nothing except your own understanding.
"""

import jax, jax.numpy as jnp
import numpy as np

N = 10000
E = 320000
D_IN = 128
D_HID = 128
D_OUT = 128


def setup_inputs(seed: int = 0) -> dict:
    key = jax.random.key(seed)
    ks = jax.random.split(key, 12)
    x = jax.random.normal(ks[0], (N, D_IN), dtype=jnp.float32)
    edge_index = jax.random.randint(ks[1], (2, E), 0, N, dtype=jnp.int32)
    w = jax.random.uniform(ks[2], (E,), dtype=jnp.float32)
    # EdgeGraphConv layer 0: in_feats -> hid_feats
    W0 = jax.random.normal(ks[3], (D_IN, D_HID), dtype=jnp.float32) * 0.05
    b0 = jnp.zeros((D_HID,), dtype=jnp.float32)
    # EdgeGraphConv layer 1 (last): hid_feats -> out_feats, no activation
    W1 = jax.random.normal(ks[4], (D_HID, D_OUT), dtype=jnp.float32) * 0.05
    b1 = jnp.zeros((D_OUT,), dtype=jnp.float32)
    # policy head: out_feats -> 1
    Wp = jax.random.normal(ks[5], (D_OUT, 1), dtype=jnp.float32) * 0.05
    bp = jnp.zeros((1,), dtype=jnp.float32)
    # value head: out_feats -> 1
    Wv = jax.random.normal(ks[6], (D_OUT, 1), dtype=jnp.float32) * 0.05
    bv = jnp.zeros((1,), dtype=jnp.float32)
    return {"x": x, "edge_index": edge_index, "w": w,
            "W0": W0, "b0": b0, "W1": W1, "b1": b1,
            "Wp": Wp, "bp": bp, "Wv": Wv, "bv": bv}


def _edge_graph_conv(x, edge_index, w, W, b, act):
    # DGL EdgeGraphConv with norm='left':
    #   source features scaled by 1/out_degree, messages weighted by edge weight,
    #   sum-aggregated at destination, then linear projection (+ activation).
    src = edge_index[0]
    dst = edge_index[1]
    n = x.shape[0]
    out_deg = jnp.zeros((n,), dtype=x.dtype).at[src].add(1.0)
    norm = 1.0 / jnp.clip(out_deg, 1.0, None)
    h = x * norm[:, None]
    msg = h[src] * w[:, None]           # u_mul_e
    agg = jnp.zeros((n, x.shape[1]), dtype=x.dtype).at[dst].add(msg)  # sum aggregation
    rst = agg @ W + b
    if act:
        rst = jax.nn.relu(rst)
    return rst


def reference(x, edge_index, w, W0, b0, W1, b1, Wp, bp, Wv, bv):
    # layer 0: activation=relu
    h = _edge_graph_conv(x, edge_index, w, W0, b0, act=True)
    # layer 1 (last): no activation
    h = _edge_graph_conv(h, edge_index, w, W1, b1, act=False)
    # readout_nodes(op='mean') over the single graph in the batch
    mN = jnp.mean(h, axis=0, keepdims=True)   # [1, D_OUT]
    PI = h @ Wp + bp                           # [N, 1]
    V = mN @ Wv + bv                           # [1, 1]
    return (PI, V)

if __name__ == "__main__":
    import jax
    _d = setup_inputs()
    print(jax.jit(kernel)(*tuple(_d.values())))

</pallas_src>

<mosaic_0001>
#map = affine_map<(d0, d1) -> (0)>
#map1 = affine_map<(d0, d1) -> (0, 0)>
#map2 = affine_map<(d0, d1) -> (0, 0, 0)>
module attributes {stable_mosaic.version = 14 : i64} {
  func.func @deg_kernel(%arg0: i32, %arg1: i32, %arg2: memref<320000xi32, #tpu.memory_space<hbm>>, %arg3: memref<640x128xf32, #tpu.memory_space<hbm>>, %arg4: memref<2x80x128xf32, #tpu.memory_space<hbm>>, %arg5: memref<80x128xf32, #tpu.memory_space<vmem_shared>>, %arg6: memref<80x128xf32, #tpu.memory_space<vmem>>, %arg7: memref<80xi32, #tpu.memory_space<vmem>>, %arg8: memref<80xi32, #tpu.memory_space<vmem>>) attributes {dimension_semantics = [#tpu.dimension_semantics<core_parallel>, #tpu.dimension_semantics<subcore_parallel>], iteration_bounds = array<i64: 2, 16>, scalar_prefetch = 0 : i64, scratch_operands = 4 : i64, tpu.core_type = #tpu.core_type<sc_vector_subcore>, window_params = [{transform_indices = #map}, {transform_indices = #map1}, {transform_indices = #map2}]} {
    "tpu.region"() ({
      %run_scoped3A = tpu.sem_alloc : memref<!tpu.dma_semaphore, #tpu.memory_space<semaphore_mem>>
      %dma_start3A = arith.constant 0 : i32
      %dma_start3A_44 = arith.constant 0 : i32
      %dma_start3A_45 = tpu.memref_slice %arg3[%dma_start3A, %dma_start3A_44] : memref<640x128xf32, #tpu.memory_space<hbm>> -> memref<80x128xf32, #tpu.memory_space<hbm>>
      %dma_start3A_46 = arith.constant 0 : i32
      %dma_start3A_47 = arith.constant 0 : i32
      %dma_start3A_48 = tpu.memref_slice %arg3[%dma_start3A_46, %dma_start3A_47] : memref<640x128xf32, #tpu.memory_space<hbm>> -> memref<80x128xf32, #tpu.memory_space<hbm>>
      tpu.enqueue_dma source(%dma_start3A_48 : memref<80x128xf32, #tpu.memory_space<hbm>>) target(%arg6 : memref<80x128xf32, #tpu.memory_space<vmem>>) target_semaphore(%run_scoped3A : memref<!tpu.dma_semaphore, #tpu.memory_space<semaphore_mem>>)
      %dma_wait3A = arith.constant 0 : i32
      %dma_wait3A_49 = arith.constant 0 : i32
      %dma_wait3A_50 = tpu.memref_slice %arg3[%dma_wait3A, %dma_wait3A_49] : memref<640x128xf32, #tpu.memory_space<hbm>> -> memref<80x128xf32, #tpu.memory_space<hbm>>
      %dma_wait3A_51 = arith.constant 0 : i32
      %dma_wait3A_52 = arith.constant 0 : i32
      %dma_wait3A_53 = tpu.memref_slice %arg3[%dma_wait3A_51, %dma_wait3A_52] : memref<640x128xf32, #tpu.memory_space<hbm>> -> memref<80x128xf32, #tpu.memory_space<hbm>>
      tpu.wait_dma2 semaphore(%run_scoped3A : memref<!tpu.dma_semaphore, #tpu.memory_space<semaphore_mem>>) src(%dma_wait3A_53 : memref<80x128xf32, #tpu.memory_space<hbm>>) dst(%arg6 : memref<80x128xf32, #tpu.memory_space<vmem>>)
      tpu.yield
    }) : () -> ()
    %iota3A = tpu.iota {dimensions = array<i32: 0>} : vector<16xi32>
    %add3A = arith.constant 0 : i32
    %add3A_0 = vector.broadcast %add3A : i32 to vector<16xi32>
    %add3A_1 = arith.addi %iota3A, %add3A_0 : vector<16xi32>
    %swap3A = arith.constant 0 : index
    %swap3A_2 = tpu.vector_load %arg8[%swap3A] {strides = array<i32>} : memref<80xi32, #tpu.memory_space<vmem>>, vector<16xi32>,
    tpu.vector_store %arg8[%swap3A], %add3A_1 {strides = array<i32>} : memref<80xi32, #tpu.memory_space<vmem>>, vector<16xi32>,
    %iota3A_3 = tpu.iota {dimensions = array<i32: 0>} : vector<16xi32>
    %add3A_4 = arith.constant 16 : i32
    %add3A_5 = vector.broadcast %add3A_4 : i32 to vector<16xi32>
    %add3A_6 = arith.addi %iota3A_3, %add3A_5 : vector<16xi32>
    %swap3A_7 = arith.constant 16 : index
    %swap3A_8 = tpu.vector_load %arg8[%swap3A_7] {strides = array<i32>} : memref<80xi32, #tpu.memory_space<vmem>>, vector<16xi32>,
    tpu.vector_store %arg8[%swap3A_7], %add3A_6 {strides = array<i32>} : memref<80xi32, #tpu.memory_space<vmem>>, vector<16xi32>,
    %iota3A_9 = tpu.iota {dimensions = array<i32: 0>} : vector<16xi32>
    %add3A_10 = arith.constant 32 : i32
    %add3A_11 = vector.broadcast %add3A_10 : i32 to vector<16xi32>
    %add3A_12 = arith.addi %iota3A_9, %add3A_11 : vector<16xi32>
    %swap3A_13 = arith.constant 32 : index
    %swap3A_14 = tpu.vector_load %arg8[%swap3A_13] {strides = array<i32>} : memref<80xi32, #tpu.memory_space<vmem>>, vector<16xi32>,
    tpu.vector_store %arg8[%swap3A_13], %add3A_12 {strides = array<i32>} : memref<80xi32, #tpu.memory_space<vmem>>, vector<16xi32>,
    %iota3A_15 = tpu.iota {dimensions = array<i32: 0>} : vector<16xi32>
    %add3A_16 = arith.constant 48 : i32
    %add3A_17 = vector.broadcast %add3A_16 : i32 to vector<16xi32>
    %add3A_18 = arith.addi %iota3A_15, %add3A_17 : vector<16xi32>
    %swap3A_19 = arith.constant 48 : index
    %swap3A_20 = tpu.vector_load %arg8[%swap3A_19] {strides = array<i32>} : memref<80xi32, #tpu.memory_space<vmem>>, vector<16xi32>,
    tpu.vector_store %arg8[%swap3A_19], %add3A_18 {strides = array<i32>} : memref<80xi32, #tpu.memory_space<vmem>>, vector<16xi32>,
    %iota3A_21 = tpu.iota {dimensions = array<i32: 0>} : vector<16xi32>
    %add3A_22 = arith.constant 64 : i32
    %add3A_23 = vector.broadcast %add3A_22 : i32 to vector<16xi32>
    %add3A_24 = arith.addi %iota3A_21, %add3A_23 : vector<16xi32>
    %swap3A_25 = arith.constant 64 : index
    %swap3A_26 = tpu.vector_load %arg8[%swap3A_25] {strides = array<i32>} : memref<80xi32, #tpu.memory_space<vmem>>, vector<16xi32>,
    tpu.vector_store %arg8[%swap3A_25], %add3A_24 {strides = array<i32>} : memref<80xi32, #tpu.memory_space<vmem>>, vector<16xi32>,
    %eq3A = arith.constant 0 : i32
    %eq3A_27 = arith.cmpi eq, %arg1, %eq3A : i32
    %convert_element_type3A = arith.extui %eq3A_27 : i1 to i32
    %cond3A = arith.constant 0 : i32
    %cond3A_28 = arith.cmpi ne, %convert_element_type3A, %cond3A : i32
    scf.if %cond3A_28 {
      "tpu.region"() ({
        %run_scoped3A = tpu.sem_alloc : memref<!tpu.dma_semaphore, #tpu.memory_space<semaphore_mem>>
        %dma_start3A = arith.constant 0 : i32
        %dma_start3A_44 = arith.constant 0 : i32
        %dma_start3A_45 = tpu.memref_slice %arg3[%dma_start3A, %dma_start3A_44] : memref<640x128xf32, #tpu.memory_space<hbm>> -> memref<80x128xf32, #tpu.memory_space<hbm>>
        tpu.enqueue_dma source(%dma_start3A_45 : memref<80x128xf32, #tpu.memory_space<hbm>>) target(%arg5 : memref<80x128xf32, #tpu.memory_space<vmem_shared>>) target_semaphore(%run_scoped3A : memref<!tpu.dma_semaphore, #tpu.memory_space<semaphore_mem>>)
        %dma_wait3A = arith.constant 0 : i32
        %dma_wait3A_46 = arith.constant 0 : i32
        %dma_wait3A_47 = tpu.memref_slice %arg3[%dma_wait3A, %dma_wait3A_46] : memref<640x128xf32, #tpu.memory_space<hbm>> -> memref<80x128xf32, #tpu.memory_space<hbm>>
        tpu.wait_dma2 semaphore(%run_scoped3A : memref<!tpu.dma_semaphore, #tpu.memory_space<semaphore_mem>>) src(%dma_wait3A_47 : memref<80x128xf32, #tpu.memory_space<hbm>>) dst(%arg5 : memref<80x128xf32, #tpu.memory_space<vmem_shared>>)
        tpu.yield
      }) : () -> ()
    } else {
    }
    %barrier3A = arith.constant 0 : index
    tpu.barrier barrier_id(%barrier3A)
    %mul3A = arith.constant 16 : i32
    %mul3A_29 = arith.muli %arg0, %mul3A : i32
    %add3A_30 = arith.addi %mul3A_29, %arg1 : i32
    %mul3A_31 = arith.constant 10000 : i32
    %mul3A_32 = arith.muli %add3A_30, %mul3A_31 : i32
    %broadcast_in_dim3A = arith.constant 1.000000e+00 : f32
    %broadcast_in_dim3A_33 = vector.broadcast %broadcast_in_dim3A : f32 to vector<16xf32>
    %scan3A = arith.constant 0 : i32
    %scan3A_34 = arith.constant 0 : i32
    %scan3A_35 = arith.constant 125 : i32
    %scan3A_36 = arith.addi %scan3A_34, %scan3A_35 : i32
    %scan3A_37 = arith.constant 1 : i32
    scf.for %scan3A_44 = %scan3A_34 to %scan3A_36 step %scan3A_37  : i32 {
      %mul3A_45 = arith.constant 80 : i32
      %mul3A_46 = arith.muli %scan3A_44, %mul3A_45 : i32
      %add3A_47 = arith.addi %mul3A_32, %mul3A_46 : i32
      "tpu.region"() ({
        %run_scoped3A = tpu.sem_alloc : memref<!tpu.dma_semaphore, #tpu.memory_space<semaphore_mem>>
        %dma_start3A = tpu.memref_slice %arg2[%add3A_47] : memref<320000xi32, #tpu.memory_space<hbm>> -> memref<80xi32, #tpu.memory_space<hbm>>
        %dma_start3A_85 = tpu.memref_slice %arg2[%add3A_47] : memref<320000xi32, #tpu.memory_space<hbm>> -> memref<80xi32, #tpu.memory_space<hbm>>
        tpu.enqueue_dma source(%dma_start3A_85 : memref<80xi32, #tpu.memory_space<hbm>>) target(%arg7 : memref<80xi32, #tpu.memory_space<vmem>>) target_semaphore(%run_scoped3A : memref<!tpu.dma_semaphore, #tpu.memory_space<semaphore_mem>>)
        %dma_wait3A = tpu.memref_slice %arg2[%add3A_47] : memref<320000xi32, #tpu.memory_space<hbm>> -> memref<80xi32, #tpu.memory_space<hbm>>
        %dma_wait3A_86 = tpu.memref_slice %arg2[%add3A_47] : memref<320000xi32, #tpu.memory_space<hbm>> -> memref<80xi32, #tpu.memory_space<hbm>>
        tpu.wait_dma2 semaphore(%run_scoped3A : memref<!tpu.dma_semaphore, #tpu.memory_space<semaphore_mem>>) src(%dma_wait3A_86 : memref<80xi32, #tpu.memory_space<hbm>>) dst(%arg7 : memref<80xi32, #tpu.memory_space<vmem>>)
        tpu.yield
      }) : () -> ()
      %get3A = arith.constant 0 : index
      %get3A_48 = tpu.vector_load %arg7[%get3A] {strides = array<i32>} : memref<80xi32, #tpu.memory_space<vmem>>, vector<16xi32>,
      %shift_right_logical3A = arith.constant 7 : i32
      %shift_right_logical3A_49 = vector.broadcast %shift_right_logical3A : i32 to vector<16xi32>
      %shift_right_logical3A_50 = arith.shrui %get3A_48, %shift_right_logical3A_49 : vector<16xi32>
      %and3A = arith.constant 127 : i32
      %and3A_51 = vector.broadcast %and3A : i32 to vector<16xi32>
      %and3A_52 = arith.andi %get3A_48, %and3A_51 : vector<16xi32>
      tpu.vector_store_idx %arg6[%shift_right_logical3A_50, %and3A_52], %broadcast_in_dim3A_33 {add = true} : memref<80x128xf32, #tpu.memory_space<vmem>>[vector<16xi32>, vector<16xi32>], vector<16xf32>,
      %get3A_53 = arith.constant 16 : index
      %get3A_54 = tpu.vector_load %arg7[%get3A_53] {strides = array<i32>} : memref<80xi32, #tpu.memory_space<vmem>>, vector<16xi32>,
      %shift_right_logical3A_55 = arith.constant 7 : i32
      %shift_right_logical3A_56 = vector.broadcast %shift_right_logical3A_55 : i32 to vector<16xi32>
      %shift_right_logical3A_57 = arith.shrui %get3A_54, %shift_right_logical3A_56 : vector<16xi32>
      %and3A_58 = arith.constant 127 : i32
      %and3A_59 = vector.broadcast %and3A_58 : i32 to vector<16xi32>
      %and3A_60 = arith.andi %get3A_54, %and3A_59 : vector<16xi32>
      tpu.vector_store_idx %arg6[%shift_right_logical3A_57, %and3A_60], %broadcast_in_dim3A_33 {add = true} : memref<80x128xf32, #tpu.memory_space<vmem>>[vector<16xi32>, vector<16xi32>], vector<16xf32>,
      %get3A_61 = arith.constant 32 : index
      %get3A_62 = tpu.vector_load %arg7[%get3A_61] {strides = array<i32>} : memref<80xi32, #tpu.memory_space<vmem>>, vector<16xi32>,
      %shift_right_logical3A_63 = arith.constant 7 : i32
      %shift_right_logical3A_64 = vector.broadcast %shift_right_logical3A_63 : i32 to vector<16xi32>
      %shift_right_logical3A_65 = arith.shrui %get3A_62, %shift_right_logical3A_64 : vector<16xi32>
      %and3A_66 = arith.constant 127 : i32
      %and3A_67 = vector.broadcast %and3A_66 : i32 to vector<16xi32>
      %and3A_68 = arith.andi %get3A_62, %and3A_67 : vector<16xi32>
      tpu.vector_store_idx %arg6[%shift_right_logical3A_65, %and3A_68], %broadcast_in_dim3A_33 {add = true} : memref<80x128xf32, #tpu.memory_space<vmem>>[vector<16xi32>, vector<16xi32>], vector<16xf32>,
      %get3A_69 = arith.constant 48 : index
      %get3A_70 = tpu.vector_load %arg7[%get3A_69] {strides = array<i32>} : memref<80xi32, #tpu.memory_space<vmem>>, vector<16xi32>,
      %shift_right_logical3A_71 = arith.constant 7 : i32
      %shift_right_logical3A_72 = vector.broadcast %shift_right_logical3A_71 : i32 to vector<16xi32>
      %shift_right_logical3A_73 = arith.shrui %get3A_70, %shift_right_logical3A_72 : vector<16xi32>
      %and3A_74 = arith.constant 127 : i32
      %and3A_75 = vector.broadcast %and3A_74 : i32 to vector<16xi32>
      %and3A_76 = arith.andi %get3A_70, %and3A_75 : vector<16xi32>
      tpu.vector_store_idx %arg6[%shift_right_logical3A_73, %and3A_76], %broadcast_in_dim3A_33 {add = true} : memref<80x128xf32, #tpu.memory_space<vmem>>[vector<16xi32>, vector<16xi32>], vector<16xf32>,
      %get3A_77 = arith.constant 64 : index
      %get3A_78 = tpu.vector_load %arg7[%get3A_77] {strides = array<i32>} : memref<80xi32, #tpu.memory_space<vmem>>, vector<16xi32>,
      %shift_right_logical3A_79 = arith.constant 7 : i32
      %shift_right_logical3A_80 = vector.broadcast %shift_right_logical3A_79 : i32 to vector<16xi32>
      %shift_right_logical3A_81 = arith.shrui %get3A_78, %shift_right_logical3A_80 : vector<16xi32>
      %and3A_82 = arith.constant 127 : i32
      %and3A_83 = vector.broadcast %and3A_82 : i32 to vector<16xi32>
      %and3A_84 = arith.andi %get3A_78, %and3A_83 : vector<16xi32>
      tpu.vector_store_idx %arg6[%shift_right_logical3A_81, %and3A_84], %broadcast_in_dim3A_33 {add = true} : memref<80x128xf32, #tpu.memory_space<vmem>>[vector<16xi32>, vector<16xi32>], vector<16xf32>,
    }
    %scan3A_38 = arith.constant 125 : i32
    "tpu.region"() ({
      %run_scoped3A = tpu.sem_alloc : memref<!tpu.dma_semaphore, #tpu.memory_space<semaphore_mem>>
      %dma_start3A = arith.constant 0 : i32
      %dma_start3A_44 = arith.constant 0 : i32
      %dma_start3A_45 = tpu.memref_slice %arg5[%dma_start3A, %dma_start3A_44] : memref<80x128xf32, #tpu.memory_space<vmem_shared>> -> memref<80x128xf32, #tpu.memory_space<vmem_shared>>
      tpu.enqueue_indirect_dma source(%arg6 : memref<80x128xf32, #tpu.memory_space<vmem>>) target(%dma_start3A_45 : memref<80x128xf32, #tpu.memory_space<vmem_shared>>) offsets(%arg8 : memref<80xi32, #tpu.memory_space<vmem>>) semaphore(%run_scoped3A : memref<!tpu.dma_semaphore, #tpu.memory_space<semaphore_mem>>) {add = true}
      %dma_wait3A = arith.constant 0 : i32
      %dma_wait3A_46 = arith.constant 0 : i32
      %dma_wait3A_47 = tpu.memref_slice %arg5[%dma_wait3A, %dma_wait3A_46] : memref<80x128xf32, #tpu.memory_space<vmem_shared>> -> memref<80x128xf32, #tpu.memory_space<vmem_shared>>
      tpu.wait_indirect_dma semaphore(%run_scoped3A : memref<!tpu.dma_semaphore, #tpu.memory_space<semaphore_mem>>) src(%arg6 : memref<80x128xf32, #tpu.memory_space<vmem>>) dst(%dma_wait3A_47 : memref<80x128xf32, #tpu.memory_space<vmem_shared>>)
      tpu.yield
    }) : () -> ()
    %barrier3A_39 = arith.constant 0 : index
    tpu.barrier barrier_id(%barrier3A_39)
    %lt3A = arith.constant 10 : i32
    %lt3A_40 = arith.cmpi slt, %arg1, %lt3A : i32
    %convert_element_type3A_41 = arith.extui %lt3A_40 : i1 to i32
    %cond3A_42 = arith.constant 0 : i32
    %cond3A_43 = arith.cmpi ne, %convert_element_type3A_41, %cond3A_42 : i32
    scf.if %cond3A_43 {
      %mul3A_44 = arith.constant 8 : i32
      %mul3A_45 = arith.muli %arg1, %mul3A_44 : i32
      %mul3A_46 = arith.constant 8 : i32
      %mul3A_47 = arith.muli %arg1, %mul3A_46 : i32
      "tpu.region"() ({
        %run_scoped3A = tpu.sem_alloc : memref<!tpu.dma_semaphore, #tpu.memory_space<semaphore_mem>>
        %dma_start3A = arith.constant 0 : i32
        %dma_start3A_48 = tpu.memref_slice %arg4[%arg0, %mul3A_47, %dma_start3A] : memref<2x80x128xf32, #tpu.memory_space<hbm>> -> memref<1x8x128xf32, #tpu.memory_space<hbm>>
        %dma_start3A_49 = tpu.memref_squeeze %dma_start3A_48 : memref<1x8x128xf32, #tpu.memory_space<hbm>> -> memref<8x128xf32, #tpu.memory_space<hbm>>
        %dma_start3A_50 = arith.constant 0 : i32
        %dma_start3A_51 = tpu.memref_slice %arg5[%mul3A_45, %dma_start3A_50] : memref<80x128xf32, #tpu.memory_space<vmem_shared>> -> memref<8x128xf32, #tpu.memory_space<vmem_shared>>
        tpu.enqueue_dma source(%dma_start3A_51 : memref<8x128xf32, #tpu.memory_space<vmem_shared>>) target(%dma_start3A_49 : memref<8x128xf32, #tpu.memory_space<hbm>>) target_semaphore(%run_scoped3A : memref<!tpu.dma_semaphore, #tpu.memory_space<semaphore_mem>>)
        %dma_wait3A = arith.constant 0 : i32
        %dma_wait3A_52 = tpu.memref_slice %arg4[%arg0, %mul3A_47, %dma_wait3A] : memref<2x80x128xf32, #tpu.memory_space<hbm>> -> memref<1x8x128xf32, #tpu.memory_space<hbm>>
        %dma_wait3A_53 = tpu.memref_squeeze %dma_wait3A_52 : memref<1x8x128xf32, #tpu.memory_space<hbm>> -> memref<8x128xf32, #tpu.memory_space<hbm>>
        %dma_wait3A_54 = arith.constant 0 : i32
        %dma_wait3A_55 = tpu.memref_slice %arg5[%mul3A_45, %dma_wait3A_54] : memref<80x128xf32, #tpu.memory_space<vmem_shared>> -> memref<8x128xf32, #tpu.memory_space<vmem_shared>>
        tpu.wait_dma2 semaphore(%run_scoped3A : memref<!tpu.dma_semaphore, #tpu.memory_space<semaphore_mem>>) src(%dma_wait3A_55 : memref<8x128xf32, #tpu.memory_space<vmem_shared>>) dst(%dma_wait3A_53 : memref<8x128xf32, #tpu.memory_space<hbm>>)
        tpu.yield
      }) : () -> ()
    } else {
    }
    return
  }
}

#map = affine_map<(d0, d1) -> (0, 0)>
#map1 = affine_map<(d0, d1) -> (0, 0, 0)>
module attributes {stable_mosaic.version = 14 : i64} {
  func.func @edge_kernel(%arg0: i32, %arg1: i32, %arg2: memref<10240x128xf32, #tpu.memory_space<hbm>>, %arg3: memref<32x80x128xi32, #tpu.memory_space<hbm>>, %arg4: memref<32x80x128xi32, #tpu.memory_space<hbm>>, %arg5: memref<32x80x2048xf32, #tpu.memory_space<hbm>>, %arg6: memref<640x128xf32, #tpu.memory_space<hbm>>, %arg7: memref<2x10240x128xf32, #tpu.memory_space<hbm>>, %arg8: memref<10240x128xf32, #tpu.memory_space<vmem_shared>>, %arg9: memref<128xi32, #tpu.memory_space<vmem>>, %arg10: memref<128xi32, #tpu.memory_space<vmem>>, %arg11: memref<128x128xf32, #tpu.memory_space<vmem>>, %arg12: memref<128x128xf32, #tpu.memory_space<vmem>>, %arg13: memref<!tpu.dma_semaphore, #tpu.memory_space<semaphore_mem>>, %arg14: memref<!tpu.dma_semaphore, #tpu.memory_space<semaphore_mem>>, %arg15: memref<!tpu.dma_semaphore, #tpu.memory_space<semaphore_mem>>, %arg16: memref<!tpu.dma_semaphore, #tpu.memory_space<semaphore_mem>>, %arg17: memref<!tpu.dma_semaphore, #tpu.memory_space<semaphore_mem>>, %arg18: memref<!tpu.dma_semaphore, #tpu.memory_space<semaphore_mem>>, %arg19: memref<!tpu.dma_semaphore, #tpu.memory_space<semaphore_mem>>, %arg20: memref<!tpu.dma_semaphore, #tpu.memory_space<semaphore_mem>>, %arg21: memref<128xi32, #tpu.memory_space<vmem>>, %arg22: memref<128xi32, #tpu.memory_space<vmem>>, %arg23: memref<2048xf32, #tpu.memory_space<vmem>>, %arg24: memref<2048xf32, #tpu.memory_space<vmem>>) attributes {dimension_semantics = [#tpu.dimension_semantics<core_parallel>, #tpu.dimension_semantics<subcore_parallel>], iteration_bounds = array<i64: 2, 16>, scalar_prefetch = 0 : i64, scratch_operands = 17 : i64, tpu.core_type = #tpu.core_type<sc_vector_subcore>, window_params = [{transform_indices = #map}, {transform_indices = #map1}, {transform_indices = #map1}, {transform_indices = #map1}, {transform_indices = #map}, {transform_indices = #map1}]} {
    %mul3A = arith.constant 16 : i32
    %mul3A_0 = arith.muli %arg0, %mul3A : i32
    %add3A = arith.addi %mul3A_0, %arg1 : i32
    %mul3A_1 = arith.constant 640 : i32
    %mul3A_2 = arith.muli %arg1, %mul3A_1 : i32
    "tpu.region"() ({
      %run_scoped3A = tpu.sem_alloc : memref<!tpu.dma_semaphore, #tpu.memory_space<semaphore_mem>>
      %dma_start3A_215 = arith.constant 0 : i32
      %dma_start3A_216 = tpu.memref_slice %arg8[%mul3A_2, %dma_start3A_215] : memref<10240x128xf32, #tpu.memory_space<vmem_shared>> -> memref<640x128xf32, #tpu.memory_space<vmem_shared>>
      tpu.enqueue_dma source(%arg6 : memref<640x128xf32, #tpu.memory_space<hbm>>) target(%dma_start3A_216 : memref<640x128xf32, #tpu.memory_space<vmem_shared>>) target_semaphore(%run_scoped3A : memref<!tpu.dma_semaphore, #tpu.memory_space<semaphore_mem>>)
      %dma_wait3A_217 = arith.constant 0 : i32
      %dma_wait3A_218 = tpu.memref_slice %arg8[%mul3A_2, %dma_wait3A_217] : memref<10240x128xf32, #tpu.memory_space<vmem_shared>> -> memref<640x128xf32, #tpu.memory_space<vmem_shared>>
      tpu.wait_dma2 semaphore(%run_scoped3A : memref<!tpu.dma_semaphore, #tpu.memory_space<semaphore_mem>>) src(%arg6 : memref<640x128xf32, #tpu.memory_space<hbm>>) dst(%dma_wait3A_218 : memref<640x128xf32, #tpu.memory_space<vmem_shared>>)
      tpu.yield
    }) : () -> ()
    %barrier3A = arith.constant 0 : index
    tpu.barrier barrier_id(%barrier3A)
    %dma_start3A = arith.constant 0 : i32
    %dma_start3A_3 = arith.constant 0 : i32
    %dma_start3A_4 = tpu.memref_slice %arg3[%add3A, %dma_start3A, %dma_start3A_3] : memref<32x80x128xi32, #tpu.memory_space<hbm>> -> memref<1x1x128xi32, #tpu.memory_space<hbm>>
    %dma_start3A_5 = tpu.memref_squeeze %dma_start3A_4 : memref<1x1x128xi32, #tpu.memory_space<hbm>> -> memref<128xi32, #tpu.memory_space<hbm>>
    %dma_start3A_6 = arith.constant 0 : i32
    %dma_start3A_7 = tpu.memref_slice %arg3[%add3A, %dma_start3A, %dma_start3A_6] : memref<32x80x128xi32, #tpu.memory_space<hbm>> -> memref<1x1x128xi32, #tpu.memory_space<hbm>>
    %dma_start3A_8 = tpu.memref_squeeze %dma_start3A_7 : memref<1x1x128xi32, #tpu.memory_space<hbm>> -> memref<128xi32, #tpu.memory_space<hbm>>
    tpu.enqueue_dma source(%dma_start3A_8 : memref<128xi32, #tpu.memory_space<hbm>>) target(%arg21 : memref<128xi32, #tpu.memory_space<vmem>>) target_semaphore(%arg17 : memref<!tpu.dma_semaphore, #tpu.memory_space<semaphore_mem>>)
    %dma_start3A_9 = arith.constant 0 : i32
    %dma_start3A_10 = arith.constant 0 : i32
    %dma_start3A_11 = tpu.memref_slice %arg5[%add3A, %dma_start3A_9, %dma_start3A_10] : memref<32x80x2048xf32, #tpu.memory_space<hbm>> -> memref<1x1x2048xf32, #tpu.memory_space<hbm>>
    %dma_start3A_12 = tpu.memref_squeeze %dma_start3A_11 : memref<1x1x2048xf32, #tpu.memory_space<hbm>> -> memref<2048xf32, #tpu.memory_space<hbm>>
    %dma_start3A_13 = arith.constant 0 : i32
    %dma_start3A_14 = tpu.memref_slice %arg5[%add3A, %dma_start3A_9, %dma_start3A_13] : memref<32x80x2048xf32, #tpu.memory_space<hbm>> -> memref<1x1x2048xf32, #tpu.memory_space<hbm>>
    %dma_start3A_15 = tpu.memref_squeeze %dma_start3A_14 : memref<1x1x2048xf32, #tpu.memory_space<hbm>> -> memref<2048xf32, #tpu.memory_space<hbm>>
    tpu.enqueue_dma source(%dma_start3A_15 : memref<2048xf32, #tpu.memory_space<hbm>>) target(%arg23 : memref<2048xf32, #tpu.memory_space<vmem>>) target_semaphore(%arg17 : memref<!tpu.dma_semaphore, #tpu.memory_space<semaphore_mem>>)
    %dma_start3A_16 = arith.constant 1 : i32
    %dma_start3A_17 = arith.constant 0 : i32
    %dma_start3A_18 = tpu.memref_slice %arg3[%add3A, %dma_start3A_16, %dma_start3A_17] : memref<32x80x128xi32, #tpu.memory_space<hbm>> -> memref<1x1x128xi32, #tpu.memory_space<hbm>>
    %dma_start3A_19 = tpu.memref_squeeze %dma_start3A_18 : memref<1x1x128xi32, #tpu.memory_space<hbm>> -> memref<128xi32, #tpu.memory_space<hbm>>
    %dma_start3A_20 = arith.constant 0 : i32
    %dma_start3A_21 = tpu.memref_slice %arg3[%add3A, %dma_start3A_16, %dma_start3A_20] : memref<32x80x128xi32, #tpu.memory_space<hbm>> -> memref<1x1x128xi32, #tpu.memory_space<hbm>>
    %dma_start3A_22 = tpu.memref_squeeze %dma_start3A_21 : memref<1x1x128xi32, #tpu.memory_space<hbm>> -> memref<128xi32, #tpu.memory_space<hbm>>
    tpu.enqueue_dma source(%dma_start3A_22 : memref<128xi32, #tpu.memory_space<hbm>>) target(%arg22 : memref<128xi32, #tpu.memory_space<vmem>>) target_semaphore(%arg18 : memref<!tpu.dma_semaphore, #tpu.memory_space<semaphore_mem>>)
    %dma_start3A_23 = arith.constant 1 : i32
    %dma_start3A_24 = arith.constant 0 : i32
    %dma_start3A_25 = tpu.memref_slice %arg5[%add3A, %dma_start3A_23, %dma_start3A_24] : memref<32x80x2048xf32, #tpu.memory_space<hbm>> -> memref<1x1x2048xf32, #tpu.memory_space<hbm>>
    %dma_start3A_26 = tpu.memref_squeeze %dma_start3A_25 : memref<1x1x2048xf32, #tpu.memory_space<hbm>> -> memref<2048xf32, #tpu.memory_space<hbm>>
    %dma_start3A_27 = arith.constant 0 : i32
    %dma_start3A_28 = tpu.memref_slice %arg5[%add3A, %dma_start3A_23, %dma_start3A_27] : memref<32x80x2048xf32, #tpu.memory_space<hbm>> -> memref<1x1x2048xf32, #tpu.memory_space<hbm>>
    %dma_start3A_29 = tpu.memref_squeeze %dma_start3A_28 : memref<1x1x2048xf32, #tpu.memory_space<hbm>> -> memref<2048xf32, #tpu.memory_space<hbm>>
    tpu.enqueue_dma source(%dma_start3A_29 : memref<2048xf32, #tpu.memory_space<hbm>>) target(%arg24 : memref<2048xf32, #tpu.memory_space<vmem>>) target_semaphore(%arg18 : memref<!tpu.dma_semaphore, #tpu.memory_space<semaphore_mem>>)
    %dma_start3A_30 = arith.constant 0 : i32
    %dma_start3A_31 = arith.constant 0 : i32
    %dma_start3A_32 = tpu.memref_slice %arg4[%add3A, %dma_start3A_30, %dma_start3A_31] : memref<32x80x128xi32, #tpu.memory_space<hbm>> -> memref<1x1x128xi32, #tpu.memory_space<hbm>>
    %dma_start3A_33 = tpu.memref_squeeze %dma_start3A_32 : memref<1x1x128xi32, #tpu.memory_space<hbm>> -> memref<128xi32, #tpu.memory_space<hbm>>
    %dma_start3A_34 = arith.constant 0 : i32
    %dma_start3A_35 = tpu.memref_slice %arg4[%add3A, %dma_start3A_30, %dma_start3A_34] : memref<32x80x128xi32, #tpu.memory_space<hbm>> -> memref<1x1x128xi32, #tpu.memory_space<hbm>>
    %dma_start3A_36 = tpu.memref_squeeze %dma_start3A_35 : memref<1x1x128xi32, #tpu.memory_space<hbm>> -> memref<128xi32, #tpu.memory_space<hbm>>
    tpu.enqueue_dma source(%dma_start3A_36 : memref<128xi32, #tpu.memory_space<hbm>>) target(%arg9 : memref<128xi32, #tpu.memory_space<vmem>>) target_semaphore(%arg15 : memref<!tpu.dma_semaphore, #tpu.memory_space<semaphore_mem>>)
    %dma_start3A_37 = arith.constant 1 : i32
    %dma_start3A_38 = arith.constant 0 : i32
    %dma_start3A_39 = tpu.memref_slice %arg4[%add3A, %dma_start3A_37, %dma_start3A_38] : memref<32x80x128xi32, #tpu.memory_space<hbm>> -> memref<1x1x128xi32, #tpu.memory_space<hbm>>
    %dma_start3A_40 = tpu.memref_squeeze %dma_start3A_39 : memref<1x1x128xi32, #tpu.memory_space<hbm>> -> memref<128xi32, #tpu.memory_space<hbm>>
    %dma_start3A_41 = arith.constant 0 : i32
    %dma_start3A_42 = tpu.memref_slice %arg4[%add3A, %dma_start3A_37, %dma_start3A_41] : memref<32x80x128xi32, #tpu.memory_space<hbm>> -> memref<1x1x128xi32, #tpu.memory_space<hbm>>
    %dma_start3A_43 = tpu.memref_squeeze %dma_start3A_42 : memref<1x1x128xi32, #tpu.memory_space<hbm>> -> memref<128xi32, #tpu.memory_space<hbm>>
    tpu.enqueue_dma source(%dma_start3A_43 : memref<128xi32, #tpu.memory_space<hbm>>) target(%arg10 : memref<128xi32, #tpu.memory_space<vmem>>) target_semaphore(%arg16 : memref<!tpu.dma_semaphore, #tpu.memory_space<semaphore_mem>>)
    %dma_wait3A = arith.constant 0 : i32
    %dma_wait3A_44 = arith.constant 0 : i32
    %dma_wait3A_45 = tpu.memref_slice %arg3[%add3A, %dma_wait3A, %dma_wait3A_44] : memref<32x80x128xi32, #tpu.memory_space<hbm>> -> memref<1x1x128xi32, #tpu.memory_space<hbm>>
    %dma_wait3A_46 = tpu.memref_squeeze %dma_wait3A_45 : memref<1x1x128xi32, #tpu.memory_space<hbm>> -> memref<128xi32, #tpu.memory_space<hbm>>
    %dma_wait3A_47 = arith.constant 0 : i32
    %dma_wait3A_48 = tpu.memref_slice %arg3[%add3A, %dma_wait3A, %dma_wait3A_47] : memref<32x80x128xi32, #tpu.memory_space<hbm>> -> memref<1x1x128xi32, #tpu.memory_space<hbm>>
    %dma_wait3A_49 = tpu.memref_squeeze %dma_wait3A_48 : memref<1x1x128xi32, #tpu.memory_space<hbm>> -> memref<128xi32, #tpu.memory_space<hbm>>
    tpu.wait_dma2 semaphore(%arg17 : memref<!tpu.dma_semaphore, #tpu.memory_space<semaphore_mem>>) src(%dma_wait3A_49 : memref<128xi32, #tpu.memory_space<hbm>>) dst(%arg21 : memref<128xi32, #tpu.memory_space<vmem>>)
    %dma_wait3A_50 = arith.constant 0 : i32
    %dma_wait3A_51 = arith.constant 0 : i32
    %dma_wait3A_52 = tpu.memref_slice %arg5[%add3A, %dma_wait3A_50, %dma_wait3A_51] : memref<32x80x2048xf32, #tpu.memory_space<hbm>> -> memref<1x1x2048xf32, #tpu.memory_space<hbm>>
    %dma_wait3A_53 = tpu.memref_squeeze %dma_wait3A_52 : memref<1x1x2048xf32, #tpu.memory_space<hbm>> -> memref<2048xf32, #tpu.memory_space<hbm>>
    %dma_wait3A_54 = arith.constant 0 : i32
    %dma_wait3A_55 = tpu.memref_slice %arg5[%add3A, %dma_wait3A_50, %dma_wait3A_54] : memref<32x80x2048xf32, #tpu.memory_space<hbm>> -> memref<1x1x2048xf32, #tpu.memory_space<hbm>>
    %dma_wait3A_56 = tpu.memref_squeeze %dma_wait3A_55 : memref<1x1x2048xf32, #tpu.memory_space<hbm>> -> memref<2048xf32, #tpu.memory_space<hbm>>
    tpu.wait_dma2 semaphore(%arg17 : memref<!tpu.dma_semaphore, #tpu.memory_space<semaphore_mem>>) src(%dma_wait3A_56 : memref<2048xf32, #tpu.memory_space<hbm>>) dst(%arg23 : memref<2048xf32, #tpu.memory_space<vmem>>)
    %dma_start3A_57 = arith.constant 0 : i32
    %dma_start3A_58 = arith.constant 0 : i32
    %dma_start3A_59 = tpu.memref_slice %arg2[%dma_start3A_57, %dma_start3A_58] : memref<10240x128xf32, #tpu.memory_space<hbm>> -> memref<10240x128xf32, #tpu.memory_space<hbm>>
    tpu.enqueue_indirect_dma source(%dma_start3A_59 : memref<10240x128xf32, #tpu.memory_space<hbm>>) target(%arg11 : memref<128x128xf32, #tpu.memory_space<vmem>>) offsets(%arg21 : memref<128xi32, #tpu.memory_space<vmem>>) semaphore(%arg13 : memref<!tpu.dma_semaphore, #tpu.memory_space<semaphore_mem>>)
    %dma_wait3A_60 = arith.constant 0 : i32
    %dma_wait3A_61 = arith.constant 0 : i32
    %dma_wait3A_62 = tpu.memref_slice %arg2[%dma_wait3A_60, %dma_wait3A_61] : memref<10240x128xf32, #tpu.memory_space<hbm>> -> memref<128x128xf32, #tpu.memory_space<hbm>>
    %dma_wait3A_63 = arith.constant 0 : i32
    %dma_wait3A_64 = arith.constant 0 : i32
    %dma_wait3A_65 = tpu.memref_slice %arg2[%dma_wait3A_63, %dma_wait3A_64] : memref<10240x128xf32, #tpu.memory_space<hbm>> -> memref<128x128xf32, #tpu.memory_space<hbm>>
    tpu.wait_dma2 semaphore(%arg13 : memref<!tpu.dma_semaphore, #tpu.memory_space<semaphore_mem>>) src(%dma_wait3A_65 : memref<128x128xf32, #tpu.memory_space<hbm>>) dst(%arg11 : memref<128x128xf32, #tpu.memory_space<vmem>>)
    %dma_wait3A_66 = arith.constant 0 : i32
    %dma_wait3A_67 = arith.constant 0 : i32
    %dma_wait3A_68 = tpu.memref_slice %arg3[%add3A, %dma_wait3A_66, %dma_wait3A_67] : memref<32x80x128xi32, #tpu.memory_space<hbm>> -> memref<1x1x128xi32, #tpu.memory_space<hbm>>
    %dma_wait3A_69 = tpu.memref_squeeze %dma_wait3A_68 : memref<1x1x128xi32, #tpu.memory_space<hbm>> -> memref<128xi32, #tpu.memory_space<hbm>>
    %dma_wait3A_70 = arith.constant 0 : i32
    %dma_wait3A_71 = tpu.memref_slice %arg3[%add3A, %dma_wait3A_66, %dma_wait3A_70] : memref<32x80x128xi32, #tpu.memory_space<hbm>> -> memref<1x1x128xi32, #tpu.memory_space<hbm>>
    %dma_wait3A_72 = tpu.memref_squeeze %dma_wait3A_71 : memref<1x1x128xi32, #tpu.memory_space<hbm>> -> memref<128xi32, #tpu.memory_space<hbm>>
    tpu.wait_dma2 semaphore(%arg18 : memref<!tpu.dma_semaphore, #tpu.memory_space<semaphore_mem>>) src(%dma_wait3A_72 : memref<128xi32, #tpu.memory_space<hbm>>) dst(%arg22 : memref<128xi32, #tpu.memory_space<vmem>>)
    %dma_wait3A_73 = arith.constant 0 : i32
    %dma_wait3A_74 = arith.constant 0 : i32
    %dma_wait3A_75 = tpu.memref_slice %arg5[%add3A, %dma_wait3A_73, %dma_wait3A_74] : memref<32x80x2048xf32, #tpu.memory_space<hbm>> -> memref<1x1x2048xf32, #tpu.memory_space<hbm>>
    %dma_wait3A_76 = tpu.memref_squeeze %dma_wait3A_75 : memref<1x1x2048xf32, #tpu.memory_space<hbm>> -> memref<2048xf32, #tpu.memory_space<hbm>>
    %dma_wait3A_77 = arith.constant 0 : i32
    %dma_wait3A_78 = tpu.memref_slice %arg5[%add3A, %dma_wait3A_73, %dma_wait3A_77] : memref<32x80x2048xf32, #tpu.memory_space<hbm>> -> memref<1x1x2048xf32, #tpu.memory_space<hbm>>
    %dma_wait3A_79 = tpu.memref_squeeze %dma_wait3A_78 : memref<1x1x2048xf32, #tpu.memory_space<hbm>> -> memref<2048xf32, #tpu.memory_space<hbm>>
    tpu.wait_dma2 semaphore(%arg18 : memref<!tpu.dma_semaphore, #tpu.memory_space<semaphore_mem>>) src(%dma_wait3A_79 : memref<2048xf32, #tpu.memory_space<hbm>>) dst(%arg24 : memref<2048xf32, #tpu.memory_space<vmem>>)
    %dma_start3A_80 = arith.constant 0 : i32
    %dma_start3A_81 = arith.constant 0 : i32
    %dma_start3A_82 = tpu.memref_slice %arg2[%dma_start3A_80, %dma_start3A_81] : memref<10240x128xf32, #tpu.memory_space<hbm>> -> memref<10240x128xf32, #tpu.memory_space<hbm>>
    tpu.enqueue_indirect_dma source(%dma_start3A_82 : memref<10240x128xf32, #tpu.memory_space<hbm>>) target(%arg12 : memref<128x128xf32, #tpu.memory_space<vmem>>) offsets(%arg22 : memref<128xi32, #tpu.memory_space<vmem>>) semaphore(%arg14 : memref<!tpu.dma_semaphore, #tpu.memory_space<semaphore_mem>>)
    %min3A = arith.constant 2 : i32
    %min3A_83 = arith.constant 79 : i32
    %min3A_84 = arith.minsi %min3A, %min3A_83 : i32
    %dma_start3A_85 = arith.constant 0 : i32
    %dma_start3A_86 = tpu.memref_slice %arg3[%add3A, %min3A_84, %dma_start3A_85] : memref<32x80x128xi32, #tpu.memory_space<hbm>> -> memref<1x1x128xi32, #tpu.memory_space<hbm>>
    %dma_start3A_87 = tpu.memref_squeeze %dma_start3A_86 : memref<1x1x128xi32, #tpu.memory_space<hbm>> -> memref<128xi32, #tpu.memory_space<hbm>>
    %dma_start3A_88 = arith.constant 0 : i32
    %dma_start3A_89 = tpu.memref_slice %arg3[%add3A, %min3A_84, %dma_start3A_88] : memref<32x80x128xi32, #tpu.memory_space<hbm>> -> memref<1x1x128xi32, #tpu.memory_space<hbm>>
    %dma_start3A_90 = tpu.memref_squeeze %dma_start3A_89 : memref<1x1x128xi32, #tpu.memory_space<hbm>> -> memref<128xi32, #tpu.memory_space<hbm>>
    tpu.enqueue_dma source(%dma_start3A_90 : memref<128xi32, #tpu.memory_space<hbm>>) target(%arg21 : memref<128xi32, #tpu.memory_space<vmem>>) target_semaphore(%arg17 : memref<!tpu.dma_semaphore, #tpu.memory_space<semaphore_mem>>)
    %dma_start3A_91 = arith.constant 0 : i32
    %dma_start3A_92 = tpu.memref_slice %arg5[%add3A, %min3A_84, %dma_start3A_91] : memref<32x80x2048xf32, #tpu.memory_space<hbm>> -> memref<1x1x2048xf32, #tpu.memory_space<hbm>>
    %dma_start3A_93 = tpu.memref_squeeze %dma_start3A_92 : memref<1x1x2048xf32, #tpu.memory_space<hbm>> -> memref<2048xf32, #tpu.memory_space<hbm>>
    %dma_start3A_94 = arith.constant 0 : i32
    %dma_start3A_95 = tpu.memref_slice %arg5[%add3A, %min3A_84, %dma_start3A_94] : memref<32x80x2048xf32, #tpu.memory_space<hbm>> -> memref<1x1x2048xf32, #tpu.memory_space<hbm>>
    %dma_start3A_96 = tpu.memref_squeeze %dma_start3A_95 : memref<1x1x2048xf32, #tpu.memory_space<hbm>> -> memref<2048xf32, #tpu.memory_space<hbm>>
    tpu.enqueue_dma source(%dma_start3A_96 : memref<2048xf32, #tpu.memory_space<hbm>>) target(%arg23 : memref<2048xf32, #tpu.memory_space<vmem>>) target_semaphore(%arg17 : memref<!tpu.dma_semaphore, #tpu.memory_space<semaphore_mem>>)
    %dma_wait3A_97 = arith.constant 0 : i32
    %dma_wait3A_98 = arith.constant 0 : i32
    %dma_wait3A_99 = tpu.memref_slice %arg3[%add3A, %dma_wait3A_97, %dma_wait3A_98] : memref<32x80x128xi32, #tpu.memory_space<hbm>> -> memref<1x1x128xi32, #tpu.memory_space<hbm>>
    %dma_wait3A_100 = tpu.memref_squeeze %dma_wait3A_99 : memref<1x1x128xi32, #tpu.memory_space<hbm>> -> memref<128xi32, #tpu.memory_space<hbm>>
    %dma_wait3A_101 = arith.constant 0 : i32
    %dma_wait3A_102 = tpu.memref_slice %arg3[%add3A, %dma_wait3A_97, %dma_wait3A_101] : memref<32x80x128xi32, #tpu.memory_space<hbm>> -> memref<1x1x128xi32, #tpu.memory_space<hbm>>
    %dma_wait3A_103 = tpu.memref_squeeze %dma_wait3A_102 : memref<1x1x128xi32, #tpu.memory_space<hbm>> -> memref<128xi32, #tpu.memory_space<hbm>>
    tpu.wait_dma2 semaphore(%arg15 : memref<!tpu.dma_semaphore, #tpu.memory_space<semaphore_mem>>) src(%dma_wait3A_103 : memref<128xi32, #tpu.memory_space<hbm>>) dst(%arg9 : memref<128xi32, #tpu.memory_space<vmem>>)
    %dma_start3A_104 = arith.constant 0 : i32
    %dma_start3A_105 = arith.constant 0 : i32
    %dma_start3A_106 = tpu.memref_slice %arg8[%dma_start3A_104, %dma_start3A_105] : memref<10240x128xf32, #tpu.memory_space<vmem_shared>> -> memref<10240x128xf32, #tpu.memory_space<vmem_shared>>
    tpu.enqueue_indirect_dma source(%arg11 : memref<128x128xf32, #tpu.memory_space<vmem>>) target(%dma_start3A_106 : memref<10240x128xf32, #tpu.memory_space<vmem_shared>>) offsets(%arg9 : memref<128xi32, #tpu.memory_space<vmem>>) semaphore(%arg19 : memref<!tpu.dma_semaphore, #tpu.memory_space<semaphore_mem>>) {add = true}
    %scan3A = arith.constant 0 : i32
    %scan3A_107 = arith.constant 0 : i32
    %scan3A_108 = arith.constant 0 : i32
    %scan3A_109 = arith.constant 0 : i32
    %scan3A_110 = arith.constant 39 : i32
    %scan3A_111 = arith.addi %scan3A_109, %scan3A_110 : i32
    %scan3A_112 = arith.constant 1 : i32
    scf.for %scan3A_215 = %scan3A_109 to %scan3A_111 step %scan3A_112  : i32 {
      %mul3A_216 = arith.constant 2 : i32
      %mul3A_217 = arith.muli %mul3A_216, %scan3A_215 : i32
      %add3A_218 = arith.constant 1 : i32
      %add3A_219 = arith.addi %mul3A_217, %add3A_218 : i32
      %dma_wait3A_220 = arith.constant 0 : i32
      %dma_wait3A_221 = arith.constant 0 : i32
      %dma_wait3A_222 = tpu.memref_slice %arg2[%dma_wait3A_220, %dma_wait3A_221] : memref<10240x128xf32, #tpu.memory_space<hbm>> -> memref<128x128xf32, #tpu.memory_space<hbm>>
      %dma_wait3A_223 = arith.constant 0 : i32
      %dma_wait3A_224 = arith.constant 0 : i32
      %dma_wait3A_225 = tpu.memref_slice %arg2[%dma_wait3A_223, %dma_wait3A_224] : memref<10240x128xf32, #tpu.memory_space<hbm>> -> memref<128x128xf32, #tpu.memory_space<hbm>>
      tpu.wait_dma2 semaphore(%arg14 : memref<!tpu.dma_semaphore, #tpu.memory_space<semaphore_mem>>) src(%dma_wait3A_225 : memref<128x128xf32, #tpu.memory_space<hbm>>) dst(%arg12 : memref<128x128xf32, #tpu.memory_space<vmem>>)
      %dma_wait3A_226 = arith.constant 0 : i32
      %dma_wait3A_227 = arith.constant 0 : i32
      %dma_wait3A_228 = tpu.memref_slice %arg2[%dma_wait3A_226, %dma_wait3A_227] : memref<10240x128xf32, #tpu.memory_space<hbm>> -> memref<128x128xf32, #tpu.memory_space<hbm>>
      %dma_wait3A_229 = arith.constant 0 : i32
      %dma_wait3A_230 = arith.constant 0 : i32
      %dma_wait3A_231 = tpu.memref_slice %arg2[%dma_wait3A_229, %dma_wait3A_230] : memref<10240x128xf32, #tpu.memory_space<hbm>> -> memref<128x128xf32, #tpu.memory_space<hbm>>
      tpu.wait_dma2 semaphore(%arg19 : memref<!tpu.dma_semaphore, #tpu.memory_space<semaphore_mem>>) src(%dma_wait3A_231 : memref<128x128xf32, #tpu.memory_space<hbm>>) dst(%arg11 : memref<128x128xf32, #tpu.memory_space<vmem>>)
      %add3A_232 = arith.constant 1 : i32
      %add3A_233 = arith.addi %add3A_219, %add3A_232 : i32
      %min3A_234 = arith.constant 79 : i32
      %min3A_235 = arith.minsi %add3A_233, %min3A_234 : i32
      %dma_start3A_236 = arith.constant 0 : i32
      %dma_start3A_237 = tpu.memref_slice %arg4[%add3A, %min3A_235, %dma_start3A_236] : memref<32x80x128xi32, #tpu.memory_space<hbm>> -> memref<1x1x128xi32, #tpu.memory_space<hbm>>
      %dma_start3A_238 = tpu.memref_squeeze %dma_start3A_237 : memref<1x1x128xi32, #tpu.memory_space<hbm>> -> memref<128xi32, #tpu.memory_space<hbm>>
      %dma_start3A_239 = arith.constant 0 : i32
      %dma_start3A_240 = tpu.memref_slice %arg4[%add3A, %min3A_235, %dma_start3A_239] : memref<32x80x128xi32, #tpu.memory_space<hbm>> -> memref<1x1x128xi32, #tpu.memory_space<hbm>>
      %dma_start3A_241 = tpu.memref_squeeze %dma_start3A_240 : memref<1x1x128xi32, #tpu.memory_space<hbm>> -> memref<128xi32, #tpu.memory_space<hbm>>
      tpu.enqueue_dma source(%dma_start3A_241 : memref<128xi32, #tpu.memory_space<hbm>>) target(%arg9 : memref<128xi32, #tpu.memory_space<vmem>>) target_semaphore(%arg15 : memref<!tpu.dma_semaphore, #tpu.memory_space<semaphore_mem>>)
      %dma_wait3A_242 = arith.constant 0 : i32
      %dma_wait3A_243 = tpu.memref_slice %arg3[%add3A, %scan3A_107, %dma_wait3A_242] : memref<32x80x128xi32, #tpu.memory_space<hbm>> -> memref<1x1x128xi32, #tpu.memory_space<hbm>>
      %dma_wait3A_244 = tpu.memref_squeeze %dma_wait3A_243 : memref<1x1x128xi32, #tpu.memory_space<hbm>> -> memref<128xi32, #tpu.memory_space<hbm>>
      %dma_wait3A_245 = arith.constant 0 : i32
      %dma_wait3A_246 = tpu.memref_slice %arg3[%add3A, %scan3A_107, %dma_wait3A_245] : memref<32x80x128xi32, #tpu.memory_space<hbm>> -> memref<1x1x128xi32, #tpu.memory_space<hbm>>
      %dma_wait3A_247 = tpu.memref_squeeze %dma_wait3A_246 : memref<1x1x128xi32, #tpu.memory_space<hbm>> -> memref<128xi32, #tpu.memory_space<hbm>>
      tpu.wait_dma2 semaphore(%arg17 : memref<!tpu.dma_semaphore, #tpu.memory_space<semaphore_mem>>) src(%dma_wait3A_247 : memref<128xi32, #tpu.memory_space<hbm>>) dst(%arg21 : memref<128xi32, #tpu.memory_space<vmem>>)
      %dma_wait3A_248 = arith.constant 0 : i32
      %dma_wait3A_249 = tpu.memref_slice %arg5[%add3A, %scan3A_108, %dma_wait3A_248] : memref<32x80x2048xf32, #tpu.memory_space<hbm>> -> memref<1x1x2048xf32, #tpu.memory_space<hbm>>
      %dma_wait3A_250 = tpu.memref_squeeze %dma_wait3A_249 : memref<1x1x2048xf32, #tpu.memory_space<hbm>> -> memref<2048xf32, #tpu.memory_space<hbm>>
      %dma_wait3A_251 = arith.constant 0 : i32
      %dma_wait3A_252 = tpu.memref_slice %arg5[%add3A, %scan3A_108, %dma_wait3A_251] : memref<32x80x2048xf32, #tpu.memory_space<hbm>> -> memref<1x1x2048xf32, #tpu.memory_space<hbm>>
      %dma_wait3A_253 = tpu.memref_squeeze %dma_wait3A_252 : memref<1x1x2048xf32, #tpu.memory_space<hbm>> -> memref<2048xf32, #tpu.memory_space<hbm>>
      tpu.wait_dma2 semaphore(%arg17 : memref<!tpu.dma_semaphore, #tpu.memory_space<semaphore_mem>>) src(%dma_wait3A_253 : memref<2048xf32, #tpu.memory_space<hbm>>) dst(%arg23 : memref<2048xf32, #tpu.memory_space<vmem>>)
      %dma_start3A_254 = arith.constant 0 : i32
      %dma_start3A_255 = arith.constant 0 : i32
      %dma_start3A_256 = tpu.memref_slice %arg2[%dma_start3A_254, %dma_start3A_255] : memref<10240x128xf32, #tpu.memory_space<hbm>> -> memref<10240x128xf32, #tpu.memory_space<hbm>>
      tpu.enqueue_indirect_dma source(%dma_start3A_256 : memref<10240x128xf32, #tpu.memory_space<hbm>>) target(%arg11 : memref<128x128xf32, #tpu.memory_space<vmem>>) offsets(%arg21 : memref<128xi32, #tpu.memory_space<vmem>>) semaphore(%arg13 : memref<!tpu.dma_semaphore, #tpu.memory_space<semaphore_mem>>)
      %add3A_257 = arith.constant 2 : i32
      %add3A_258 = arith.addi %add3A_219, %add3A_257 : i32
      %min3A_259 = arith.constant 79 : i32
      %min3A_260 = arith.minsi %add3A_258, %min3A_259 : i32
      %dma_start3A_261 = arith.constant 0 : i32
      %dma_start3A_262 = tpu.memref_slice %arg3[%add3A, %min3A_260, %dma_start3A_261] : memref<32x80x128xi32, #tpu.memory_space<hbm>> -> memref<1x1x128xi32, #tpu.memory_space<hbm>>
      %dma_start3A_263 = tpu.memref_squeeze %dma_start3A_262 : memref<1x1x128xi32, #tpu.memory_space<hbm>> -> memref<128xi32, #tpu.memory_space<hbm>>
      %dma_start3A_264 = arith.constant 0 : i32
      %dma_start3A_265 = tpu.memref_slice %arg3[%add3A, %min3A_260, %dma_start3A_264] : memref<32x80x128xi32, #tpu.memory_space<hbm>> -> memref<1x1x128xi32, #tpu.memory_space<hbm>>
      %dma_start3A_266 = tpu.memref_squeeze %dma_start3A_265 : memref<1x1x128xi32, #tpu.memory_space<hbm>> -> memref<128xi32, #tpu.memory_space<hbm>>
      tpu.enqueue_dma source(%dma_start3A_266 : memref<128xi32, #tpu.memory_space<hbm>>) target(%arg22 : memref<128xi32, #tpu.memory_space<vmem>>) target_semaphore(%arg18 : memref<!tpu.dma_semaphore, #tpu.memory_space<semaphore_mem>>)
      %dma_start3A_267 = arith.constant 0 : i32
      %dma_start3A_268 = tpu.memref_slice %arg5[%add3A, %min3A_260, %dma_start3A_267] : memref<32x80x2048xf32, #tpu.memory_space<hbm>> -> memref<1x1x2048xf32, #tpu.memory_space<hbm>>
      %dma_start3A_269 = tpu.memref_squeeze %dma_start3A_268 : memref<1x1x2048xf32, #tpu.memory_space<hbm>> -> memref<2048xf32, #tpu.memory_space<hbm>>
      %dma_start3A_270 = arith.constant 0 : i32
      %dma_start3A_271 = tpu.memref_slice %arg5[%add3A, %min3A_260, %dma_start3A_270] : memref<32x80x2048xf32, #tpu.memory_space<hbm>> -> memref<1x1x2048xf32, #tpu.memory_space<hbm>>
      %dma_start3A_272 = tpu.memref_squeeze %dma_start3A_271 : memref<1x1x2048xf32, #tpu.memory_space<hbm>> -> memref<2048xf32, #tpu.memory_space<hbm>>
      tpu.enqueue_dma source(%dma_start3A_272 : memref<2048xf32, #tpu.memory_space<hbm>>) target(%arg24 : memref<2048xf32, #tpu.memory_space<vmem>>) target_semaphore(%arg18 : memref<!tpu.dma_semaphore, #tpu.memory_space<semaphore_mem>>)
      %dma_wait3A_273 = arith.constant 0 : i32
      %dma_wait3A_274 = tpu.memref_slice %arg3[%add3A, %scan3A_107, %dma_wait3A_273] : memref<32x80x128xi32, #tpu.memory_space<hbm>> -> memref<1x1x128xi32, #tpu.memory_space<hbm>>
      %dma_wait3A_275 = tpu.memref_squeeze %dma_wait3A_274 : memref<1x1x128xi32, #tpu.memory_space<hbm>> -> memref<128xi32, #tpu.memory_space<hbm>>
      %dma_wait3A_276 = arith.constant 0 : i32
      %dma_wait3A_277 = tpu.memref_slice %arg3[%add3A, %scan3A_107, %dma_wait3A_276] : memref<32x80x128xi32, #tpu.memory_space<hbm>> -> memref<1x1x128xi32, #tpu.memory_space<hbm>>
      %dma_wait3A_278 = tpu.memref_squeeze %dma_wait3A_277 : memref<1x1x128xi32, #tpu.memory_space<hbm>> -> memref<128xi32, #tpu.memory_space<hbm>>
      tpu.wait_dma2 semaphore(%arg16 : memref<!tpu.dma_semaphore, #tpu.memory_space<semaphore_mem>>) src(%dma_wait3A_278 : memref<128xi32, #tpu.memory_space<hbm>>) dst(%arg10 : memref<128xi32, #tpu.memory_space<vmem>>)
      %dma_start3A_279 = arith.constant 0 : i32
      %dma_start3A_280 = arith.constant 0 : i32
      %dma_start3A_281 = tpu.memref_slice %arg8[%dma_start3A_279, %dma_start3A_280] : memref<10240x128xf32, #tpu.memory_space<vmem_shared>> -> memref<10240x128xf32, #tpu.memory_space<vmem_shared>>
      tpu.enqueue_indirect_dma source(%arg12 : memref<128x128xf32, #tpu.memory_space<vmem>>) target(%dma_start3A_281 : memref<10240x128xf32, #tpu.memory_space<vmem_shared>>) offsets(%arg10 : memref<128xi32, #tpu.memory_space<vmem>>) semaphore(%arg20 : memref<!tpu.dma_semaphore, #tpu.memory_space<semaphore_mem>>) {add = true}
      %mul3A_282 = arith.constant 2 : i32
      %mul3A_283 = arith.muli %mul3A_282, %scan3A_215 : i32
      %add3A_284 = arith.constant 2 : i32
      %add3A_285 = arith.addi %mul3A_283, %add3A_284 : i32
      %dma_wait3A_286 = arith.constant 0 : i32
      %dma_wait3A_287 = arith.constant 0 : i32
      %dma_wait3A_288 = tpu.memref_slice %arg2[%dma_wait3A_286, %dma_wait3A_287] : memref<10240x128xf32, #tpu.memory_space<hbm>> -> memref<128x128xf32, #tpu.memory_space<hbm>>
      %dma_wait3A_289 = arith.constant 0 : i32
      %dma_wait3A_290 = arith.constant 0 : i32
      %dma_wait3A_291 = tpu.memref_slice %arg2[%dma_wait3A_289, %dma_wait3A_290] : memref<10240x128xf32, #tpu.memory_space<hbm>> -> memref<128x128xf32, #tpu.memory_space<hbm>>
      tpu.wait_dma2 semaphore(%arg13 : memref<!tpu.dma_semaphore, #tpu.memory_space<semaphore_mem>>) src(%dma_wait3A_291 : memref<128x128xf32, #tpu.memory_space<hbm>>) dst(%arg11 : memref<128x128xf32, #tpu.memory_space<vmem>>)
      %dma_wait3A_292 = arith.constant 0 : i32
      %dma_wait3A_293 = arith.constant 0 : i32
      %dma_wait3A_294 = tpu.memref_slice %arg2[%dma_wait3A_292, %dma_wait3A_293] : memref<10240x128xf32, #tpu.memory_space<hbm>> -> memref<128x128xf32, #tpu.memory_space<hbm>>
      %dma_wait3A_295 = arith.constant 0 : i32
      %dma_wait3A_296 = arith.constant 0 : i32
      %dma_wait3A_297 = tpu.memref_slice %arg2[%dma_wait3A_295, %dma_wait3A_296] : memref<10240x128xf32, #tpu.memory_space<hbm>> -> memref<128x128xf32, #tpu.memory_space<hbm>>
      tpu.wait_dma2 semaphore(%arg20 : memref<!tpu.dma_semaphore, #tpu.memory_space<semaphore_mem>>) src(%dma_wait3A_297 : memref<128x128xf32, #tpu.memory_space<hbm>>) dst(%arg12 : memref<128x128xf32, #tpu.memory_space<vmem>>)
      %add3A_298 = arith.constant 1 : i32
      %add3A_299 = arith.addi %add3A_285, %add3A_298 : i32
      %min3A_300 = arith.constant 79 : i32
      %min3A_301 = arith.minsi %add3A_299, %min3A_300 : i32
      %dma_start3A_302 = arith.constant 0 : i32
      %dma_start3A_303 = tpu.memref_slice %arg4[%add3A, %min3A_301, %dma_start3A_302] : memref<32x80x128xi32, #tpu.memory_space<hbm>> -> memref<1x1x128xi32, #tpu.memory_space<hbm>>
      %dma_start3A_304 = tpu.memref_squeeze %dma_start3A_303 : memref<1x1x128xi32, #tpu.memory_space<hbm>> -> memref<128xi32, #tpu.memory_space<hbm>>
      %dma_start3A_305 = arith.constant 0 : i32
      %dma_start3A_306 = tpu.memref_slice %arg4[%add3A, %min3A_301, %dma_start3A_305] : memref<32x80x128xi32, #tpu.memory_space<hbm>> -> memref<1x1x128xi32, #tpu.memory_space<hbm>>
      %dma_start3A_307 = tpu.memref_squeeze %dma_start3A_306 : memref<1x1x128xi32, #tpu.memory_space<hbm>> -> memref<128xi32, #tpu.memory_space<hbm>>
      tpu.enqueue_dma source(%dma_start3A_307 : memref<128xi32, #tpu.memory_space<hbm>>) target(%arg10 : memref<128xi32, #tpu.memory_space<vmem>>) target_semaphore(%arg16 : memref<!tpu.dma_semaphore, #tpu.memory_space<semaphore_mem>>)
      %dma_wait3A_308 = arith.constant 0 : i32
      %dma_wait3A_309 = tpu.memref_slice %arg3[%add3A, %scan3A_107, %dma_wait3A_308] : memref<32x80x128xi32, #tpu.memory_space<hbm>> -> memref<1x1x128xi32, #tpu.memory_space<hbm>>
      %dma_wait3A_310 = tpu.memref_squeeze %dma_wait3A_309 : memref<1x1x128xi32, #tpu.memory_space<hbm>> -> memref<128xi32, #tpu.memory_space<hbm>>
      %dma_wait3A_311 = arith.constant 0 : i32
      %dma_wait3A_312 = tpu.memref_slice %arg3[%add3A, %scan3A_107, %dma_wait3A_311] : memref<32x80x128xi32, #tpu.memory_space<hbm>> -> memref<1x1x128xi32, #tpu.memory_space<hbm>>
      %dma_wait3A_313 = tpu.memref_squeeze %dma_wait3A_312 : memref<1x1x128xi32, #tpu.memory_space<hbm>> -> memref<128xi32, #tpu.memory_space<hbm>>
      tpu.wait_dma2 semaphore(%arg18 : memref<!tpu.dma_semaphore, #tpu.memory_space<semaphore_mem>>) src(%dma_wait3A_313 : memref<128xi32, #tpu.memory_space<hbm>>) dst(%arg22 : memref<128xi32, #tpu.memory_space<vmem>>)
      %dma_wait3A_314 = arith.constant 0 : i32
      %dma_wait3A_315 = tpu.memref_slice %arg5[%add3A, %scan3A_108, %dma_wait3A_314] : memref<32x80x2048xf32, #tpu.memory_space<hbm>> -> memref<1x1x2048xf32, #tpu.memory_space<hbm>>
      %dma_wait3A_316 = tpu.memref_squeeze %dma_wait3A_315 : memref<1x1x2048xf32, #tpu.memory_space<hbm>> -> memref<2048xf32, #tpu.memory_space<hbm>>
      %dma_wait3A_317 = arith.constant 0 : i32
      %dma_wait3A_318 = tpu.memref_slice %arg5[%add3A, %scan3A_108, %dma_wait3A_317] : memref<32x80x2048xf32, #tpu.memory_space<hbm>> -> memref<1x1x2048xf32, #tpu.memory_space<hbm>>
      %dma_wait3A_319 = tpu.memref_squeeze %dma_wait3A_318 : memref<1x1x2048xf32, #tpu.memory_space<hbm>> -> memref<2048xf32, #tpu.memory_space<hbm>>
      tpu.wait_dma2 semaphore(%arg18 : memref<!tpu.dma_semaphore, #tpu.memory_space<semaphore_mem>>) src(%dma_wait3A_319 : memref<2048xf32, #tpu.memory_space<hbm>>) dst(%arg24 : memref<2048xf32, #tpu.memory_space<vmem>>)
      %dma_start3A_320 = arith.constant 0 : i32
      %dma_start3A_321 = arith.constant 0 : i32
      %dma_start3A_322 = tpu.memref_slice %arg2[%dma_start3A_320, %dma_start3A_321] : memref<10240x128xf32, #tpu.memory_space<hbm>> -> memref<10240x128xf32, #tpu.memory_space<hbm>>
      tpu.enqueue_indirect_dma source(%dma_start3A_322 : memref<10240x128xf32, #tpu.memory_space<hbm>>) target(%arg12 : memref<128x128xf32, #tpu.memory_space<vmem>>) offsets(%arg22 : memref<128xi32, #tpu.memory_space<vmem>>) semaphore(%arg14 : memref<!tpu.dma_semaphore, #tpu.memory_space<semaphore_mem>>)
      %add3A_323 = arith.constant 2 : i32
      %add3A_324 = arith.addi %add3A_285, %add3A_323 : i32
      %min3A_325 = arith.constant 79 : i32
      %min3A_326 = arith.minsi %add3A_324, %min3A_325 : i32
      %dma_start3A_327 = arith.constant 0 : i32
      %dma_start3A_328 = tpu.memref_slice %arg3[%add3A, %min3A_326, %dma_start3A_327] : memref<32x80x128xi32, #tpu.memory_space<hbm>> -> memref<1x1x128xi32, #tpu.memory_space<hbm>>
      %dma_start3A_329 = tpu.memref_squeeze %dma_start3A_328 : memref<1x1x128xi32, #tpu.memory_space<hbm>> -> memref<128xi32, #tpu.memory_space<hbm>>
      %dma_start3A_330 = arith.constant 0 : i32
      %dma_start3A_331 = tpu.memref_slice %arg3[%add3A, %min3A_326, %dma_start3A_330] : memref<32x80x128xi32, #tpu.memory_space<hbm>> -> memref<1x1x128xi32, #tpu.memory_space<hbm>>
      %dma_start3A_332 = tpu.memref_squeeze %dma_start3A_331 : memref<1x1x128xi32, #tpu.memory_space<hbm>> -> memref<128xi32, #tpu.memory_space<hbm>>
      tpu.enqueue_dma source(%dma_start3A_332 : memref<128xi32, #tpu.memory_space<hbm>>) target(%arg21 : memref<128xi32, #tpu.memory_space<vmem>>) target_semaphore(%arg17 : memref<!tpu.dma_semaphore, #tpu.memory_space<semaphore_mem>>)
      %dma_start3A_333 = arith.constant 0 : i32
      %dma_start3A_334 = tpu.memref_slice %arg5[%add3A, %min3A_326, %dma_start3A_333] : memref<32x80x2048xf32, #tpu.memory_space<hbm>> -> memref<1x1x2048xf32, #tpu.memory_space<hbm>>
      %dma_start3A_335 = tpu.memref_squeeze %dma_start3A_334 : memref<1x1x2048xf32, #tpu.memory_space<hbm>> -> memref<2048xf32, #tpu.memory_space<hbm>>
      %dma_start3A_336 = arith.constant 0 : i32
      %dma_start3A_337 = tpu.memref_slice %arg5[%add3A, %min3A_326, %dma_start3A_336] : memref<32x80x2048xf32, #tpu.memory_space<hbm>> -> memref<1x1x2048xf32, #tpu.memory_space<hbm>>
      %dma_start3A_338 = tpu.memref_squeeze %dma_start3A_337 : memref<1x1x2048xf32, #tpu.memory_space<hbm>> -> memref<2048xf32, #tpu.memory_space<hbm>>
      tpu.enqueue_dma source(%dma_start3A_338 : memref<2048xf32, #tpu.memory_space<hbm>>) target(%arg23 : memref<2048xf32, #tpu.memory_space<vmem>>) target_semaphore(%arg17 : memref<!tpu.dma_semaphore, #tpu.memory_space<semaphore_mem>>)
      %dma_wait3A_339 = arith.constant 0 : i32
      %dma_wait3A_340 = tpu.memref_slice %arg3[%add3A, %scan3A_107, %dma_wait3A_339] : memref<32x80x128xi32, #tpu.memory_space<hbm>> -> memref<1x1x128xi32, #tpu.memory_space<hbm>>
      %dma_wait3A_341 = tpu.memref_squeeze %dma_wait3A_340 : memref<1x1x128xi32, #tpu.memory_space<hbm>> -> memref<128xi32, #tpu.memory_space<hbm>>
      %dma_wait3A_342 = arith.constant 0 : i32
      %dma_wait3A_343 = tpu.memref_slice %arg3[%add3A, %scan3A_107, %dma_wait3A_342] : memref<32x80x128xi32, #tpu.memory_space<hbm>> -> memref<1x1x128xi32, #tpu.memory_space<hbm>>
      %dma_wait3A_344 = tpu.memref_squeeze %dma_wait3A_343 : memref<1x1x128xi32, #tpu.memory_space<hbm>> -> memref<128xi32, #tpu.memory_space<hbm>>
      tpu.wait_dma2 semaphore(%arg15 : memref<!tpu.dma_semaphore, #tpu.memory_space<semaphore_mem>>) src(%dma_wait3A_344 : memref<128xi32, #tpu.memory_space<hbm>>) dst(%arg9 : memref<128xi32, #tpu.memory_space<vmem>>)
      %dma_start3A_345 = arith.constant 0 : i32
      %dma_start3A_346 = arith.constant 0 : i32
      %dma_start3A_347 = tpu.memref_slice %arg8[%dma_start3A_345, %dma_start3A_346] : memref<10240x128xf32, #tpu.memory_space<vmem_shared>> -> memref<10240x128xf32, #tpu.memory_space<vmem_shared>>
      tpu.enqueue_indirect_dma source(%arg11 : memref<128x128xf32, #tpu.memory_space<vmem>>) target(%dma_start3A_347 : memref<10240x128xf32, #tpu.memory_space<vmem_shared>>) offsets(%arg9 : memref<128xi32, #tpu.memory_space<vmem>>) semaphore(%arg19 : memref<!tpu.dma_semaphore, #tpu.memory_space<semaphore_mem>>) {add = true}
    }
    %scan3A_113 = arith.constant 39 : i32
    %dma_wait3A_114 = arith.constant 0 : i32
    %dma_wait3A_115 = arith.constant 0 : i32
    %dma_wait3A_116 = tpu.memref_slice %arg2[%dma_wait3A_114, %dma_wait3A_115] : memref<10240x128xf32, #tpu.memory_space<hbm>> -> memref<128x128xf32, #tpu.memory_space<hbm>>
    %dma_wait3A_117 = arith.constant 0 : i32
    %dma_wait3A_118 = arith.constant 0 : i32
    %dma_wait3A_119 = tpu.memref_slice %arg2[%dma_wait3A_117, %dma_wait3A_118] : memref<10240x128xf32, #tpu.memory_space<hbm>> -> memref<128x128xf32, #tpu.memory_space<hbm>>
    tpu.wait_dma2 semaphore(%arg14 : memref<!tpu.dma_semaphore, #tpu.memory_space<semaphore_mem>>) src(%dma_wait3A_119 : memref<128x128xf32, #tpu.memory_space<hbm>>) dst(%arg12 : memref<128x128xf32, #tpu.memory_space<vmem>>)
    %dma_wait3A_120 = arith.constant 0 : i32
    %dma_wait3A_121 = arith.constant 0 : i32
    %dma_wait3A_122 = tpu.memref_slice %arg2[%dma_wait3A_120, %dma_wait3A_121] : memref<10240x128xf32, #tpu.memory_space<hbm>> -> memref<128x128xf32, #tpu.memory_space<hbm>>
    %dma_wait3A_123 = arith.constant 0 : i32
    %dma_wait3A_124 = arith.constant 0 : i32
    %dma_wait3A_125 = tpu.memref_slice %arg2[%dma_wait3A_123, %dma_wait3A_124] : memref<10240x128xf32, #tpu.memory_space<hbm>> -> memref<128x128xf32, #tpu.memory_space<hbm>>
    tpu.wait_dma2 semaphore(%arg19 : memref<!tpu.dma_semaphore, #tpu.memory_space<semaphore_mem>>) src(%dma_wait3A_125 : memref<128x128xf32, #tpu.memory_space<hbm>>) dst(%arg11 : memref<128x128xf32, #tpu.memory_space<vmem>>)
    %min3A_126 = arith.constant 80 : i32
    %min3A_127 = arith.constant 79 : i32
    %min3A_128 = arith.minsi %min3A_126, %min3A_127 : i32
    %dma_start3A_129 = arith.constant 0 : i32
    %dma_start3A_130 = tpu.memref_slice %arg4[%add3A, %min3A_128, %dma_start3A_129] : memref<32x80x128xi32, #tpu.memory_space<hbm>> -> memref<1x1x128xi32, #tpu.memory_space<hbm>>
    %dma_start3A_131 = tpu.memref_squeeze %dma_start3A_130 : memref<1x1x128xi32, #tpu.memory_space<hbm>> -> memref<128xi32, #tpu.memory_space<hbm>>
    %dma_start3A_132 = arith.constant 0 : i32
    %dma_start3A_133 = tpu.memref_slice %arg4[%add3A, %min3A_128, %dma_start3A_132] : memref<32x80x128xi32, #tpu.memory_space<hbm>> -> memref<1x1x128xi32, #tpu.memory_space<hbm>>
    %dma_start3A_134 = tpu.memref_squeeze %dma_start3A_133 : memref<1x1x128xi32, #tpu.memory_space<hbm>> -> memref<128xi32, #tpu.memory_space<hbm>>
    tpu.enqueue_dma source(%dma_start3A_134 : memref<128xi32, #tpu.memory_space<hbm>>) target(%arg9 : memref<128xi32, #tpu.memory_space<vmem>>) target_semaphore(%arg15 : memref<!tpu.dma_semaphore, #tpu.memory_space<semaphore_mem>>)
    %dma_wait3A_135 = arith.constant 0 : i32
    %dma_wait3A_136 = arith.constant 0 : i32
    %dma_wait3A_137 = tpu.memref_slice %arg3[%add3A, %dma_wait3A_135, %dma_wait3A_136] : memref<32x80x128xi32, #tpu.memory_space<hbm>> -> memref<1x1x128xi32, #tpu.memory_space<hbm>>
    %dma_wait3A_138 = tpu.memref_squeeze %dma_wait3A_137 : memref<1x1x128xi32, #tpu.memory_space<hbm>> -> memref<128xi32, #tpu.memory_space<hbm>>
    %dma_wait3A_139 = arith.constant 0 : i32
    %dma_wait3A_140 = tpu.memref_slice %arg3[%add3A, %dma_wait3A_135, %dma_wait3A_139] : memref<32x80x128xi32, #tpu.memory_space<hbm>> -> memref<1x1x128xi32, #tpu.memory_space<hbm>>
    %dma_wait3A_141 = tpu.memref_squeeze %dma_wait3A_140 : memref<1x1x128xi32, #tpu.memory_space<hbm>> -> memref<128xi32, #tpu.memory_space<hbm>>
    tpu.wait_dma2 semaphore(%arg17 : memref<!tpu.dma_semaphore, #tpu.memory_space<semaphore_mem>>) src(%dma_wait3A_141 : memref<128xi32, #tpu.memory_space<hbm>>) dst(%arg21 : memref<128xi32, #tpu.memory_space<vmem>>)
    %dma_wait3A_142 = arith.constant 0 : i32
    %dma_wait3A_143 = arith.constant 0 : i32
    %dma_wait3A_144 = tpu.memref_slice %arg5[%add3A, %dma_wait3A_142, %dma_wait3A_143] : memref<32x80x2048xf32, #tpu.memory_space<hbm>> -> memref<1x1x2048xf32, #tpu.memory_space<hbm>>
    %dma_wait3A_145 = tpu.memref_squeeze %dma_wait3A_144 : memref<1x1x2048xf32, #tpu.memory_space<hbm>> -> memref<2048xf32, #tpu.memory_space<hbm>>
    %dma_wait3A_146 = arith.constant 0 : i32
    %dma_wait3A_147 = tpu.memref_slice %arg5[%add3A, %dma_wait3A_142, %dma_wait3A_146] : memref<32x80x2048xf32, #tpu.memory_space<hbm>> -> memref<1x1x2048xf32, #tpu.memory_space<hbm>>
    %dma_wait3A_148 = tpu.memref_squeeze %dma_wait3A_147 : memref<1x1x2048xf32, #tpu.memory_space<hbm>> -> memref<2048xf32, #tpu.memory_space<hbm>>
    tpu.wait_dma2 semaphore(%arg17 : memref<!tpu.dma_semaphore, #tpu.memory_space<semaphore_mem>>) src(%dma_wait3A_148 : memref<2048xf32, #tpu.memory_space<hbm>>) dst(%arg23 : memref<2048xf32, #tpu.memory_space<vmem>>)
    %dma_start3A_149 = arith.constant 0 : i32
    %dma_start3A_150 = arith.constant 0 : i32
    %dma_start3A_151 = tpu.memref_slice %arg2[%dma_start3A_149, %dma_start3A_150] : memref<10240x128xf32, #tpu.memory_space<hbm>> -> memref<10240x128xf32, #tpu.memory_space<hbm>>
    tpu.enqueue_indirect_dma source(%dma_start3A_151 : memref<10240x128xf32, #tpu.memory_space<hbm>>) target(%arg11 : memref<128x128xf32, #tpu.memory_space<vmem>>) offsets(%arg21 : memref<128xi32, #tpu.memory_space<vmem>>) semaphore(%arg13 : memref<!tpu.dma_semaphore, #tpu.memory_space<semaphore_mem>>)
    %min3A_152 = arith.constant 81 : i32
    %min3A_153 = arith.constant 79 : i32
    %min3A_154 = arith.minsi %min3A_152, %min3A_153 : i32
    %dma_start3A_155 = arith.constant 0 : i32
    %dma_start3A_156 = tpu.memref_slice %arg3[%add3A, %min3A_154, %dma_start3A_155] : memref<32x80x128xi32, #tpu.memory_space<hbm>> -> memref<1x1x128xi32, #tpu.memory_space<hbm>>
    %dma_start3A_157 = tpu.memref_squeeze %dma_start3A_156 : memref<1x1x128xi32, #tpu.memory_space<hbm>> -> memref<128xi32, #tpu.memory_space<hbm>>
    %dma_start3A_158 = arith.constant 0 : i32
    %dma_start3A_159 = tpu.memref_slice %arg3[%add3A, %min3A_154, %dma_start3A_158] : memref<32x80x128xi32, #tpu.memory_space<hbm>> -> memref<1x1x128xi32, #tpu.memory_space<hbm>>
    %dma_start3A_160 = tpu.memref_squeeze %dma_start3A_159 : memref<1x1x128xi32, #tpu.memory_space<hbm>> -> memref<128xi32, #tpu.memory_space<hbm>>
    tpu.enqueue_dma source(%dma_start3A_160 : memref<128xi32, #tpu.memory_space<hbm>>) target(%arg22 : memref<128xi32, #tpu.memory_space<vmem>>) target_semaphore(%arg18 : memref<!tpu.dma_semaphore, #tpu.memory_space<semaphore_mem>>)
    %dma_start3A_161 = arith.constant 0 : i32
    %dma_start3A_162 = tpu.memref_slice %arg5[%add3A, %min3A_154, %dma_start3A_161] : memref<32x80x2048xf32, #tpu.memory_space<hbm>> -> memref<1x1x2048xf32, #tpu.memory_space<hbm>>
    %dma_start3A_163 = tpu.memref_squeeze %dma_start3A_162 : memref<1x1x2048xf32, #tpu.memory_space<hbm>> -> memref<2048xf32, #tpu.memory_space<hbm>>
    %dma_start3A_164 = arith.constant 0 : i32
    %dma_start3A_165 = tpu.memref_slice %arg5[%add3A, %min3A_154, %dma_start3A_164] : memref<32x80x2048xf32, #tpu.memory_space<hbm>> -> memref<1x1x2048xf32, #tpu.memory_space<hbm>>
    %dma_start3A_166 = tpu.memref_squeeze %dma_start3A_165 : memref<1x1x2048xf32, #tpu.memory_space<hbm>> -> memref<2048xf32, #tpu.memory_space<hbm>>
    tpu.enqueue_dma source(%dma_start3A_166 : memref<2048xf32, #tpu.memory_space<hbm>>) target(%arg24 : memref<2048xf32, #tpu.memory_space<vmem>>) target_semaphore(%arg18 : memref<!tpu.dma_semaphore, #tpu.memory_space<semaphore_mem>>)
    %dma_wait3A_167 = arith.constant 0 : i32
    %dma_wait3A_168 = arith.constant 0 : i32
    %dma_wait3A_169 = tpu.memref_slice %arg3[%add3A, %dma_wait3A_167, %dma_wait3A_168] : memref<32x80x128xi32, #tpu.memory_space<hbm>> -> memref<1x1x128xi32, #tpu.memory_space<hbm>>
    %dma_wait3A_170 = tpu.memref_squeeze %dma_wait3A_169 : memref<1x1x128xi32, #tpu.memory_space<hbm>> -> memref<128xi32, #tpu.memory_space<hbm>>
    %dma_wait3A_171 = arith.constant 0 : i32
    %dma_wait3A_172 = tpu.memref_slice %arg3[%add3A, %dma_wait3A_167, %dma_wait3A_171] : memref<32x80x128xi32, #tpu.memory_space<hbm>> -> memref<1x1x128xi32, #tpu.memory_space<hbm>>
    %dma_wait3A_173 = tpu.memref_squeeze %dma_wait3A_172 : memref<1x1x128xi32, #tpu.memory_space<hbm>> -> memref<128xi32, #tpu.memory_space<hbm>>
    tpu.wait_dma2 semaphore(%arg16 : memref<!tpu.dma_semaphore, #tpu.memory_space<semaphore_mem>>) src(%dma_wait3A_173 : memref<128xi32, #tpu.memory_space<hbm>>) dst(%arg10 : memref<128xi32, #tpu.memory_space<vmem>>)
    %dma_start3A_174 = arith.constant 0 : i32
    %dma_start3A_175 = arith.constant 0 : i32
    %dma_start3A_176 = tpu.memref_slice %arg8[%dma_start3A_174, %dma_start3A_175] : memref<10240x128xf32, #tpu.memory_space<vmem_shared>> -> memref<10240x128xf32, #tpu.memory_space<vmem_shared>>
    tpu.enqueue_indirect_dma source(%arg12 : memref<128x128xf32, #tpu.memory_space<vmem>>) target(%dma_start3A_176 : memref<10240x128xf32, #tpu.memory_space<vmem_shared>>) offsets(%arg10 : memref<128xi32, #tpu.memory_space<vmem>>) semaphore(%arg20 : memref<!tpu.dma_semaphore, #tpu.memory_space<semaphore_mem>>) {add = true}
    %dma_wait3A_177 = arith.constant 0 : i32
    %dma_wait3A_178 = arith.constant 0 : i32
    %dma_wait3A_179 = tpu.memref_slice %arg2[%dma_wait3A_177, %dma_wait3A_178] : memref<10240x128xf32, #tpu.memory_space<hbm>> -> memref<128x128xf32, #tpu.memory_space<hbm>>
    %dma_wait3A_180 = arith.constant 0 : i32
    %dma_wait3A_181 = arith.constant 0 : i32
    %dma_wait3A_182 = tpu.memref_slice %arg2[%dma_wait3A_180, %dma_wait3A_181] : memref<10240x128xf32, #tpu.memory_space<hbm>> -> memref<128x128xf32, #tpu.memory_space<hbm>>
    tpu.wait_dma2 semaphore(%arg13 : memref<!tpu.dma_semaphore, #tpu.memory_space<semaphore_mem>>) src(%dma_wait3A_182 : memref<128x128xf32, #tpu.memory_space<hbm>>) dst(%arg11 : memref<128x128xf32, #tpu.memory_space<vmem>>)
    %dma_wait3A_183 = arith.constant 0 : i32
    %dma_wait3A_184 = arith.constant 0 : i32
    %dma_wait3A_185 = tpu.memref_slice %arg2[%dma_wait3A_183, %dma_wait3A_184] : memref<10240x128xf32, #tpu.memory_space<hbm>> -> memref<128x128xf32, #tpu.memory_space<hbm>>
    %dma_wait3A_186 = arith.constant 0 : i32
    %dma_wait3A_187 = arith.constant 0 : i32
    %dma_wait3A_188 = tpu.memref_slice %arg2[%dma_wait3A_186, %dma_wait3A_187] : memref<10240x128xf32, #tpu.memory_space<hbm>> -> memref<128x128xf32, #tpu.memory_space<hbm>>
    tpu.wait_dma2 semaphore(%arg20 : memref<!tpu.dma_semaphore, #tpu.memory_space<semaphore_mem>>) src(%dma_wait3A_188 : memref<128x128xf32, #tpu.memory_space<hbm>>) dst(%arg12 : memref<128x128xf32, #tpu.memory_space<vmem>>)
    %dma_wait3A_189 = arith.constant 0 : i32
    %dma_wait3A_190 = arith.constant 0 : i32
    %dma_wait3A_191 = tpu.memref_slice %arg3[%add3A, %dma_wait3A_189, %dma_wait3A_190] : memref<32x80x128xi32, #tpu.memory_space<hbm>> -> memref<1x1x128xi32, #tpu.memory_space<hbm>>
    %dma_wait3A_192 = tpu.memref_squeeze %dma_wait3A_191 : memref<1x1x128xi32, #tpu.memory_space<hbm>> -> memref<128xi32, #tpu.memory_space<hbm>>
    %dma_wait3A_193 = arith.constant 0 : i32
    %dma_wait3A_194 = tpu.memref_slice %arg3[%add3A, %dma_wait3A_189, %dma_wait3A_193] : memref<32x80x128xi32, #tpu.memory_space<hbm>> -> memref<1x1x128xi32, #tpu.memory_space<hbm>>
    %dma_wait3A_195 = tpu.memref_squeeze %dma_wait3A_194 : memref<1x1x128xi32, #tpu.memory_space<hbm>> -> memref<128xi32, #tpu.memory_space<hbm>>
    tpu.wait_dma2 semaphore(%arg18 : memref<!tpu.dma_semaphore, #tpu.memory_space<semaphore_mem>>) src(%dma_wait3A_195 : memref<128xi32, #tpu.memory_space<hbm>>) dst(%arg22 : memref<128xi32, #tpu.memory_space<vmem>>)
    %dma_wait3A_196 = arith.constant 0 : i32
    %dma_wait3A_197 = arith.constant 0 : i32
    %dma_wait3A_198 = tpu.memref_slice %arg5[%add3A, %dma_wait3A_196, %dma_wait3A_197] : memref<32x80x2048xf32, #tpu.memory_space<hbm>> -> memref<1x1x2048xf32, #tpu.memory_space<hbm>>
    %dma_wait3A_199 = tpu.memref_squeeze %dma_wait3A_198 : memref<1x1x2048xf32, #tpu.memory_space<hbm>> -> memref<2048xf32, #tpu.memory_space<hbm>>
    %dma_wait3A_200 = arith.constant 0 : i32
    %dma_wait3A_201 = tpu.memref_slice %arg5[%add3A, %dma_wait3A_196, %dma_wait3A_200] : memref<32x80x2048xf32, #tpu.memory_space<hbm>> -> memref<1x1x2048xf32, #tpu.memory_space<hbm>>
    %dma_wait3A_202 = tpu.memref_squeeze %dma_wait3A_201 : memref<1x1x2048xf32, #tpu.memory_space<hbm>> -> memref<2048xf32, #tpu.memory_space<hbm>>
    tpu.wait_dma2 semaphore(%arg18 : memref<!tpu.dma_semaphore, #tpu.memory_space<semaphore_mem>>) src(%dma_wait3A_202 : memref<2048xf32, #tpu.memory_space<hbm>>) dst(%arg24 : memref<2048xf32, #tpu.memory_space<vmem>>)
    %dma_wait3A_203 = arith.constant 0 : i32
    %dma_wait3A_204 = arith.constant 0 : i32
    %dma_wait3A_205 = tpu.memref_slice %arg3[%add3A, %dma_wait3A_203, %dma_wait3A_204] : memref<32x80x128xi32, #tpu.memory_space<hbm>> -> memref<1x1x128xi32, #tpu.memory_space<hbm>>
    %dma_wait3A_206 = tpu.memref_squeeze %dma_wait3A_205 : memref<1x1x128xi32, #tpu.memory_space<hbm>> -> memref<128xi32, #tpu.memory_space<hbm>>
    %dma_wait3A_207 = arith.constant 0 : i32
    %dma_wait3A_208 = tpu.memref_slice %arg3[%add3A, %dma_wait3A_203, %dma_wait3A_207] : memref<32x80x128xi32, #tpu.memory_space<hbm>> -> memref<1x1x128xi32, #tpu.memory_space<hbm>>
    %dma_wait3A_209 = tpu.memref_squeeze %dma_wait3A_208 : memref<1x1x128xi32, #tpu.memory_space<hbm>> -> memref<128xi32, #tpu.memory_space<hbm>>
    tpu.wait_dma2 semaphore(%arg15 : memref<!tpu.dma_semaphore, #tpu.memory_space<semaphore_mem>>) src(%dma_wait3A_209 : memref<128xi32, #tpu.memory_space<hbm>>) dst(%arg9 : memref<128xi32, #tpu.memory_space<vmem>>)
    %barrier3A_210 = arith.constant 0 : index
    tpu.barrier barrier_id(%barrier3A_210)
    %mul3A_211 = arith.constant 640 : i32
    %mul3A_212 = arith.muli %arg1, %mul3A_211 : i32
    %mul3A_213 = arith.constant 640 : i32
    %mul3A_214 = arith.muli %arg1, %mul3A_213 : i32
    "tpu.region"() ({
      %run_scoped3A = tpu.sem_alloc : memref<!tpu.dma_semaphore, #tpu.memory_space<semaphore_mem>>
      %dma_start3A_215 = arith.constant 0 : i32
      %dma_start3A_216 = tpu.memref_slice %arg7[%arg0, %mul3A_214, %dma_start3A_215] : memref<2x10240x128xf32, #tpu.memory_space<hbm>> -> memref<1x640x128xf32, #tpu.memory_space<hbm>>
      %dma_start3A_217 = tpu.memref_squeeze %dma_start3A_216 : memref<1x640x128xf32, #tpu.memory_space<hbm>> -> memref<640x128xf32, #tpu.memory_space<hbm>>
      %dma_start3A_218 = arith.constant 0 : i32
      %dma_start3A_219 = tpu.memref_slice %arg8[%mul3A_212, %dma_start3A_218] : memref<10240x128xf32, #tpu.memory_space<vmem_shared>> -> memref<640x128xf32, #tpu.memory_space<vmem_shared>>
      tpu.enqueue_dma source(%dma_start3A_219 : memref<640x128xf32, #tpu.memory_space<vmem_shared>>) target(%dma_start3A_217 : memref<640x128xf32, #tpu.memory_space<hbm>>) target_semaphore(%run_scoped3A : memref<!tpu.dma_semaphore, #tpu.memory_space<semaphore_mem>>)
      %dma_wait3A_220 = arith.constant 0 : i32
      %dma_wait3A_221 = tpu.memref_slice %arg7[%arg0, %mul3A_214, %dma_wait3A_220] : memref<2x10240x128xf32, #tpu.memory_space<hbm>> -> memref<1x640x128xf32, #tpu.memory_space<hbm>>
      %dma_wait3A_222 = tpu.memref_squeeze %dma_wait3A_221 : memref<1x640x128xf32, #tpu.memory_space<hbm>> -> memref<640x128xf32, #tpu.memory_space<hbm>>
      %dma_wait3A_223 = arith.constant 0 : i32
      %dma_wait3A_224 = tpu.memref_slice %arg8[%mul3A_212, %dma_wait3A_223] : memref<10240x128xf32, #tpu.memory_space<vmem_shared>> -> memref<640x128xf32, #tpu.memory_space<vmem_shared>>
      tpu.wait_dma2 semaphore(%run_scoped3A : memref<!tpu.dma_semaphore, #tpu.memory_space<semaphore_mem>>) src(%dma_wait3A_224 : memref<640x128xf32, #tpu.memory_space<vmem_shared>>) dst(%dma_wait3A_222 : memref<640x128xf32, #tpu.memory_space<hbm>>)
      tpu.yield
    }) : () -> ()
    return
  }
}

#map = affine_map<(d0, d1) -> (0, 0)>
#map1 = affine_map<(d0, d1) -> (0, 0, 0)>
module attributes {stable_mosaic.version = 14 : i64} {
  func.func @edge_kernel(%arg0: i32, %arg1: i32, %arg2: memref<10240x128xf32, #tpu.memory_space<hbm>>, %arg3: memref<32x80x128xi32, #tpu.memory_space<hbm>>, %arg4: memref<32x80x128xi32, #tpu.memory_space<hbm>>, %arg5: memref<32x80x2048xf32, #tpu.memory_space<hbm>>, %arg6: memref<640x128xf32, #tpu.memory_space<hbm>>, %arg7: memref<2x10240x128xf32, #tpu.memory_space<hbm>>, %arg8: memref<10240x128xf32, #tpu.memory_space<vmem_shared>>, %arg9: memref<128xi32, #tpu.memory_space<vmem>>, %arg10: memref<128xi32, #tpu.memory_space<vmem>>, %arg11: memref<128x128xf32, #tpu.memory_space<vmem>>, %arg12: memref<128x128xf32, #tpu.memory_space<vmem>>, %arg13: memref<!tpu.dma_semaphore, #tpu.memory_space<semaphore_mem>>, %arg14: memref<!tpu.dma_semaphore, #tpu.memory_space<semaphore_mem>>, %arg15: memref<!tpu.dma_semaphore, #tpu.memory_space<semaphore_mem>>, %arg16: memref<!tpu.dma_semaphore, #tpu.memory_space<semaphore_mem>>, %arg17: memref<!tpu.dma_semaphore, #tpu.memory_space<semaphore_mem>>, %arg18: memref<!tpu.dma_semaphore, #tpu.memory_space<semaphore_mem>>, %arg19: memref<!tpu.dma_semaphore, #tpu.memory_space<semaphore_mem>>, %arg20: memref<!tpu.dma_semaphore, #tpu.memory_space<semaphore_mem>>, %arg21: memref<128xi32, #tpu.memory_space<vmem>>, %arg22: memref<128xi32, #tpu.memory_space<vmem>>, %arg23: memref<2048xf32, #tpu.memory_space<vmem>>, %arg24: memref<2048xf32, #tpu.memory_space<vmem>>) attributes {dimension_semantics = [#tpu.dimension_semantics<core_parallel>, #tpu.dimension_semantics<subcore_parallel>], iteration_bounds = array<i64: 2, 16>, scalar_prefetch = 0 : i64, scratch_operands = 17 : i64, tpu.core_type = #tpu.core_type<sc_vector_subcore>, window_params = [{transform_indices = #map}, {transform_indices = #map1}, {transform_indices = #map1}, {transform_indices = #map1}, {transform_indices = #map}, {transform_indices = #map1}]} {
    %mul3A = arith.constant 16 : i32
    %mul3A_0 = arith.muli %arg0, %mul3A : i32
    %add3A = arith.addi %mul3A_0, %arg1 : i32
    %mul3A_1 = arith.constant 640 : i32
    %mul3A_2 = arith.muli %arg1, %mul3A_1 : i32
    "tpu.region"() ({
      %run_scoped3A = tpu.sem_alloc : memref<!tpu.dma_semaphore, #tpu.memory_space<semaphore_mem>>
      %dma_start3A_215 = arith.constant 0 : i32
      %dma_start3A_216 = tpu.memref_slice %arg8[%mul3A_2, %dma_start3A_215] : memref<10240x128xf32, #tpu.memory_space<vmem_shared>> -> memref<640x128xf32, #tpu.memory_space<vmem_shared>>
      tpu.enqueue_dma source(%arg6 : memref<640x128xf32, #tpu.memory_space<hbm>>) target(%dma_start3A_216 : memref<640x128xf32, #tpu.memory_space<vmem_shared>>) target_semaphore(%run_scoped3A : memref<!tpu.dma_semaphore, #tpu.memory_space<semaphore_mem>>)
      %dma_wait3A_217 = arith.constant 0 : i32
      %dma_wait3A_218 = tpu.memref_slice %arg8[%mul3A_2, %dma_wait3A_217] : memref<10240x128xf32, #tpu.memory_space<vmem_shared>> -> memref<640x128xf32, #tpu.memory_space<vmem_shared>>
      tpu.wait_dma2 semaphore(%run_scoped3A : memref<!tpu.dma_semaphore, #tpu.memory_space<semaphore_mem>>) src(%arg6 : memref<640x128xf32, #tpu.memory_space<hbm>>) dst(%dma_wait3A_218 : memref<640x128xf32, #tpu.memory_space<vmem_shared>>)
      tpu.yield
    }) : () -> ()
    %barrier3A = arith.constant 0 : index
    tpu.barrier barrier_id(%barrier3A)
    %dma_start3A = arith.constant 0 : i32
    %dma_start3A_3 = arith.constant 0 : i32
    %dma_start3A_4 = tpu.memref_slice %arg3[%add3A, %dma_start3A, %dma_start3A_3] : memref<32x80x128xi32, #tpu.memory_space<hbm>> -> memref<1x1x128xi32, #tpu.memory_space<hbm>>
    %dma_start3A_5 = tpu.memref_squeeze %dma_start3A_4 : memref<1x1x128xi32, #tpu.memory_space<hbm>> -> memref<128xi32, #tpu.memory_space<hbm>>
    %dma_start3A_6 = arith.constant 0 : i32
    %dma_start3A_7 = tpu.memref_slice %arg3[%add3A, %dma_start3A, %dma_start3A_6] : memref<32x80x128xi32, #tpu.memory_space<hbm>> -> memref<1x1x128xi32, #tpu.memory_space<hbm>>
    %dma_start3A_8 = tpu.memref_squeeze %dma_start3A_7 : memref<1x1x128xi32, #tpu.memory_space<hbm>> -> memref<128xi32, #tpu.memory_space<hbm>>
    tpu.enqueue_dma source(%dma_start3A_8 : memref<128xi32, #tpu.memory_space<hbm>>) target(%arg21 : memref<128xi32, #tpu.memory_space<vmem>>) target_semaphore(%arg17 : memref<!tpu.dma_semaphore, #tpu.memory_space<semaphore_mem>>)
    %dma_start3A_9 = arith.constant 0 : i32
    %dma_start3A_10 = arith.constant 0 : i32
    %dma_start3A_11 = tpu.memref_slice %arg5[%add3A, %dma_start3A_9, %dma_start3A_10] : memref<32x80x2048xf32, #tpu.memory_space<hbm>> -> memref<1x1x2048xf32, #tpu.memory_space<hbm>>
    %dma_start3A_12 = tpu.memref_squeeze %dma_start3A_11 : memref<1x1x2048xf32, #tpu.memory_space<hbm>> -> memref<2048xf32, #tpu.memory_space<hbm>>
    %dma_start3A_13 = arith.constant 0 : i32
    %dma_start3A_14 = tpu.memref_slice %arg5[%add3A, %dma_start3A_9, %dma_start3A_13] : memref<32x80x2048xf32, #tpu.memory_space<hbm>> -> memref<1x1x2048xf32, #tpu.memory_space<hbm>>
    %dma_start3A_15 = tpu.memref_squeeze %dma_start3A_14 : memref<1x1x2048xf32, #tpu.memory_space<hbm>> -> memref<2048xf32, #tpu.memory_space<hbm>>
    tpu.enqueue_dma source(%dma_start3A_15 : memref<2048xf32, #tpu.memory_space<hbm>>) target(%arg23 : memref<2048xf32, #tpu.memory_space<vmem>>) target_semaphore(%arg17 : memref<!tpu.dma_semaphore, #tpu.memory_space<semaphore_mem>>)
    %dma_start3A_16 = arith.constant 1 : i32
    %dma_start3A_17 = arith.constant 0 : i32
    %dma_start3A_18 = tpu.memref_slice %arg3[%add3A, %dma_start3A_16, %dma_start3A_17] : memref<32x80x128xi32, #tpu.memory_space<hbm>> -> memref<1x1x128xi32, #tpu.memory_space<hbm>>
    %dma_start3A_19 = tpu.memref_squeeze %dma_start3A_18 : memref<1x1x128xi32, #tpu.memory_space<hbm>> -> memref<128xi32, #tpu.memory_space<hbm>>
    %dma_start3A_20 = arith.constant 0 : i32
    %dma_start3A_21 = tpu.memref_slice %arg3[%add3A, %dma_start3A_16, %dma_start3A_20] : memref<32x80x128xi32, #tpu.memory_space<hbm>> -> memref<1x1x128xi32, #tpu.memory_space<hbm>>
    %dma_start3A_22 = tpu.memref_squeeze %dma_start3A_21 : memref<1x1x128xi32, #tpu.memory_space<hbm>> -> memref<128xi32, #tpu.memory_space<hbm>>
    tpu.enqueue_dma source(%dma_start3A_22 : memref<128xi32, #tpu.memory_space<hbm>>) target(%arg22 : memref<128xi32, #tpu.memory_space<vmem>>) target_semaphore(%arg18 : memref<!tpu.dma_semaphore, #tpu.memory_space<semaphore_mem>>)
    %dma_start3A_23 = arith.constant 1 : i32
    %dma_start3A_24 = arith.constant 0 : i32
    %dma_start3A_25 = tpu.memref_slice %arg5[%add3A, %dma_start3A_23, %dma_start3A_24] : memref<32x80x2048xf32, #tpu.memory_space<hbm>> -> memref<1x1x2048xf32, #tpu.memory_space<hbm>>
    %dma_start3A_26 = tpu.memref_squeeze %dma_start3A_25 : memref<1x1x2048xf32, #tpu.memory_space<hbm>> -> memref<2048xf32, #tpu.memory_space<hbm>>
    %dma_start3A_27 = arith.constant 0 : i32
    %dma_start3A_28 = tpu.memref_slice %arg5[%add3A, %dma_start3A_23, %dma_start3A_27] : memref<32x80x2048xf32, #tpu.memory_space<hbm>> -> memref<1x1x2048xf32, #tpu.memory_space<hbm>>
    %dma_start3A_29 = tpu.memref_squeeze %dma_start3A_28 : memref<1x1x2048xf32, #tpu.memory_space<hbm>> -> memref<2048xf32, #tpu.memory_space<hbm>>
    tpu.enqueue_dma source(%dma_start3A_29 : memref<2048xf32, #tpu.memory_space<hbm>>) target(%arg24 : memref<2048xf32, #tpu.memory_space<vmem>>) target_semaphore(%arg18 : memref<!tpu.dma_semaphore, #tpu.memory_space<semaphore_mem>>)
    %dma_start3A_30 = arith.constant 0 : i32
    %dma_start3A_31 = arith.constant 0 : i32
    %dma_start3A_32 = tpu.memref_slice %arg4[%add3A, %dma_start3A_30, %dma_start3A_31] : memref<32x80x128xi32, #tpu.memory_space<hbm>> -> memref<1x1x128xi32, #tpu.memory_space<hbm>>
    %dma_start3A_33 = tpu.memref_squeeze %dma_start3A_32 : memref<1x1x128xi32, #tpu.memory_space<hbm>> -> memref<128xi32, #tpu.memory_space<hbm>>
    %dma_start3A_34 = arith.constant 0 : i32
    %dma_start3A_35 = tpu.memref_slice %arg4[%add3A, %dma_start3A_30, %dma_start3A_34] : memref<32x80x128xi32, #tpu.memory_space<hbm>> -> memref<1x1x128xi32, #tpu.memory_space<hbm>>
    %dma_start3A_36 = tpu.memref_squeeze %dma_start3A_35 : memref<1x1x128xi32, #tpu.memory_space<hbm>> -> memref<128xi32, #tpu.memory_space<hbm>>
    tpu.enqueue_dma source(%dma_start3A_36 : memref<128xi32, #tpu.memory_space<hbm>>) target(%arg9 : memref<128xi32, #tpu.memory_space<vmem>>) target_semaphore(%arg15 : memref<!tpu.dma_semaphore, #tpu.memory_space<semaphore_mem>>)
    %dma_start3A_37 = arith.constant 1 : i32
    %dma_start3A_38 = arith.constant 0 : i32
    %dma_start3A_39 = tpu.memref_slice %arg4[%add3A, %dma_start3A_37, %dma_start3A_38] : memref<32x80x128xi32, #tpu.memory_space<hbm>> -> memref<1x1x128xi32, #tpu.memory_space<hbm>>
    %dma_start3A_40 = tpu.memref_squeeze %dma_start3A_39 : memref<1x1x128xi32, #tpu.memory_space<hbm>> -> memref<128xi32, #tpu.memory_space<hbm>>
    %dma_start3A_41 = arith.constant 0 : i32
    %dma_start3A_42 = tpu.memref_slice %arg4[%add3A, %dma_start3A_37, %dma_start3A_41] : memref<32x80x128xi32, #tpu.memory_space<hbm>> -> memref<1x1x128xi32, #tpu.memory_space<hbm>>
    %dma_start3A_43 = tpu.memref_squeeze %dma_start3A_42 : memref<1x1x128xi32, #tpu.memory_space<hbm>> -> memref<128xi32, #tpu.memory_space<hbm>>
    tpu.enqueue_dma source(%dma_start3A_43 : memref<128xi32, #tpu.memory_space<hbm>>) target(%arg10 : memref<128xi32, #tpu.memory_space<vmem>>) target_semaphore(%arg16 : memref<!tpu.dma_semaphore, #tpu.memory_space<semaphore_mem>>)
    %dma_wait3A = arith.constant 0 : i32
    %dma_wait3A_44 = arith.constant 0 : i32
    %dma_wait3A_45 = tpu.memref_slice %arg3[%add3A, %dma_wait3A, %dma_wait3A_44] : memref<32x80x128xi32, #tpu.memory_space<hbm>> -> memref<1x1x128xi32, #tpu.memory_space<hbm>>
    %dma_wait3A_46 = tpu.memref_squeeze %dma_wait3A_45 : memref<1x1x128xi32, #tpu.memory_space<hbm>> -> memref<128xi32, #tpu.memory_space<hbm>>
    %dma_wait3A_47 = arith.constant 0 : i32
    %dma_wait3A_48 = tpu.memref_slice %arg3[%add3A, %dma_wait3A, %dma_wait3A_47] : memref<32x80x128xi32, #tpu.memory_space<hbm>> -> memref<1x1x128xi32, #tpu.memory_space<hbm>>
    %dma_wait3A_49 = tpu.memref_squeeze %dma_wait3A_48 : memref<1x1x128xi32, #tpu.memory_space<hbm>> -> memref<128xi32, #tpu.memory_space<hbm>>
    tpu.wait_dma2 semaphore(%arg17 : memref<!tpu.dma_semaphore, #tpu.memory_space<semaphore_mem>>) src(%dma_wait3A_49 : memref<128xi32, #tpu.memory_space<hbm>>) dst(%arg21 : memref<128xi32, #tpu.memory_space<vmem>>)
    %dma_wait3A_50 = arith.constant 0 : i32
    %dma_wait3A_51 = arith.constant 0 : i32
    %dma_wait3A_52 = tpu.memref_slice %arg5[%add3A, %dma_wait3A_50, %dma_wait3A_51] : memref<32x80x2048xf32, #tpu.memory_space<hbm>> -> memref<1x1x2048xf32, #tpu.memory_space<hbm>>
    %dma_wait3A_53 = tpu.memref_squeeze %dma_wait3A_52 : memref<1x1x2048xf32, #tpu.memory_space<hbm>> -> memref<2048xf32, #tpu.memory_space<hbm>>
    %dma_wait3A_54 = arith.constant 0 : i32
    %dma_wait3A_55 = tpu.memref_slice %arg5[%add3A, %dma_wait3A_50, %dma_wait3A_54] : memref<32x80x2048xf32, #tpu.memory_space<hbm>> -> memref<1x1x2048xf32, #tpu.memory_space<hbm>>
    %dma_wait3A_56 = tpu.memref_squeeze %dma_wait3A_55 : memref<1x1x2048xf32, #tpu.memory_space<hbm>> -> memref<2048xf32, #tpu.memory_space<hbm>>
    tpu.wait_dma2 semaphore(%arg17 : memref<!tpu.dma_semaphore, #tpu.memory_space<semaphore_mem>>) src(%dma_wait3A_56 : memref<2048xf32, #tpu.memory_space<hbm>>) dst(%arg23 : memref<2048xf32, #tpu.memory_space<vmem>>)
    %dma_start3A_57 = arith.constant 0 : i32
    %dma_start3A_58 = arith.constant 0 : i32
    %dma_start3A_59 = tpu.memref_slice %arg2[%dma_start3A_57, %dma_start3A_58] : memref<10240x128xf32, #tpu.memory_space<hbm>> -> memref<10240x128xf32, #tpu.memory_space<hbm>>
    tpu.enqueue_indirect_dma source(%dma_start3A_59 : memref<10240x128xf32, #tpu.memory_space<hbm>>) target(%arg11 : memref<128x128xf32, #tpu.memory_space<vmem>>) offsets(%arg21 : memref<128xi32, #tpu.memory_space<vmem>>) semaphore(%arg13 : memref<!tpu.dma_semaphore, #tpu.memory_space<semaphore_mem>>)
    %dma_wait3A_60 = arith.constant 0 : i32
    %dma_wait3A_61 = arith.constant 0 : i32
    %dma_wait3A_62 = tpu.memref_slice %arg2[%dma_wait3A_60, %dma_wait3A_61] : memref<10240x128xf32, #tpu.memory_space<hbm>> -> memref<128x128xf32, #tpu.memory_space<hbm>>
    %dma_wait3A_63 = arith.constant 0 : i32
    %dma_wait3A_64 = arith.constant 0 : i32
    %dma_wait3A_65 = tpu.memref_slice %arg2[%dma_wait3A_63, %dma_wait3A_64] : memref<10240x128xf32, #tpu.memory_space<hbm>> -> memref<128x128xf32, #tpu.memory_space<hbm>>
    tpu.wait_dma2 semaphore(%arg13 : memref<!tpu.dma_semaphore, #tpu.memory_space<semaphore_mem>>) src(%dma_wait3A_65 : memref<128x128xf32, #tpu.memory_space<hbm>>) dst(%arg11 : memref<128x128xf32, #tpu.memory_space<vmem>>)
    %dma_wait3A_66 = arith.constant 0 : i32
    %dma_wait3A_67 = arith.constant 0 : i32
    %dma_wait3A_68 = tpu.memref_slice %arg3[%add3A, %dma_wait3A_66, %dma_wait3A_67] : memref<32x80x128xi32, #tpu.memory_space<hbm>> -> memref<1x1x128xi32, #tpu.memory_space<hbm>>
    %dma_wait3A_69 = tpu.memref_squeeze %dma_wait3A_68 : memref<1x1x128xi32, #tpu.memory_space<hbm>> -> memref<128xi32, #tpu.memory_space<hbm>>
    %dma_wait3A_70 = arith.constant 0 : i32
    %dma_wait3A_71 = tpu.memref_slice %arg3[%add3A, %dma_wait3A_66, %dma_wait3A_70] : memref<32x80x128xi32, #tpu.memory_space<hbm>> -> memref<1x1x128xi32, #tpu.memory_space<hbm>>
    %dma_wait3A_72 = tpu.memref_squeeze %dma_wait3A_71 : memref<1x1x128xi32, #tpu.memory_space<hbm>> -> memref<128xi32, #tpu.memory_space<hbm>>
    tpu.wait_dma2 semaphore(%arg18 : memref<!tpu.dma_semaphore, #tpu.memory_space<semaphore_mem>>) src(%dma_wait3A_72 : memref<128xi32, #tpu.memory_space<hbm>>) dst(%arg22 : memref<128xi32, #tpu.memory_space<vmem>>)
    %dma_wait3A_73 = arith.constant 0 : i32
    %dma_wait3A_74 = arith.constant 0 : i32
    %dma_wait3A_75 = tpu.memref_slice %arg5[%add3A, %dma_wait3A_73, %dma_wait3A_74] : memref<32x80x2048xf32, #tpu.memory_space<hbm>> -> memref<1x1x2048xf32, #tpu.memory_space<hbm>>
    %dma_wait3A_76 = tpu.memref_squeeze %dma_wait3A_75 : memref<1x1x2048xf32, #tpu.memory_space<hbm>> -> memref<2048xf32, #tpu.memory_space<hbm>>
    %dma_wait3A_77 = arith.constant 0 : i32
    %dma_wait3A_78 = tpu.memref_slice %arg5[%add3A, %dma_wait3A_73, %dma_wait3A_77] : memref<32x80x2048xf32, #tpu.memory_space<hbm>> -> memref<1x1x2048xf32, #tpu.memory_space<hbm>>
    %dma_wait3A_79 = tpu.memref_squeeze %dma_wait3A_78 : memref<1x1x2048xf32, #tpu.memory_space<hbm>> -> memref<2048xf32, #tpu.memory_space<hbm>>
    tpu.wait_dma2 semaphore(%arg18 : memref<!tpu.dma_semaphore, #tpu.memory_space<semaphore_mem>>) src(%dma_wait3A_79 : memref<2048xf32, #tpu.memory_space<hbm>>) dst(%arg24 : memref<2048xf32, #tpu.memory_space<vmem>>)
    %dma_start3A_80 = arith.constant 0 : i32
    %dma_start3A_81 = arith.constant 0 : i32
    %dma_start3A_82 = tpu.memref_slice %arg2[%dma_start3A_80, %dma_start3A_81] : memref<10240x128xf32, #tpu.memory_space<hbm>> -> memref<10240x128xf32, #tpu.memory_space<hbm>>
    tpu.enqueue_indirect_dma source(%dma_start3A_82 : memref<10240x128xf32, #tpu.memory_space<hbm>>) target(%arg12 : memref<128x128xf32, #tpu.memory_space<vmem>>) offsets(%arg22 : memref<128xi32, #tpu.memory_space<vmem>>) semaphore(%arg14 : memref<!tpu.dma_semaphore, #tpu.memory_space<semaphore_mem>>)
    %min3A = arith.constant 2 : i32
    %min3A_83 = arith.constant 79 : i32
    %min3A_84 = arith.minsi %min3A, %min3A_83 : i32
    %dma_start3A_85 = arith.constant 0 : i32
    %dma_start3A_86 = tpu.memref_slice %arg3[%add3A, %min3A_84, %dma_start3A_85] : memref<32x80x128xi32, #tpu.memory_space<hbm>> -> memref<1x1x128xi32, #tpu.memory_space<hbm>>
    %dma_start3A_87 = tpu.memref_squeeze %dma_start3A_86 : memref<1x1x128xi32, #tpu.memory_space<hbm>> -> memref<128xi32, #tpu.memory_space<hbm>>
    %dma_start3A_88 = arith.constant 0 : i32
    %dma_start3A_89 = tpu.memref_slice %arg3[%add3A, %min3A_84, %dma_start3A_88] : memref<32x80x128xi32, #tpu.memory_space<hbm>> -> memref<1x1x128xi32, #tpu.memory_space<hbm>>
    %dma_start3A_90 = tpu.memref_squeeze %dma_start3A_89 : memref<1x1x128xi32, #tpu.memory_space<hbm>> -> memref<128xi32, #tpu.memory_space<hbm>>
    tpu.enqueue_dma source(%dma_start3A_90 : memref<128xi32, #tpu.memory_space<hbm>>) target(%arg21 : memref<128xi32, #tpu.memory_space<vmem>>) target_semaphore(%arg17 : memref<!tpu.dma_semaphore, #tpu.memory_space<semaphore_mem>>)
    %dma_start3A_91 = arith.constant 0 : i32
    %dma_start3A_92 = tpu.memref_slice %arg5[%add3A, %min3A_84, %dma_start3A_91] : memref<32x80x2048xf32, #tpu.memory_space<hbm>> -> memref<1x1x2048xf32, #tpu.memory_space<hbm>>
    %dma_start3A_93 = tpu.memref_squeeze %dma_start3A_92 : memref<1x1x2048xf32, #tpu.memory_space<hbm>> -> memref<2048xf32, #tpu.memory_space<hbm>>
    %dma_start3A_94 = arith.constant 0 : i32
    %dma_start3A_95 = tpu.memref_slice %arg5[%add3A, %min3A_84, %dma_start3A_94] : memref<32x80x2048xf32, #tpu.memory_space<hbm>> -> memref<1x1x2048xf32, #tpu.memory_space<hbm>>
    %dma_start3A_96 = tpu.memref_squeeze %dma_start3A_95 : memref<1x1x2048xf32, #tpu.memory_space<hbm>> -> memref<2048xf32, #tpu.memory_space<hbm>>
    tpu.enqueue_dma source(%dma_start3A_96 : memref<2048xf32, #tpu.memory_space<hbm>>) target(%arg23 : memref<2048xf32, #tpu.memory_space<vmem>>) target_semaphore(%arg17 : memref<!tpu.dma_semaphore, #tpu.memory_space<semaphore_mem>>)
    %dma_wait3A_97 = arith.constant 0 : i32
    %dma_wait3A_98 = arith.constant 0 : i32
    %dma_wait3A_99 = tpu.memref_slice %arg3[%add3A, %dma_wait3A_97, %dma_wait3A_98] : memref<32x80x128xi32, #tpu.memory_space<hbm>> -> memref<1x1x128xi32, #tpu.memory_space<hbm>>
    %dma_wait3A_100 = tpu.memref_squeeze %dma_wait3A_99 : memref<1x1x128xi32, #tpu.memory_space<hbm>> -> memref<128xi32, #tpu.memory_space<hbm>>
    %dma_wait3A_101 = arith.constant 0 : i32
    %dma_wait3A_102 = tpu.memref_slice %arg3[%add3A, %dma_wait3A_97, %dma_wait3A_101] : memref<32x80x128xi32, #tpu.memory_space<hbm>> -> memref<1x1x128xi32, #tpu.memory_space<hbm>>
    %dma_wait3A_103 = tpu.memref_squeeze %dma_wait3A_102 : memref<1x1x128xi32, #tpu.memory_space<hbm>> -> memref<128xi32, #tpu.memory_space<hbm>>
    tpu.wait_dma2 semaphore(%arg15 : memref<!tpu.dma_semaphore, #tpu.memory_space<semaphore_mem>>) src(%dma_wait3A_103 : memref<128xi32, #tpu.memory_space<hbm>>) dst(%arg9 : memref<128xi32, #tpu.memory_space<vmem>>)
    %dma_start3A_104 = arith.constant 0 : i32
    %dma_start3A_105 = arith.constant 0 : i32
    %dma_start3A_106 = tpu.memref_slice %arg8[%dma_start3A_104, %dma_start3A_105] : memref<10240x128xf32, #tpu.memory_space<vmem_shared>> -> memref<10240x128xf32, #tpu.memory_space<vmem_shared>>
    tpu.enqueue_indirect_dma source(%arg11 : memref<128x128xf32, #tpu.memory_space<vmem>>) target(%dma_start3A_106 : memref<10240x128xf32, #tpu.memory_space<vmem_shared>>) offsets(%arg9 : memref<128xi32, #tpu.memory_space<vmem>>) semaphore(%arg19 : memref<!tpu.dma_semaphore, #tpu.memory_space<semaphore_mem>>) {add = true}
    %scan3A = arith.constant 0 : i32
    %scan3A_107 = arith.constant 0 : i32
    %scan3A_108 = arith.constant 0 : i32
    %scan3A_109 = arith.constant 0 : i32
    %scan3A_110 = arith.constant 39 : i32
    %scan3A_111 = arith.addi %scan3A_109, %scan3A_110 : i32
    %scan3A_112 = arith.constant 1 : i32
    scf.for %scan3A_215 = %scan3A_109 to %scan3A_111 step %scan3A_112  : i32 {
      %mul3A_216 = arith.constant 2 : i32
      %mul3A_217 = arith.muli %mul3A_216, %scan3A_215 : i32
      %add3A_218 = arith.constant 1 : i32
      %add3A_219 = arith.addi %mul3A_217, %add3A_218 : i32
      %dma_wait3A_220 = arith.constant 0 : i32
      %dma_wait3A_221 = arith.constant 0 : i32
      %dma_wait3A_222 = tpu.memref_slice %arg2[%dma_wait3A_220, %dma_wait3A_221] : memref<10240x128xf32, #tpu.memory_space<hbm>> -> memref<128x128xf32, #tpu.memory_space<hbm>>
      %dma_wait3A_223 = arith.constant 0 : i32
      %dma_wait3A_224 = arith.constant 0 : i32
      %dma_wait3A_225 = tpu.memref_slice %arg2[%dma_wait3A_223, %dma_wait3A_224] : memref<10240x128xf32, #tpu.memory_space<hbm>> -> memref<128x128xf32, #tpu.memory_space<hbm>>
      tpu.wait_dma2 semaphore(%arg14 : memref<!tpu.dma_semaphore, #tpu.memory_space<semaphore_mem>>) src(%dma_wait3A_225 : memref<128x128xf32, #tpu.memory_space<hbm>>) dst(%arg12 : memref<128x128xf32, #tpu.memory_space<vmem>>)
      %dma_wait3A_226 = arith.constant 0 : i32
      %dma_wait3A_227 = arith.constant 0 : i32
      %dma_wait3A_228 = tpu.memref_slice %arg2[%dma_wait3A_226, %dma_wait3A_227] : memref<10240x128xf32, #tpu.memory_space<hbm>> -> memref<128x128xf32, #tpu.memory_space<hbm>>
      %dma_wait3A_229 = arith.constant 0 : i32
      %dma_wait3A_230 = arith.constant 0 : i32
      %dma_wait3A_231 = tpu.memref_slice %arg2[%dma_wait3A_229, %dma_wait3A_230] : memref<10240x128xf32, #tpu.memory_space<hbm>> -> memref<128x128xf32, #tpu.memory_space<hbm>>
      tpu.wait_dma2 semaphore(%arg19 : memref<!tpu.dma_semaphore, #tpu.memory_space<semaphore_mem>>) src(%dma_wait3A_231 : memref<128x128xf32, #tpu.memory_space<hbm>>) dst(%arg11 : memref<128x128xf32, #tpu.memory_space<vmem>>)
      %add3A_232 = arith.constant 1 : i32
      %add3A_233 = arith.addi %add3A_219, %add3A_232 : i32
      %min3A_234 = arith.constant 79 : i32
      %min3A_235 = arith.minsi %add3A_233, %min3A_234 : i32
      %dma_start3A_236 = arith.constant 0 : i32
      %dma_start3A_237 = tpu.memref_slice %arg4[%add3A, %min3A_235, %dma_start3A_236] : memref<32x80x128xi32, #tpu.memory_space<hbm>> -> memref<1x1x128xi32, #tpu.memory_space<hbm>>
      %dma_start3A_238 = tpu.memref_squeeze %dma_start3A_237 : memref<1x1x128xi32, #tpu.memory_space<hbm>> -> memref<128xi32, #tpu.memory_space<hbm>>
      %dma_start3A_239 = arith.constant 0 : i32
      %dma_start3A_240 = tpu.memref_slice %arg4[%add3A, %min3A_235, %dma_start3A_239] : memref<32x80x128xi32, #tpu.memory_space<hbm>> -> memref<1x1x128xi32, #tpu.memory_space<hbm>>
      %dma_start3A_241 = tpu.memref_squeeze %dma_start3A_240 : memref<1x1x128xi32, #tpu.memory_space<hbm>> -> memref<128xi32, #tpu.memory_space<hbm>>
      tpu.enqueue_dma source(%dma_start3A_241 : memref<128xi32, #tpu.memory_space<hbm>>) target(%arg9 : memref<128xi32, #tpu.memory_space<vmem>>) target_semaphore(%arg15 : memref<!tpu.dma_semaphore, #tpu.memory_space<semaphore_mem>>)
      %dma_wait3A_242 = arith.constant 0 : i32
      %dma_wait3A_243 = tpu.memref_slice %arg3[%add3A, %scan3A_107, %dma_wait3A_242] : memref<32x80x128xi32, #tpu.memory_space<hbm>> -> memref<1x1x128xi32, #tpu.memory_space<hbm>>
      %dma_wait3A_244 = tpu.memref_squeeze %dma_wait3A_243 : memref<1x1x128xi32, #tpu.memory_space<hbm>> -> memref<128xi32, #tpu.memory_space<hbm>>
      %dma_wait3A_245 = arith.constant 0 : i32
      %dma_wait3A_246 = tpu.memref_slice %arg3[%add3A, %scan3A_107, %dma_wait3A_245] : memref<32x80x128xi32, #tpu.memory_space<hbm>> -> memref<1x1x128xi32, #tpu.memory_space<hbm>>
      %dma_wait3A_247 = tpu.memref_squeeze %dma_wait3A_246 : memref<1x1x128xi32, #tpu.memory_space<hbm>> -> memref<128xi32, #tpu.memory_space<hbm>>
      tpu.wait_dma2 semaphore(%arg17 : memref<!tpu.dma_semaphore, #tpu.memory_space<semaphore_mem>>) src(%dma_wait3A_247 : memref<128xi32, #tpu.memory_space<hbm>>) dst(%arg21 : memref<128xi32, #tpu.memory_space<vmem>>)
      %dma_wait3A_248 = arith.constant 0 : i32
      %dma_wait3A_249 = tpu.memref_slice %arg5[%add3A, %scan3A_108, %dma_wait3A_248] : memref<32x80x2048xf32, #tpu.memory_space<hbm>> -> memref<1x1x2048xf32, #tpu.memory_space<hbm>>
      %dma_wait3A_250 = tpu.memref_squeeze %dma_wait3A_249 : memref<1x1x2048xf32, #tpu.memory_space<hbm>> -> memref<2048xf32, #tpu.memory_space<hbm>>
      %dma_wait3A_251 = arith.constant 0 : i32
      %dma_wait3A_252 = tpu.memref_slice %arg5[%add3A, %scan3A_108, %dma_wait3A_251] : memref<32x80x2048xf32, #tpu.memory_space<hbm>> -> memref<1x1x2048xf32, #tpu.memory_space<hbm>>
      %dma_wait3A_253 = tpu.memref_squeeze %dma_wait3A_252 : memref<1x1x2048xf32, #tpu.memory_space<hbm>> -> memref<2048xf32, #tpu.memory_space<hbm>>
      tpu.wait_dma2 semaphore(%arg17 : memref<!tpu.dma_semaphore, #tpu.memory_space<semaphore_mem>>) src(%dma_wait3A_253 : memref<2048xf32, #tpu.memory_space<hbm>>) dst(%arg23 : memref<2048xf32, #tpu.memory_space<vmem>>)
      %dma_start3A_254 = arith.constant 0 : i32
      %dma_start3A_255 = arith.constant 0 : i32
      %dma_start3A_256 = tpu.memref_slice %arg2[%dma_start3A_254, %dma_start3A_255] : memref<10240x128xf32, #tpu.memory_space<hbm>> -> memref<10240x128xf32, #tpu.memory_space<hbm>>
      tpu.enqueue_indirect_dma source(%dma_start3A_256 : memref<10240x128xf32, #tpu.memory_space<hbm>>) target(%arg11 : memref<128x128xf32, #tpu.memory_space<vmem>>) offsets(%arg21 : memref<128xi32, #tpu.memory_space<vmem>>) semaphore(%arg13 : memref<!tpu.dma_semaphore, #tpu.memory_space<semaphore_mem>>)
      %add3A_257 = arith.constant 2 : i32
      %add3A_258 = arith.addi %add3A_219, %add3A_257 : i32
      %min3A_259 = arith.constant 79 : i32
      %min3A_260 = arith.minsi %add3A_258, %min3A_259 : i32
      %dma_start3A_261 = arith.constant 0 : i32
      %dma_start3A_262 = tpu.memref_slice %arg3[%add3A, %min3A_260, %dma_start3A_261] : memref<32x80x128xi32, #tpu.memory_space<hbm>> -> memref<1x1x128xi32, #tpu.memory_space<hbm>>
      %dma_start3A_263 = tpu.memref_squeeze %dma_start3A_262 : memref<1x1x128xi32, #tpu.memory_space<hbm>> -> memref<128xi32, #tpu.memory_space<hbm>>
      %dma_start3A_264 = arith.constant 0 : i32
      %dma_start3A_265 = tpu.memref_slice %arg3[%add3A, %min3A_260, %dma_start3A_264] : memref<32x80x128xi32, #tpu.memory_space<hbm>> -> memref<1x1x128xi32, #tpu.memory_space<hbm>>
      %dma_start3A_266 = tpu.memref_squeeze %dma_start3A_265 : memref<1x1x128xi32, #tpu.memory_space<hbm>> -> memref<128xi32, #tpu.memory_space<hbm>>
      tpu.enqueue_dma source(%dma_start3A_266 : memref<128xi32, #tpu.memory_space<hbm>>) target(%arg22 : memref<128xi32, #tpu.memory_space<vmem>>) target_semaphore(%arg18 : memref<!tpu.dma_semaphore, #tpu.memory_space<semaphore_mem>>)
      %dma_start3A_267 = arith.constant 0 : i32
      %dma_start3A_268 = tpu.memref_slice %arg5[%add3A, %min3A_260, %dma_start3A_267] : memref<32x80x2048xf32, #tpu.memory_space<hbm>> -> memref<1x1x2048xf32, #tpu.memory_space<hbm>>
      %dma_start3A_269 = tpu.memref_squeeze %dma_start3A_268 : memref<1x1x2048xf32, #tpu.memory_space<hbm>> -> memref<2048xf32, #tpu.memory_space<hbm>>
      %dma_start3A_270 = arith.constant 0 : i32
      %dma_start3A_271 = tpu.memref_slice %arg5[%add3A, %min3A_260, %dma_start3A_270] : memref<32x80x2048xf32, #tpu.memory_space<hbm>> -> memref<1x1x2048xf32, #tpu.memory_space<hbm>>
      %dma_start3A_272 = tpu.memref_squeeze %dma_start3A_271 : memref<1x1x2048xf32, #tpu.memory_space<hbm>> -> memref<2048xf32, #tpu.memory_space<hbm>>
      tpu.enqueue_dma source(%dma_start3A_272 : memref<2048xf32, #tpu.memory_space<hbm>>) target(%arg24 : memref<2048xf32, #tpu.memory_space<vmem>>) target_semaphore(%arg18 : memref<!tpu.dma_semaphore, #tpu.memory_space<semaphore_mem>>)
      %dma_wait3A_273 = arith.constant 0 : i32
      %dma_wait3A_274 = tpu.memref_slice %arg3[%add3A, %scan3A_107, %dma_wait3A_273] : memref<32x80x128xi32, #tpu.memory_space<hbm>> -> memref<1x1x128xi32, #tpu.memory_space<hbm>>
      %dma_wait3A_275 = tpu.memref_squeeze %dma_wait3A_274 : memref<1x1x128xi32, #tpu.memory_space<hbm>> -> memref<128xi32, #tpu.memory_space<hbm>>
      %dma_wait3A_276 = arith.constant 0 : i32
      %dma_wait3A_277 = tpu.memref_slice %arg3[%add3A, %scan3A_107, %dma_wait3A_276] : memref<32x80x128xi32, #tpu.memory_space<hbm>> -> memref<1x1x128xi32, #tpu.memory_space<hbm>>
      %dma_wait3A_278 = tpu.memref_squeeze %dma_wait3A_277 : memref<1x1x128xi32, #tpu.memory_space<hbm>> -> memref<128xi32, #tpu.memory_space<hbm>>
      tpu.wait_dma2 semaphore(%arg16 : memref<!tpu.dma_semaphore, #tpu.memory_space<semaphore_mem>>) src(%dma_wait3A_278 : memref<128xi32, #tpu.memory_space<hbm>>) dst(%arg10 : memref<128xi32, #tpu.memory_space<vmem>>)
      %dma_start3A_279 = arith.constant 0 : i32
      %dma_start3A_280 = arith.constant 0 : i32
      %dma_start3A_281 = tpu.memref_slice %arg8[%dma_start3A_279, %dma_start3A_280] : memref<10240x128xf32, #tpu.memory_space<vmem_shared>> -> memref<10240x128xf32, #tpu.memory_space<vmem_shared>>
      tpu.enqueue_indirect_dma source(%arg12 : memref<128x128xf32, #tpu.memory_space<vmem>>) target(%dma_start3A_281 : memref<10240x128xf32, #tpu.memory_space<vmem_shared>>) offsets(%arg10 : memref<128xi32, #tpu.memory_space<vmem>>) semaphore(%arg20 : memref<!tpu.dma_semaphore, #tpu.memory_space<semaphore_mem>>) {add = true}
      %mul3A_282 = arith.constant 2 : i32
      %mul3A_283 = arith.muli %mul3A_282, %scan3A_215 : i32
      %add3A_284 = arith.constant 2 : i32
      %add3A_285 = arith.addi %mul3A_283, %add3A_284 : i32
      %dma_wait3A_286 = arith.constant 0 : i32
      %dma_wait3A_287 = arith.constant 0 : i32
      %dma_wait3A_288 = tpu.memref_slice %arg2[%dma_wait3A_286, %dma_wait3A_287] : memref<10240x128xf32, #tpu.memory_space<hbm>> -> memref<128x128xf32, #tpu.memory_space<hbm>>
      %dma_wait3A_289 = arith.constant 0 : i32
      %dma_wait3A_290 = arith.constant 0 : i32
      %dma_wait3A_291 = tpu.memref_slice %arg2[%dma_wait3A_289, %dma_wait3A_290] : memref<10240x128xf32, #tpu.memory_space<hbm>> -> memref<128x128xf32, #tpu.memory_space<hbm>>
      tpu.wait_dma2 semaphore(%arg13 : memref<!tpu.dma_semaphore, #tpu.memory_space<semaphore_mem>>) src(%dma_wait3A_291 : memref<128x128xf32, #tpu.memory_space<hbm>>) dst(%arg11 : memref<128x128xf32, #tpu.memory_space<vmem>>)
      %dma_wait3A_292 = arith.constant 0 : i32
      %dma_wait3A_293 = arith.constant 0 : i32
      %dma_wait3A_294 = tpu.memref_slice %arg2[%dma_wait3A_292, %dma_wait3A_293] : memref<10240x128xf32, #tpu.memory_space<hbm>> -> memref<128x128xf32, #tpu.memory_space<hbm>>
      %dma_wait3A_295 = arith.constant 0 : i32
      %dma_wait3A_296 = arith.constant 0 : i32
      %dma_wait3A_297 = tpu.memref_slice %arg2[%dma_wait3A_295, %dma_wait3A_296] : memref<10240x128xf32, #tpu.memory_space<hbm>> -> memref<128x128xf32, #tpu.memory_space<hbm>>
      tpu.wait_dma2 semaphore(%arg20 : memref<!tpu.dma_semaphore, #tpu.memory_space<semaphore_mem>>) src(%dma_wait3A_297 : memref<128x128xf32, #tpu.memory_space<hbm>>) dst(%arg12 : memref<128x128xf32, #tpu.memory_space<vmem>>)
      %add3A_298 = arith.constant 1 : i32
      %add3A_299 = arith.addi %add3A_285, %add3A_298 : i32
      %min3A_300 = arith.constant 79 : i32
      %min3A_301 = arith.minsi %add3A_299, %min3A_300 : i32
      %dma_start3A_302 = arith.constant 0 : i32
      %dma_start3A_303 = tpu.memref_slice %arg4[%add3A, %min3A_301, %dma_start3A_302] : memref<32x80x128xi32, #tpu.memory_space<hbm>> -> memref<1x1x128xi32, #tpu.memory_space<hbm>>
      %dma_start3A_304 = tpu.memref_squeeze %dma_start3A_303 : memref<1x1x128xi32, #tpu.memory_space<hbm>> -> memref<128xi32, #tpu.memory_space<hbm>>
      %dma_start3A_305 = arith.constant 0 : i32
      %dma_start3A_306 = tpu.memref_slice %arg4[%add3A, %min3A_301, %dma_start3A_305] : memref<32x80x128xi32, #tpu.memory_space<hbm>> -> memref<1x1x128xi32, #tpu.memory_space<hbm>>
      %dma_start3A_307 = tpu.memref_squeeze %dma_start3A_306 : memref<1x1x128xi32, #tpu.memory_space<hbm>> -> memref<128xi32, #tpu.memory_space<hbm>>
      tpu.enqueue_dma source(%dma_start3A_307 : memref<128xi32, #tpu.memory_space<hbm>>) target(%arg10 : memref<128xi32, #tpu.memory_space<vmem>>) target_semaphore(%arg16 : memref<!tpu.dma_semaphore, #tpu.memory_space<semaphore_mem>>)
      %dma_wait3A_308 = arith.constant 0 : i32
      %dma_wait3A_309 = tpu.memref_slice %arg3[%add3A, %scan3A_107, %dma_wait3A_308] : memref<32x80x128xi32, #tpu.memory_space<hbm>> -> memref<1x1x128xi32, #tpu.memory_space<hbm>>
      %dma_wait3A_310 = tpu.memref_squeeze %dma_wait3A_309 : memref<1x1x128xi32, #tpu.memory_space<hbm>> -> memref<128xi32, #tpu.memory_space<hbm>>
      %dma_wait3A_311 = arith.constant 0 : i32
      %dma_wait3A_312 = tpu.memref_slice %arg3[%add3A, %scan3A_107, %dma_wait3A_311] : memref<32x80x128xi32, #tpu.memory_space<hbm>> -> memref<1x1x128xi32, #tpu.memory_space<hbm>>
      %dma_wait3A_313 = tpu.memref_squeeze %dma_wait3A_312 : memref<1x1x128xi32, #tpu.memory_space<hbm>> -> memref<128xi32, #tpu.memory_space<hbm>>
      tpu.wait_dma2 semaphore(%arg18 : memref<!tpu.dma_semaphore, #tpu.memory_space<semaphore_mem>>) src(%dma_wait3A_313 : memref<128xi32, #tpu.memory_space<hbm>>) dst(%arg22 : memref<128xi32, #tpu.memory_space<vmem>>)
      %dma_wait3A_314 = arith.constant 0 : i32
      %dma_wait3A_315 = tpu.memref_slice %arg5[%add3A, %scan3A_108, %dma_wait3A_314] : memref<32x80x2048xf32, #tpu.memory_space<hbm>> -> memref<1x1x2048xf32, #tpu.memory_space<hbm>>
      %dma_wait3A_316 = tpu.memref_squeeze %dma_wait3A_315 : memref<1x1x2048xf32, #tpu.memory_space<hbm>> -> memref<2048xf32, #tpu.memory_space<hbm>>
      %dma_wait3A_317 = arith.constant 0 : i32
      %dma_wait3A_318 = tpu.memref_slice %arg5[%add3A, %scan3A_108, %dma_wait3A_317] : memref<32x80x2048xf32, #tpu.memory_space<hbm>> -> memref<1x1x2048xf32, #tpu.memory_space<hbm>>
      %dma_wait3A_319 = tpu.memref_squeeze %dma_wait3A_318 : memref<1x1x2048xf32, #tpu.memory_space<hbm>> -> memref<2048xf32, #tpu.memory_space<hbm>>
      tpu.wait_dma2 semaphore(%arg18 : memref<!tpu.dma_semaphore, #tpu.memory_space<semaphore_mem>>) src(%dma_wait3A_319 : memref<2048xf32, #tpu.memory_space<hbm>>) dst(%arg24 : memref<2048xf32, #tpu.memory_space<vmem>>)
      %dma_start3A_320 = arith.constant 0 : i32
      %dma_start3A_321 = arith.constant 0 : i32
      %dma_start3A_322 = tpu.memref_slice %arg2[%dma_start3A_320, %dma_start3A_321] : memref<10240x128xf32, #tpu.memory_space<hbm>> -> memref<10240x128xf32, #tpu.memory_space<hbm>>
      tpu.enqueue_indirect_dma source(%dma_start3A_322 : memref<10240x128xf32, #tpu.memory_space<hbm>>) target(%arg12 : memref<128x128xf32, #tpu.memory_space<vmem>>) offsets(%arg22 : memref<128xi32, #tpu.memory_space<vmem>>) semaphore(%arg14 : memref<!tpu.dma_semaphore, #tpu.memory_space<semaphore_mem>>)
      %add3A_323 = arith.constant 2 : i32
      %add3A_324 = arith.addi %add3A_285, %add3A_323 : i32
      %min3A_325 = arith.constant 79 : i32
      %min3A_326 = arith.minsi %add3A_324, %min3A_325 : i32
      %dma_start3A_327 = arith.constant 0 : i32
      %dma_start3A_328 = tpu.memref_slice %arg3[%add3A, %min3A_326, %dma_start3A_327] : memref<32x80x128xi32, #tpu.memory_space<hbm>> -> memref<1x1x128xi32, #tpu.memory_space<hbm>>
      %dma_start3A_329 = tpu.memref_squeeze %dma_start3A_328 : memref<1x1x128xi32, #tpu.memory_space<hbm>> -> memref<128xi32, #tpu.memory_space<hbm>>
      %dma_start3A_330 = arith.constant 0 : i32
      %dma_start3A_331 = tpu.memref_slice %arg3[%add3A, %min3A_326, %dma_start3A_330] : memref<32x80x128xi32, #tpu.memory_space<hbm>> -> memref<1x1x128xi32, #tpu.memory_space<hbm>>
      %dma_start3A_332 = tpu.memref_squeeze %dma_start3A_331 : memref<1x1x128xi32, #tpu.memory_space<hbm>> -> memref<128xi32, #tpu.memory_space<hbm>>
      tpu.enqueue_dma source(%dma_start3A_332 : memref<128xi32, #tpu.memory_space<hbm>>) target(%arg21 : memref<128xi32, #tpu.memory_space<vmem>>) target_semaphore(%arg17 : memref<!tpu.dma_semaphore, #tpu.memory_space<semaphore_mem>>)
      %dma_start3A_333 = arith.constant 0 : i32
      %dma_start3A_334 = tpu.memref_slice %arg5[%add3A, %min3A_326, %dma_start3A_333] : memref<32x80x2048xf32, #tpu.memory_space<hbm>> -> memref<1x1x2048xf32, #tpu.memory_space<hbm>>
      %dma_start3A_335 = tpu.memref_squeeze %dma_start3A_334 : memref<1x1x2048xf32, #tpu.memory_space<hbm>> -> memref<2048xf32, #tpu.memory_space<hbm>>
      %dma_start3A_336 = arith.constant 0 : i32
      %dma_start3A_337 = tpu.memref_slice %arg5[%add3A, %min3A_326, %dma_start3A_336] : memref<32x80x2048xf32, #tpu.memory_space<hbm>> -> memref<1x1x2048xf32, #tpu.memory_space<hbm>>
      %dma_start3A_338 = tpu.memref_squeeze %dma_start3A_337 : memref<1x1x2048xf32, #tpu.memory_space<hbm>> -> memref<2048xf32, #tpu.memory_space<hbm>>
      tpu.enqueue_dma source(%dma_start3A_338 : memref<2048xf32, #tpu.memory_space<hbm>>) target(%arg23 : memref<2048xf32, #tpu.memory_space<vmem>>) target_semaphore(%arg17 : memref<!tpu.dma_semaphore, #tpu.memory_space<semaphore_mem>>)
      %dma_wait3A_339 = arith.constant 0 : i32
      %dma_wait3A_340 = tpu.memref_slice %arg3[%add3A, %scan3A_107, %dma_wait3A_339] : memref<32x80x128xi32, #tpu.memory_space<hbm>> -> memref<1x1x128xi32, #tpu.memory_space<hbm>>
      %dma_wait3A_341 = tpu.memref_squeeze %dma_wait3A_340 : memref<1x1x128xi32, #tpu.memory_space<hbm>> -> memref<128xi32, #tpu.memory_space<hbm>>
      %dma_wait3A_342 = arith.constant 0 : i32
      %dma_wait3A_343 = tpu.memref_slice %arg3[%add3A, %scan3A_107, %dma_wait3A_342] : memref<32x80x128xi32, #tpu.memory_space<hbm>> -> memref<1x1x128xi32, #tpu.memory_space<hbm>>
      %dma_wait3A_344 = tpu.memref_squeeze %dma_wait3A_343 : memref<1x1x128xi32, #tpu.memory_space<hbm>> -> memref<128xi32, #tpu.memory_space<hbm>>
      tpu.wait_dma2 semaphore(%arg15 : memref<!tpu.dma_semaphore, #tpu.memory_space<semaphore_mem>>) src(%dma_wait3A_344 : memref<128xi32, #tpu.memory_space<hbm>>) dst(%arg9 : memref<128xi32, #tpu.memory_space<vmem>>)
      %dma_start3A_345 = arith.constant 0 : i32
      %dma_start3A_346 = arith.constant 0 : i32
      %dma_start3A_347 = tpu.memref_slice %arg8[%dma_start3A_345, %dma_start3A_346] : memref<10240x128xf32, #tpu.memory_space<vmem_shared>> -> memref<10240x128xf32, #tpu.memory_space<vmem_shared>>
      tpu.enqueue_indirect_dma source(%arg11 : memref<128x128xf32, #tpu.memory_space<vmem>>) target(%dma_start3A_347 : memref<10240x128xf32, #tpu.memory_space<vmem_shared>>) offsets(%arg9 : memref<128xi32, #tpu.memory_space<vmem>>) semaphore(%arg19 : memref<!tpu.dma_semaphore, #tpu.memory_space<semaphore_mem>>) {add = true}
    }
    %scan3A_113 = arith.constant 39 : i32
    %dma_wait3A_114 = arith.constant 0 : i32
    %dma_wait3A_115 = arith.constant 0 : i32
    %dma_wait3A_116 = tpu.memref_slice %arg2[%dma_wait3A_114, %dma_wait3A_115] : memref<10240x128xf32, #tpu.memory_space<hbm>> -> memref<128x128xf32, #tpu.memory_space<hbm>>
    %dma_wait3A_117 = arith.constant 0 : i32
    %dma_wait3A_118 = arith.constant 0 : i32
    %dma_wait3A_119 = tpu.memref_slice %arg2[%dma_wait3A_117, %dma_wait3A_118] : memref<10240x128xf32, #tpu.memory_space<hbm>> -> memref<128x128xf32, #tpu.memory_space<hbm>>
    tpu.wait_dma2 semaphore(%arg14 : memref<!tpu.dma_semaphore, #tpu.memory_space<semaphore_mem>>) src(%dma_wait3A_119 : memref<128x128xf32, #tpu.memory_space<hbm>>) dst(%arg12 : memref<128x128xf32, #tpu.memory_space<vmem>>)
    %dma_wait3A_120 = arith.constant 0 : i32
    %dma_wait3A_121 = arith.constant 0 : i32
    %dma_wait3A_122 = tpu.memref_slice %arg2[%dma_wait3A_120, %dma_wait3A_121] : memref<10240x128xf32, #tpu.memory_space<hbm>> -> memref<128x128xf32, #tpu.memory_space<hbm>>
    %dma_wait3A_123 = arith.constant 0 : i32
    %dma_wait3A_124 = arith.constant 0 : i32
    %dma_wait3A_125 = tpu.memref_slice %arg2[%dma_wait3A_123, %dma_wait3A_124] : memref<10240x128xf32, #tpu.memory_space<hbm>> -> memref<128x128xf32, #tpu.memory_space<hbm>>
    tpu.wait_dma2 semaphore(%arg19 : memref<!tpu.dma_semaphore, #tpu.memory_space<semaphore_mem>>) src(%dma_wait3A_125 : memref<128x128xf32, #tpu.memory_space<hbm>>) dst(%arg11 : memref<128x128xf32, #tpu.memory_space<vmem>>)
    %min3A_126 = arith.constant 80 : i32
    %min3A_127 = arith.constant 79 : i32
    %min3A_128 = arith.minsi %min3A_126, %min3A_127 : i32
    %dma_start3A_129 = arith.constant 0 : i32
    %dma_start3A_130 = tpu.memref_slice %arg4[%add3A, %min3A_128, %dma_start3A_129] : memref<32x80x128xi32, #tpu.memory_space<hbm>> -> memref<1x1x128xi32, #tpu.memory_space<hbm>>
    %dma_start3A_131 = tpu.memref_squeeze %dma_start3A_130 : memref<1x1x128xi32, #tpu.memory_space<hbm>> -> memref<128xi32, #tpu.memory_space<hbm>>
    %dma_start3A_132 = arith.constant 0 : i32
    %dma_start3A_133 = tpu.memref_slice %arg4[%add3A, %min3A_128, %dma_start3A_132] : memref<32x80x128xi32, #tpu.memory_space<hbm>> -> memref<1x1x128xi32, #tpu.memory_space<hbm>>
    %dma_start3A_134 = tpu.memref_squeeze %dma_start3A_133 : memref<1x1x128xi32, #tpu.memory_space<hbm>> -> memref<128xi32, #tpu.memory_space<hbm>>
    tpu.enqueue_dma source(%dma_start3A_134 : memref<128xi32, #tpu.memory_space<hbm>>) target(%arg9 : memref<128xi32, #tpu.memory_space<vmem>>) target_semaphore(%arg15 : memref<!tpu.dma_semaphore, #tpu.memory_space<semaphore_mem>>)
    %dma_wait3A_135 = arith.constant 0 : i32
    %dma_wait3A_136 = arith.constant 0 : i32
    %dma_wait3A_137 = tpu.memref_slice %arg3[%add3A, %dma_wait3A_135, %dma_wait3A_136] : memref<32x80x128xi32, #tpu.memory_space<hbm>> -> memref<1x1x128xi32, #tpu.memory_space<hbm>>
    %dma_wait3A_138 = tpu.memref_squeeze %dma_wait3A_137 : memref<1x1x128xi32, #tpu.memory_space<hbm>> -> memref<128xi32, #tpu.memory_space<hbm>>
    %dma_wait3A_139 = arith.constant 0 : i32
    %dma_wait3A_140 = tpu.memref_slice %arg3[%add3A, %dma_wait3A_135, %dma_wait3A_139] : memref<32x80x128xi32, #tpu.memory_space<hbm>> -> memref<1x1x128xi32, #tpu.memory_space<hbm>>
    %dma_wait3A_141 = tpu.memref_squeeze %dma_wait3A_140 : memref<1x1x128xi32, #tpu.memory_space<hbm>> -> memref<128xi32, #tpu.memory_space<hbm>>
    tpu.wait_dma2 semaphore(%arg17 : memref<!tpu.dma_semaphore, #tpu.memory_space<semaphore_mem>>) src(%dma_wait3A_141 : memref<128xi32, #tpu.memory_space<hbm>>) dst(%arg21 : memref<128xi32, #tpu.memory_space<vmem>>)
    %dma_wait3A_142 = arith.constant 0 : i32
    %dma_wait3A_143 = arith.constant 0 : i32
    %dma_wait3A_144 = tpu.memref_slice %arg5[%add3A, %dma_wait3A_142, %dma_wait3A_143] : memref<32x80x2048xf32, #tpu.memory_space<hbm>> -> memref<1x1x2048xf32, #tpu.memory_space<hbm>>
    %dma_wait3A_145 = tpu.memref_squeeze %dma_wait3A_144 : memref<1x1x2048xf32, #tpu.memory_space<hbm>> -> memref<2048xf32, #tpu.memory_space<hbm>>
    %dma_wait3A_146 = arith.constant 0 : i32
    %dma_wait3A_147 = tpu.memref_slice %arg5[%add3A, %dma_wait3A_142, %dma_wait3A_146] : memref<32x80x2048xf32, #tpu.memory_space<hbm>> -> memref<1x1x2048xf32, #tpu.memory_space<hbm>>
    %dma_wait3A_148 = tpu.memref_squeeze %dma_wait3A_147 : memref<1x1x2048xf32, #tpu.memory_space<hbm>> -> memref<2048xf32, #tpu.memory_space<hbm>>
    tpu.wait_dma2 semaphore(%arg17 : memref<!tpu.dma_semaphore, #tpu.memory_space<semaphore_mem>>) src(%dma_wait3A_148 : memref<2048xf32, #tpu.memory_space<hbm>>) dst(%arg23 : memref<2048xf32, #tpu.memory_space<vmem>>)
    %dma_start3A_149 = arith.constant 0 : i32
    %dma_start3A_150 = arith.constant 0 : i32
    %dma_start3A_151 = tpu.memref_slice %arg2[%dma_start3A_149, %dma_start3A_150] : memref<10240x128xf32, #tpu.memory_space<hbm>> -> memref<10240x128xf32, #tpu.memory_space<hbm>>
    tpu.enqueue_indirect_dma source(%dma_start3A_151 : memref<10240x128xf32, #tpu.memory_space<hbm>>) target(%arg11 : memref<128x128xf32, #tpu.memory_space<vmem>>) offsets(%arg21 : memref<128xi32, #tpu.memory_space<vmem>>) semaphore(%arg13 : memref<!tpu.dma_semaphore, #tpu.memory_space<semaphore_mem>>)
    %min3A_152 = arith.constant 81 : i32
    %min3A_153 = arith.constant 79 : i32
    %min3A_154 = arith.minsi %min3A_152, %min3A_153 : i32
    %dma_start3A_155 = arith.constant 0 : i32
    %dma_start3A_156 = tpu.memref_slice %arg3[%add3A, %min3A_154, %dma_start3A_155] : memref<32x80x128xi32, #tpu.memory_space<hbm>> -> memref<1x1x128xi32, #tpu.memory_space<hbm>>
    %dma_start3A_157 = tpu.memref_squeeze %dma_start3A_156 : memref<1x1x128xi32, #tpu.memory_space<hbm>> -> memref<128xi32, #tpu.memory_space<hbm>>
    %dma_start3A_158 = arith.constant 0 : i32
    %dma_start3A_159 = tpu.memref_slice %arg3[%add3A, %min3A_154, %dma_start3A_158] : memref<32x80x128xi32, #tpu.memory_space<hbm>> -> memref<1x1x128xi32, #tpu.memory_space<hbm>>
    %dma_start3A_160 = tpu.memref_squeeze %dma_start3A_159 : memref<1x1x128xi32, #tpu.memory_space<hbm>> -> memref<128xi32, #tpu.memory_space<hbm>>
    tpu.enqueue_dma source(%dma_start3A_160 : memref<128xi32, #tpu.memory_space<hbm>>) target(%arg22 : memref<128xi32, #tpu.memory_space<vmem>>) target_semaphore(%arg18 : memref<!tpu.dma_semaphore, #tpu.memory_space<semaphore_mem>>)
    %dma_start3A_161 = arith.constant 0 : i32
    %dma_start3A_162 = tpu.memref_slice %arg5[%add3A, %min3A_154, %dma_start3A_161] : memref<32x80x2048xf32, #tpu.memory_space<hbm>> -> memref<1x1x2048xf32, #tpu.memory_space<hbm>>
    %dma_start3A_163 = tpu.memref_squeeze %dma_start3A_162 : memref<1x1x2048xf32, #tpu.memory_space<hbm>> -> memref<2048xf32, #tpu.memory_space<hbm>>
    %dma_start3A_164 = arith.constant 0 : i32
    %dma_start3A_165 = tpu.memref_slice %arg5[%add3A, %min3A_154, %dma_start3A_164] : memref<32x80x2048xf32, #tpu.memory_space<hbm>> -> memref<1x1x2048xf32, #tpu.memory_space<hbm>>
    %dma_start3A_166 = tpu.memref_squeeze %dma_start3A_165 : memref<1x1x2048xf32, #tpu.memory_space<hbm>> -> memref<2048xf32, #tpu.memory_space<hbm>>
    tpu.enqueue_dma source(%dma_start3A_166 : memref<2048xf32, #tpu.memory_space<hbm>>) target(%arg24 : memref<2048xf32, #tpu.memory_space<vmem>>) target_semaphore(%arg18 : memref<!tpu.dma_semaphore, #tpu.memory_space<semaphore_mem>>)
    %dma_wait3A_167 = arith.constant 0 : i32
    %dma_wait3A_168 = arith.constant 0 : i32
    %dma_wait3A_169 = tpu.memref_slice %arg3[%add3A, %dma_wait3A_167, %dma_wait3A_168] : memref<32x80x128xi32, #tpu.memory_space<hbm>> -> memref<1x1x128xi32, #tpu.memory_space<hbm>>
    %dma_wait3A_170 = tpu.memref_squeeze %dma_wait3A_169 : memref<1x1x128xi32, #tpu.memory_space<hbm>> -> memref<128xi32, #tpu.memory_space<hbm>>
    %dma_wait3A_171 = arith.constant 0 : i32
    %dma_wait3A_172 = tpu.memref_slice %arg3[%add3A, %dma_wait3A_167, %dma_wait3A_171] : memref<32x80x128xi32, #tpu.memory_space<hbm>> -> memref<1x1x128xi32, #tpu.memory_space<hbm>>
    %dma_wait3A_173 = tpu.memref_squeeze %dma_wait3A_172 : memref<1x1x128xi32, #tpu.memory_space<hbm>> -> memref<128xi32, #tpu.memory_space<hbm>>
    tpu.wait_dma2 semaphore(%arg16 : memref<!tpu.dma_semaphore, #tpu.memory_space<semaphore_mem>>) src(%dma_wait3A_173 : memref<128xi32, #tpu.memory_space<hbm>>) dst(%arg10 : memref<128xi32, #tpu.memory_space<vmem>>)
    %dma_start3A_174 = arith.constant 0 : i32
    %dma_start3A_175 = arith.constant 0 : i32
    %dma_start3A_176 = tpu.memref_slice %arg8[%dma_start3A_174, %dma_start3A_175] : memref<10240x128xf32, #tpu.memory_space<vmem_shared>> -> memref<10240x128xf32, #tpu.memory_space<vmem_shared>>
    tpu.enqueue_indirect_dma source(%arg12 : memref<128x128xf32, #tpu.memory_space<vmem>>) target(%dma_start3A_176 : memref<10240x128xf32, #tpu.memory_space<vmem_shared>>) offsets(%arg10 : memref<128xi32, #tpu.memory_space<vmem>>) semaphore(%arg20 : memref<!tpu.dma_semaphore, #tpu.memory_space<semaphore_mem>>) {add = true}
    %dma_wait3A_177 = arith.constant 0 : i32
    %dma_wait3A_178 = arith.constant 0 : i32
    %dma_wait3A_179 = tpu.memref_slice %arg2[%dma_wait3A_177, %dma_wait3A_178] : memref<10240x128xf32, #tpu.memory_space<hbm>> -> memref<128x128xf32, #tpu.memory_space<hbm>>
    %dma_wait3A_180 = arith.constant 0 : i32
    %dma_wait3A_181 = arith.constant 0 : i32
    %dma_wait3A_182 = tpu.memref_slice %arg2[%dma_wait3A_180, %dma_wait3A_181] : memref<10240x128xf32, #tpu.memory_space<hbm>> -> memref<128x128xf32, #tpu.memory_space<hbm>>
    tpu.wait_dma2 semaphore(%arg13 : memref<!tpu.dma_semaphore, #tpu.memory_space<semaphore_mem>>) src(%dma_wait3A_182 : memref<128x128xf32, #tpu.memory_space<hbm>>) dst(%arg11 : memref<128x128xf32, #tpu.memory_space<vmem>>)
    %dma_wait3A_183 = arith.constant 0 : i32
    %dma_wait3A_184 = arith.constant 0 : i32
    %dma_wait3A_185 = tpu.memref_slice %arg2[%dma_wait3A_183, %dma_wait3A_184] : memref<10240x128xf32, #tpu.memory_space<hbm>> -> memref<128x128xf32, #tpu.memory_space<hbm>>
    %dma_wait3A_186 = arith.constant 0 : i32
    %dma_wait3A_187 = arith.constant 0 : i32
    %dma_wait3A_188 = tpu.memref_slice %arg2[%dma_wait3A_186, %dma_wait3A_187] : memref<10240x128xf32, #tpu.memory_space<hbm>> -> memref<128x128xf32, #tpu.memory_space<hbm>>
    tpu.wait_dma2 semaphore(%arg20 : memref<!tpu.dma_semaphore, #tpu.memory_space<semaphore_mem>>) src(%dma_wait3A_188 : memref<128x128xf32, #tpu.memory_space<hbm>>) dst(%arg12 : memref<128x128xf32, #tpu.memory_space<vmem>>)
    %dma_wait3A_189 = arith.constant 0 : i32
    %dma_wait3A_190 = arith.constant 0 : i32
    %dma_wait3A_191 = tpu.memref_slice %arg3[%add3A, %dma_wait3A_189, %dma_wait3A_190] : memref<32x80x128xi32, #tpu.memory_space<hbm>> -> memref<1x1x128xi32, #tpu.memory_space<hbm>>
    %dma_wait3A_192 = tpu.memref_squeeze %dma_wait3A_191 : memref<1x1x128xi32, #tpu.memory_space<hbm>> -> memref<128xi32, #tpu.memory_space<hbm>>
    %dma_wait3A_193 = arith.constant 0 : i32
    %dma_wait3A_194 = tpu.memref_slice %arg3[%add3A, %dma_wait3A_189, %dma_wait3A_193] : memref<32x80x128xi32, #tpu.memory_space<hbm>> -> memref<1x1x128xi32, #tpu.memory_space<hbm>>
    %dma_wait3A_195 = tpu.memref_squeeze %dma_wait3A_194 : memref<1x1x128xi32, #tpu.memory_space<hbm>> -> memref<128xi32, #tpu.memory_space<hbm>>
    tpu.wait_dma2 semaphore(%arg18 : memref<!tpu.dma_semaphore, #tpu.memory_space<semaphore_mem>>) src(%dma_wait3A_195 : memref<128xi32, #tpu.memory_space<hbm>>) dst(%arg22 : memref<128xi32, #tpu.memory_space<vmem>>)
    %dma_wait3A_196 = arith.constant 0 : i32
    %dma_wait3A_197 = arith.constant 0 : i32
    %dma_wait3A_198 = tpu.memref_slice %arg5[%add3A, %dma_wait3A_196, %dma_wait3A_197] : memref<32x80x2048xf32, #tpu.memory_space<hbm>> -> memref<1x1x2048xf32, #tpu.memory_space<hbm>>
    %dma_wait3A_199 = tpu.memref_squeeze %dma_wait3A_198 : memref<1x1x2048xf32, #tpu.memory_space<hbm>> -> memref<2048xf32, #tpu.memory_space<hbm>>
    %dma_wait3A_200 = arith.constant 0 : i32
    %dma_wait3A_201 = tpu.memref_slice %arg5[%add3A, %dma_wait3A_196, %dma_wait3A_200] : memref<32x80x2048xf32, #tpu.memory_space<hbm>> -> memref<1x1x2048xf32, #tpu.memory_space<hbm>>
    %dma_wait3A_202 = tpu.memref_squeeze %dma_wait3A_201 : memref<1x1x2048xf32, #tpu.memory_space<hbm>> -> memref<2048xf32, #tpu.memory_space<hbm>>
    tpu.wait_dma2 semaphore(%arg18 : memref<!tpu.dma_semaphore, #tpu.memory_space<semaphore_mem>>) src(%dma_wait3A_202 : memref<2048xf32, #tpu.memory_space<hbm>>) dst(%arg24 : memref<2048xf32, #tpu.memory_space<vmem>>)
    %dma_wait3A_203 = arith.constant 0 : i32
    %dma_wait3A_204 = arith.constant 0 : i32
    %dma_wait3A_205 = tpu.memref_slice %arg3[%add3A, %dma_wait3A_203, %dma_wait3A_204] : memref<32x80x128xi32, #tpu.memory_space<hbm>> -> memref<1x1x128xi32, #tpu.memory_space<hbm>>
    %dma_wait3A_206 = tpu.memref_squeeze %dma_wait3A_205 : memref<1x1x128xi32, #tpu.memory_space<hbm>> -> memref<128xi32, #tpu.memory_space<hbm>>
    %dma_wait3A_207 = arith.constant 0 : i32
    %dma_wait3A_208 = tpu.memref_slice %arg3[%add3A, %dma_wait3A_203, %dma_wait3A_207] : memref<32x80x128xi32, #tpu.memory_space<hbm>> -> memref<1x1x128xi32, #tpu.memory_space<hbm>>
    %dma_wait3A_209 = tpu.memref_squeeze %dma_wait3A_208 : memref<1x1x128xi32, #tpu.memory_space<hbm>> -> memref<128xi32, #tpu.memory_space<hbm>>
    tpu.wait_dma2 semaphore(%arg15 : memref<!tpu.dma_semaphore, #tpu.memory_space<semaphore_mem>>) src(%dma_wait3A_209 : memref<128xi32, #tpu.memory_space<hbm>>) dst(%arg9 : memref<128xi32, #tpu.memory_space<vmem>>)
    %barrier3A_210 = arith.constant 0 : index
    tpu.barrier barrier_id(%barrier3A_210)
    %mul3A_211 = arith.constant 640 : i32
    %mul3A_212 = arith.muli %arg1, %mul3A_211 : i32
    %mul3A_213 = arith.constant 640 : i32
    %mul3A_214 = arith.muli %arg1, %mul3A_213 : i32
    "tpu.region"() ({
      %run_scoped3A = tpu.sem_alloc : memref<!tpu.dma_semaphore, #tpu.memory_space<semaphore_mem>>
      %dma_start3A_215 = arith.constant 0 : i32
      %dma_start3A_216 = tpu.memref_slice %arg7[%arg0, %mul3A_214, %dma_start3A_215] : memref<2x10240x128xf32, #tpu.memory_space<hbm>> -> memref<1x640x128xf32, #tpu.memory_space<hbm>>
      %dma_start3A_217 = tpu.memref_squeeze %dma_start3A_216 : memref<1x640x128xf32, #tpu.memory_space<hbm>> -> memref<640x128xf32, #tpu.memory_space<hbm>>
      %dma_start3A_218 = arith.constant 0 : i32
      %dma_start3A_219 = tpu.memref_slice %arg8[%mul3A_212, %dma_start3A_218] : memref<10240x128xf32, #tpu.memory_space<vmem_shared>> -> memref<640x128xf32, #tpu.memory_space<vmem_shared>>
      tpu.enqueue_dma source(%dma_start3A_219 : memref<640x128xf32, #tpu.memory_space<vmem_shared>>) target(%dma_start3A_217 : memref<640x128xf32, #tpu.memory_space<hbm>>) target_semaphore(%run_scoped3A : memref<!tpu.dma_semaphore, #tpu.memory_space<semaphore_mem>>)
      %dma_wait3A_220 = arith.constant 0 : i32
      %dma_wait3A_221 = tpu.memref_slice %arg7[%arg0, %mul3A_214, %dma_wait3A_220] : memref<2x10240x128xf32, #tpu.memory_space<hbm>> -> memref<1x640x128xf32, #tpu.memory_space<hbm>>
      %dma_wait3A_222 = tpu.memref_squeeze %dma_wait3A_221 : memref<1x640x128xf32, #tpu.memory_space<hbm>> -> memref<640x128xf32, #tpu.memory_space<hbm>>
      %dma_wait3A_223 = arith.constant 0 : i32
      %dma_wait3A_224 = tpu.memref_slice %arg8[%mul3A_212, %dma_wait3A_223] : memref<10240x128xf32, #tpu.memory_space<vmem_shared>> -> memref<640x128xf32, #tpu.memory_space<vmem_shared>>
      tpu.wait_dma2 semaphore(%run_scoped3A : memref<!tpu.dma_semaphore, #tpu.memory_space<semaphore_mem>>) src(%dma_wait3A_224 : memref<640x128xf32, #tpu.memory_space<vmem_shared>>) dst(%dma_wait3A_222 : memref<640x128xf32, #tpu.memory_space<hbm>>)
      tpu.yield
    }) : () -> ()
    return
  }
}

module attributes {stable_mosaic.version = 14 : i64} {
  func.func @_tc_prescale_body(%arg0: i32, %arg1: memref<512x128xf32, #tpu.memory_space<vmem>>, %arg2: memref<2x1x512xf32, #tpu.memory_space<vmem>>, %arg3: memref<512x128xf32, #tpu.memory_space<vmem>>) attributes {dimension_semantics = [#tpu.dimension_semantics<arbitrary>], iteration_bounds = array<i64: 20>, scalar_prefetch = 0 : i64, scratch_operands = 0 : i64, tpu.core_type = #tpu.core_type<tc>, window_params = [{transform_indices = @transform_0, window_bounds = array<i64: 512, 128>}, {transform_indices = @transform_1, window_bounds = array<i64: 2, 1, 512>}, {transform_indices = @transform_2, window_bounds = array<i64: 512, 128>}]} {
    %get3A = arith.constant 0 : index
    %get3A_0 = arith.constant 0 : index
    %get3A_1 = arith.constant 0 : index
    %get3A_2 = vector.load %arg2[%get3A, %get3A_0, %get3A_1] : memref<2x1x512xf32, #tpu.memory_space<vmem>>, vector<1x1x512xf32>
    %get3A_3 = vector.shape_cast %get3A_2 : vector<1x1x512xf32> to vector<512xf32>
    %get3A_4 = arith.constant 1 : index
    %get3A_5 = arith.constant 0 : index
    %get3A_6 = arith.constant 0 : index
    %get3A_7 = vector.load %arg2[%get3A_4, %get3A_5, %get3A_6] : memref<2x1x512xf32, #tpu.memory_space<vmem>>, vector<1x1x512xf32>
    %get3A_8 = vector.shape_cast %get3A_7 : vector<1x1x512xf32> to vector<512xf32>
    %add3A = arith.addf %get3A_3, %get3A_8 : vector<512xf32>
    %max3A = arith.constant 1.000000e+00 : f32
    %max3A_9 = vector.broadcast %max3A : f32 to vector<512xf32>
    %max3A_10 = arith.maximumf %add3A, %max3A_9 : vector<512xf32>
    %div3A = arith.constant 1.000000e+00 : f32
    %div3A_11 = vector.broadcast %div3A : f32 to vector<512xf32>
    %div3A_12 = arith.divf %div3A_11, %max3A_10 : vector<512xf32>
    %get3A_13 = arith.constant 0 : index
    %get3A_14 = arith.constant 0 : index
    %get3A_15 = vector.load %arg1[%get3A_13, %get3A_14] : memref<512x128xf32, #tpu.memory_space<vmem>>, vector<512x128xf32>
    %broadcast_in_dim3A = vector.shape_cast %div3A_12 : vector<512xf32> to vector<512x1xf32>
    %mul3A = vector.broadcast %broadcast_in_dim3A : vector<512x1xf32> to vector<512x128xf32>
    %mul3A_16 = arith.mulf %get3A_15, %mul3A : vector<512x128xf32>
    %swap3A = arith.constant 0 : index
    %swap3A_17 = arith.constant 0 : index
    %swap3A_18 = vector.load %arg3[%swap3A, %swap3A_17] : memref<512x128xf32, #tpu.memory_space<vmem>>, vector<512x128xf32>
    tpu.vector_store %arg3[%swap3A, %swap3A_17], %mul3A_16 {strides = array<i32>} : memref<512x128xf32, #tpu.memory_space<vmem>>, vector<512x128xf32>,
    return
  }
  func.func @transform_0(%arg0: i32) -> (i32, i32) {
    %c0_i32 = arith.constant 0 : i32
    %c0_i32_0 = arith.constant 0 : i32
    return %arg0, %c0_i32 : i32, i32
  }
  func.func @transform_1(%arg0: i32) -> (i32, i32, i32) {
    %c0_i32 = arith.constant 0 : i32
    %c0_i32_0 = arith.constant 0 : i32
    %c0_i32_1 = arith.constant 0 : i32
    return %c0_i32, %c0_i32_0, %arg0 : i32, i32, i32
  }
  func.func @transform_2(%arg0: i32) -> (i32, i32) {
    %c0_i32 = arith.constant 0 : i32
    %c0_i32_0 = arith.constant 0 : i32
    return %arg0, %c0_i32 : i32, i32
  }
}

module attributes {stable_mosaic.version = 14 : i64} {
  func.func @body(%arg0: i32, %arg1: memref<2x512x128xf32, #tpu.memory_space<vmem>>, %arg2: memref<128x128xf32, #tpu.memory_space<vmem>>, %arg3: memref<1x128xf32, #tpu.memory_space<vmem>>, %arg4: memref<128x1xf32, #tpu.memory_space<vmem>>, %arg5: memref<1x1xf32, #tpu.memory_space<vmem>>, %arg6: memref<128x1xf32, #tpu.memory_space<vmem>>, %arg7: memref<1x1xf32, #tpu.memory_space<vmem>>, %arg8: memref<512x1xf32, #tpu.memory_space<vmem>>, %arg9: memref<1x1xf32, #tpu.memory_space<vmem>>, %arg10: memref<1x128xf32, #tpu.memory_space<vmem>>) attributes {dimension_semantics = [#tpu.dimension_semantics<arbitrary>], iteration_bounds = array<i64: 20>, scalar_prefetch = 0 : i64, scratch_operands = 1 : i64, tpu.core_type = #tpu.core_type<tc>, window_params = [{transform_indices = @transform_0, window_bounds = array<i64: 2, 512, 128>}, {pipeline_mode = #tpu.pipeline_mode<synchronous>, transform_indices = @transform_1, window_bounds = array<i64: 128, 128>}, {pipeline_mode = #tpu.pipeline_mode<synchronous>, transform_indices = @transform_2, window_bounds = array<i64: 1, 128>}, {pipeline_mode = #tpu.pipeline_mode<synchronous>, transform_indices = @transform_3, window_bounds = array<i64: 128, 1>}, {pipeline_mode = #tpu.pipeline_mode<synchronous>, transform_indices = @transform_4, window_bounds = array<i64: 1, 1>}, {pipeline_mode = #tpu.pipeline_mode<synchronous>, transform_indices = @transform_5, window_bounds = array<i64: 128, 1>}, {pipeline_mode = #tpu.pipeline_mode<synchronous>, transform_indices = @transform_6, window_bounds = array<i64: 1, 1>}, {transform_indices = @transform_7, window_bounds = array<i64: 512, 1>}, {pipeline_mode = #tpu.pipeline_mode<synchronous>, transform_indices = @transform_8, window_bounds = array<i64: 1, 1>}]} {
    %get3A = arith.constant 0 : index
    %get3A_0 = arith.constant 0 : index
    %get3A_1 = arith.constant 0 : index
    %get3A_2 = vector.load %arg1[%get3A, %get3A_0, %get3A_1] : memref<2x512x128xf32, #tpu.memory_space<vmem>>, vector<1x512x128xf32>
    %get3A_3 = vector.shape_cast %get3A_2 : vector<1x512x128xf32> to vector<512x128xf32>
    %get3A_4 = arith.constant 1 : index
    %get3A_5 = arith.constant 0 : index
    %get3A_6 = arith.constant 0 : index
    %get3A_7 = vector.load %arg1[%get3A_4, %get3A_5, %get3A_6] : memref<2x512x128xf32, #tpu.memory_space<vmem>>, vector<1x512x128xf32>
    %get3A_8 = vector.shape_cast %get3A_7 : vector<1x512x128xf32> to vector<512x128xf32>
    %add3A = arith.addf %get3A_3, %get3A_8 : vector<512x128xf32>
    %get3A_9 = arith.constant 0 : index
    %get3A_10 = arith.constant 0 : index
    %get3A_11 = vector.load %arg2[%get3A_9, %get3A_10] : memref<128x128xf32, #tpu.memory_space<vmem>>, vector<128x128xf32>
    %dot_general3A = arith.constant dense<0.000000e+00> : vector<512x128xf32>
    %dot_general3A_12 = tpu.matmul %add3A, %get3A_11, %dot_general3A {dimension_numbers = #tpu.dot_dimension_numbers<[1], [0], [0], [1], [0, 0, 1, 1], [], []>, transpose_lhs_hint = false} : vector<512x128xf32>, vector<128x128xf32>, vector<512x128xf32> -> vector<512x128xf32>
    %get3A_13 = arith.constant 0 : index
    %get3A_14 = arith.constant 0 : index
    %get3A_15 = vector.load %arg3[%get3A_13, %get3A_14] : memref<1x128xf32, #tpu.memory_space<vmem>>, vector<1x128xf32>
    %add3A_16 = vector.broadcast %get3A_15 : vector<1x128xf32> to vector<512x128xf32>
    %add3A_17 = arith.addf %dot_general3A_12, %add3A_16 : vector<512x128xf32>
    %get3A_18 = arith.constant 0 : index
    %get3A_19 = arith.constant 0 : index
    %get3A_20 = vector.load %arg4[%get3A_18, %get3A_19] : memref<128x1xf32, #tpu.memory_space<vmem>>, vector<128x1xf32>
    %dot_general3A_21 = arith.constant dense<0.000000e+00> : vector<512x1xf32>
    %dot_general3A_22 = tpu.matmul %add3A_17, %get3A_20, %dot_general3A_21 {dimension_numbers = #tpu.dot_dimension_numbers<[1], [0], [0], [1], [0, 0, 1, 1], [], []>, transpose_lhs_hint = false} : vector<512x128xf32>, vector<128x1xf32>, vector<512x1xf32> -> vector<512x1xf32>
    %get3A_23 = arith.constant 0 : index
    %get3A_24 = arith.constant 0 : index
    %get3A_25 = vector.load %arg5[%get3A_23, %get3A_24] : memref<1x1xf32, #tpu.memory_space<vmem>>, vector<1x1xf32>
    %add3A_26 = vector.broadcast %get3A_25 : vector<1x1xf32> to vector<512x1xf32>
    %add3A_27 = arith.addf %dot_general3A_22, %add3A_26 : vector<512x1xf32>
    %swap3A = arith.constant 0 : index
    %swap3A_28 = arith.constant 0 : index
    %swap3A_29 = vector.load %arg8[%swap3A, %swap3A_28] : memref<512x1xf32, #tpu.memory_space<vmem>>, vector<512x1xf32>
    tpu.vector_store %arg8[%swap3A, %swap3A_28], %add3A_27 {strides = array<i32>} : memref<512x1xf32, #tpu.memory_space<vmem>>, vector<512x1xf32>,
    %reduce_sum3A = arith.constant dense<0.000000e+00> : vector<128xf32>
    %reduce_sum3A_30 = vector.multi_reduction <add>, %add3A, %reduce_sum3A [0] : vector<512x128xf32> to vector<128xf32>
    %broadcast_in_dim3A = vector.shape_cast %reduce_sum3A_30 : vector<128xf32> to vector<1x128xf32>
    %eq3A = arith.constant 0 : i32
    %eq3A_31 = arith.cmpi eq, %arg0, %eq3A : i32
    %convert_element_type3A = arith.extui %eq3A_31 : i1 to i32
    %cond3A = arith.constant 0 : i32
    %cond3A_32 = arith.cmpi ne, %convert_element_type3A, %cond3A : i32
    scf.if %cond3A_32 {
      %swap3A_42 = arith.constant 0 : index
      %swap3A_43 = arith.constant 0 : index
      %swap3A_44 = vector.load %arg10[%swap3A_42, %swap3A_43] : memref<1x128xf32, #tpu.memory_space<vmem>>, vector<1x128xf32>
      tpu.vector_store %arg10[%swap3A_42, %swap3A_43], %broadcast_in_dim3A {strides = array<i32>} : memref<1x128xf32, #tpu.memory_space<vmem>>, vector<1x128xf32>,
    } else {
    }
    %gt3A = arith.constant 0 : i32
    %gt3A_33 = arith.cmpi sgt, %arg0, %gt3A : i32
    %convert_element_type3A_34 = arith.extui %gt3A_33 : i1 to i32
    %cond3A_35 = arith.constant 0 : i32
    %cond3A_36 = arith.cmpi ne, %convert_element_type3A_34, %cond3A_35 : i32
    scf.if %cond3A_36 {
      %get3A_42 = arith.constant 0 : index
      %get3A_43 = arith.constant 0 : index
      %get3A_44 = vector.load %arg10[%get3A_42, %get3A_43] : memref<1x128xf32, #tpu.memory_space<vmem>>, vector<1x128xf32>
      %add3A_45 = arith.addf %get3A_44, %broadcast_in_dim3A : vector<1x128xf32>
      %swap3A_46 = arith.constant 0 : index
      %swap3A_47 = arith.constant 0 : index
      %swap3A_48 = vector.load %arg10[%swap3A_46, %swap3A_47] : memref<1x128xf32, #tpu.memory_space<vmem>>, vector<1x128xf32>
      tpu.vector_store %arg10[%swap3A_46, %swap3A_47], %add3A_45 {strides = array<i32>} : memref<1x128xf32, #tpu.memory_space<vmem>>, vector<1x128xf32>,
    } else {
    }
    %eq3A_37 = arith.constant 19 : i32
    %eq3A_38 = arith.cmpi eq, %arg0, %eq3A_37 : i32
    %convert_element_type3A_39 = arith.extui %eq3A_38 : i1 to i32
    %cond3A_40 = arith.constant 0 : i32
    %cond3A_41 = arith.cmpi ne, %convert_element_type3A_39, %cond3A_40 : i32
    scf.if %cond3A_41 {
      %get3A_42 = arith.constant 0 : index
      %get3A_43 = arith.constant 0 : index
      %get3A_44 = vector.load %arg10[%get3A_42, %get3A_43] : memref<1x128xf32, #tpu.memory_space<vmem>>, vector<1x128xf32>
      %div3A = arith.constant 1.000000e+04 : f32
      %div3A_45 = vector.broadcast %div3A : f32 to vector<1x128xf32>
      %div3A_46 = arith.divf %get3A_44, %div3A_45 : vector<1x128xf32>
      %get3A_47 = arith.constant 0 : index
      %get3A_48 = arith.constant 0 : index
      %get3A_49 = vector.load %arg2[%get3A_47, %get3A_48] : memref<128x128xf32, #tpu.memory_space<vmem>>, vector<128x128xf32>
      %dot_general3A_50 = arith.constant dense<0.000000e+00> : vector<1x128xf32>
      %dot_general3A_51 = tpu.matmul %div3A_46, %get3A_49, %dot_general3A_50 {dimension_numbers = #tpu.dot_dimension_numbers<[1], [0], [0], [1], [0, 0, 1, 1], [], []>, transpose_lhs_hint = false} : vector<1x128xf32>, vector<128x128xf32>, vector<1x128xf32> -> vector<1x128xf32>
      %get3A_52 = arith.constant 0 : index
      %get3A_53 = arith.constant 0 : index
      %get3A_54 = vector.load %arg3[%get3A_52, %get3A_53] : memref<1x128xf32, #tpu.memory_space<vmem>>, vector<1x128xf32>
      %add3A_55 = arith.addf %dot_general3A_51, %get3A_54 : vector<1x128xf32>
      %get3A_56 = arith.constant 0 : index
      %get3A_57 = arith.constant 0 : index
      %get3A_58 = vector.load %arg6[%get3A_56, %get3A_57] : memref<128x1xf32, #tpu.memory_space<vmem>>, vector<128x1xf32>
      %dot_general3A_59 = arith.constant dense<0.000000e+00> : vector<1x1xf32>
      %dot_general3A_60 = tpu.matmul %add3A_55, %get3A_58, %dot_general3A_59 {dimension_numbers = #tpu.dot_dimension_numbers<[1], [0], [0], [1], [0, 0, 1, 1], [], []>, transpose_lhs_hint = false} : vector<1x128xf32>, vector<128x1xf32>, vector<1x1xf32> -> vector<1x1xf32>
      %get3A_61 = arith.constant 0 : index
      %get3A_62 = arith.constant 0 : index
      %get3A_63 = vector.load %arg7[%get3A_61, %get3A_62] : memref<1x1xf32, #tpu.memory_space<vmem>>, vector<1x1xf32>
      %add3A_64 = arith.addf %dot_general3A_60, %get3A_63 : vector<1x1xf32>
      %swap3A_65 = arith.constant 0 : index
      %swap3A_66 = arith.constant 0 : index
      %swap3A_67 = vector.load %arg9[%swap3A_65, %swap3A_66] : memref<1x1xf32, #tpu.memory_space<vmem>>, vector<1x1xf32>
      tpu.vector_store %arg9[%swap3A_65, %swap3A_66], %add3A_64 {strides = array<i32>} : memref<1x1xf32, #tpu.memory_space<vmem>>, vector<1x1xf32>,
    } else {
    }
    return
  }
  func.func @transform_0(%arg0: i32) -> (i32, i32, i32) {
    %c0_i32 = arith.constant 0 : i32
    %c0_i32_0 = arith.constant 0 : i32
    %c0_i32_1 = arith.constant 0 : i32
    return %c0_i32, %arg0, %c0_i32_0 : i32, i32, i32
  }
  func.func @transform_1(%arg0: i32) -> (i32, i32) {
    %c0_i32 = arith.constant 0 : i32
    %c0_i32_0 = arith.constant 0 : i32
    %c0_i32_1 = arith.constant 0 : i32
    return %c0_i32, %c0_i32_0 : i32, i32
  }
  func.func @transform_2(%arg0: i32) -> (i32, i32) {
    %c0_i32 = arith.constant 0 : i32
    %c0_i32_0 = arith.constant 0 : i32
    %c0_i32_1 = arith.constant 0 : i32
    return %c0_i32, %c0_i32_0 : i32, i32
  }
  func.func @transform_3(%arg0: i32) -> (i32, i32) {
    %c0_i32 = arith.constant 0 : i32
    %c0_i32_0 = arith.constant 0 : i32
    %c0_i32_1 = arith.constant 0 : i32
    return %c0_i32, %c0_i32_0 : i32, i32
  }
  func.func @transform_4(%arg0: i32) -> (i32, i32) {
    %c0_i32 = arith.constant 0 : i32
    %c0_i32_0 = arith.constant 0 : i32
    %c0_i32_1 = arith.constant 0 : i32
    return %c0_i32, %c0_i32_0 : i32, i32
  }
  func.func @transform_5(%arg0: i32) -> (i32, i32) {
    %c0_i32 = arith.constant 0 : i32
    %c0_i32_0 = arith.constant 0 : i32
    %c0_i32_1 = arith.constant 0 : i32
    return %c0_i32, %c0_i32_0 : i32, i32
  }
  func.func @transform_6(%arg0: i32) -> (i32, i32) {
    %c0_i32 = arith.constant 0 : i32
    %c0_i32_0 = arith.constant 0 : i32
    %c0_i32_1 = arith.constant 0 : i32
    return %c0_i32, %c0_i32_0 : i32, i32
  }
  func.func @transform_7(%arg0: i32) -> (i32, i32) {
    %c0_i32 = arith.constant 0 : i32
    %c0_i32_0 = arith.constant 0 : i32
    return %arg0, %c0_i32 : i32, i32
  }
  func.func @transform_8(%arg0: i32) -> (i32, i32) {
    %c0_i32 = arith.constant 0 : i32
    %c0_i32_0 = arith.constant 0 : i32
    %c0_i32_1 = arith.constant 0 : i32
    return %c0_i32, %c0_i32_0 : i32, i32
  }
}

module attributes {stable_mosaic.version = 14 : i64} {
  func.func @_tc_mid_body(%arg0: i32, %arg1: memref<2x512x128xf32, #tpu.memory_space<vmem>>, %arg2: memref<128x128xf32, #tpu.memory_space<vmem>>, %arg3: memref<1x128xf32, #tpu.memory_space<vmem>>, %arg4: memref<2x1x512xf32, #tpu.memory_space<vmem>>, %arg5: memref<512x128xf32, #tpu.memory_space<vmem>>) attributes {dimension_semantics = [#tpu.dimension_semantics<arbitrary>], iteration_bounds = array<i64: 20>, scalar_prefetch = 0 : i64, scratch_operands = 0 : i64, tpu.core_type = #tpu.core_type<tc>, window_params = [{transform_indices = @transform_0, window_bounds = array<i64: 2, 512, 128>}, {pipeline_mode = #tpu.pipeline_mode<synchronous>, transform_indices = @transform_1, window_bounds = array<i64: 128, 128>}, {pipeline_mode = #tpu.pipeline_mode<synchronous>, transform_indices = @transform_2, window_bounds = array<i64: 1, 128>}, {transform_indices = @transform_3, window_bounds = array<i64: 2, 1, 512>}, {transform_indices = @transform_4, window_bounds = array<i64: 512, 128>}]} {
    %get3A = arith.constant 0 : index
    %get3A_0 = arith.constant 0 : index
    %get3A_1 = arith.constant 0 : index
    %get3A_2 = vector.load %arg1[%get3A, %get3A_0, %get3A_1] : memref<2x512x128xf32, #tpu.memory_space<vmem>>, vector<1x512x128xf32>
    %get3A_3 = vector.shape_cast %get3A_2 : vector<1x512x128xf32> to vector<512x128xf32>
    %get3A_4 = arith.constant 1 : index
    %get3A_5 = arith.constant 0 : index
    %get3A_6 = arith.constant 0 : index
    %get3A_7 = vector.load %arg1[%get3A_4, %get3A_5, %get3A_6] : memref<2x512x128xf32, #tpu.memory_space<vmem>>, vector<1x512x128xf32>
    %get3A_8 = vector.shape_cast %get3A_7 : vector<1x512x128xf32> to vector<512x128xf32>
    %add3A = arith.addf %get3A_3, %get3A_8 : vector<512x128xf32>
    %get3A_9 = arith.constant 0 : index
    %get3A_10 = arith.constant 0 : index
    %get3A_11 = vector.load %arg2[%get3A_9, %get3A_10] : memref<128x128xf32, #tpu.memory_space<vmem>>, vector<128x128xf32>
    %dot_general3A = arith.constant dense<0.000000e+00> : vector<512x128xf32>
    %dot_general3A_12 = tpu.matmul %add3A, %get3A_11, %dot_general3A {dimension_numbers = #tpu.dot_dimension_numbers<[1], [0], [0], [1], [0, 0, 1, 1], [], []>, transpose_lhs_hint = false} : vector<512x128xf32>, vector<128x128xf32>, vector<512x128xf32> -> vector<512x128xf32>
    %get3A_13 = arith.constant 0 : index
    %get3A_14 = arith.constant 0 : index
    %get3A_15 = vector.load %arg3[%get3A_13, %get3A_14] : memref<1x128xf32, #tpu.memory_space<vmem>>, vector<1x128xf32>
    %add3A_16 = vector.broadcast %get3A_15 : vector<1x128xf32> to vector<512x128xf32>
    %add3A_17 = arith.addf %dot_general3A_12, %add3A_16 : vector<512x128xf32>
    %max3A = arith.constant 0.000000e+00 : f32
    %max3A_18 = vector.broadcast %max3A : f32 to vector<512x128xf32>
    %max3A_19 = arith.maximumf %add3A_17, %max3A_18 : vector<512x128xf32>
    %get3A_20 = arith.constant 0 : index
    %get3A_21 = arith.constant 0 : index
    %get3A_22 = arith.constant 0 : index
    %get3A_23 = vector.load %arg4[%get3A_20, %get3A_21, %get3A_22] : memref<2x1x512xf32, #tpu.memory_space<vmem>>, vector<1x1x512xf32>
    %get3A_24 = vector.shape_cast %get3A_23 : vector<1x1x512xf32> to vector<512xf32>
    %get3A_25 = arith.constant 1 : index
    %get3A_26 = arith.constant 0 : index
    %get3A_27 = arith.constant 0 : index
    %get3A_28 = vector.load %arg4[%get3A_25, %get3A_26, %get3A_27] : memref<2x1x512xf32, #tpu.memory_space<vmem>>, vector<1x1x512xf32>
    %get3A_29 = vector.shape_cast %get3A_28 : vector<1x1x512xf32> to vector<512xf32>
    %add3A_30 = arith.addf %get3A_24, %get3A_29 : vector<512xf32>
    %max3A_31 = arith.constant 1.000000e+00 : f32
    %max3A_32 = vector.broadcast %max3A_31 : f32 to vector<512xf32>
    %max3A_33 = arith.maximumf %add3A_30, %max3A_32 : vector<512xf32>
    %div3A = arith.constant 1.000000e+00 : f32
    %div3A_34 = vector.broadcast %div3A : f32 to vector<512xf32>
    %div3A_35 = arith.divf %div3A_34, %max3A_33 : vector<512xf32>
    %broadcast_in_dim3A = vector.shape_cast %div3A_35 : vector<512xf32> to vector<512x1xf32>
    %mul3A = vector.broadcast %broadcast_in_dim3A : vector<512x1xf32> to vector<512x128xf32>
    %mul3A_36 = arith.mulf %max3A_19, %mul3A : vector<512x128xf32>
    %swap3A = arith.constant 0 : index
    %swap3A_37 = arith.constant 0 : index
    %swap3A_38 = vector.load %arg5[%swap3A, %swap3A_37] : memref<512x128xf32, #tpu.memory_space<vmem>>, vector<512x128xf32>
    tpu.vector_store %arg5[%swap3A, %swap3A_37], %mul3A_36 {strides = array<i32>} : memref<512x128xf32, #tpu.memory_space<vmem>>, vector<512x128xf32>,
    return
  }
  func.func @transform_0(%arg0: i32) -> (i32, i32, i32) {
    %c0_i32 = arith.constant 0 : i32
    %c0_i32_0 = arith.constant 0 : i32
    %c0_i32_1 = arith.constant 0 : i32
    return %c0_i32, %arg0, %c0_i32_0 : i32, i32, i32
  }
  func.func @transform_1(%arg0: i32) -> (i32, i32) {
    %c0_i32 = arith.constant 0 : i32
    %c0_i32_0 = arith.constant 0 : i32
    %c0_i32_1 = arith.constant 0 : i32
    return %c0_i32, %c0_i32_0 : i32, i32
  }
  func.func @transform_2(%arg0: i32) -> (i32, i32) {
    %c0_i32 = arith.constant 0 : i32
    %c0_i32_0 = arith.constant 0 : i32
    %c0_i32_1 = arith.constant 0 : i32
    return %c0_i32, %c0_i32_0 : i32, i32
  }
  func.func @transform_3(%arg0: i32) -> (i32, i32, i32) {
    %c0_i32 = arith.constant 0 : i32
    %c0_i32_0 = arith.constant 0 : i32
    %c0_i32_1 = arith.constant 0 : i32
    return %c0_i32, %c0_i32_0, %arg0 : i32, i32, i32
  }
  func.func @transform_4(%arg0: i32) -> (i32, i32) {
    %c0_i32 = arith.constant 0 : i32
    %c0_i32_0 = arith.constant 0 : i32
    return %arg0, %c0_i32 : i32, i32
  }
}

</mosaic_0001>

<sc_bundles>
// kernel: kernel.11.cloned.1.call-start
scs
__scs_entry_jumppad:
0x0: {  	(pc) =	sbr.rel $0x88, $3  }
0x1: {  	(tag) =	ssettag $0x0;
	lr =	simm.s32 $0x1  }
0x2: {  	[smem:$0x3F96] =	sst lr;
	_ =	strace $0xD0000000  }
0x3: {  	_ = 	snop  }
0x4: {  	_ = 	snop  }
0x5: {  	_ = 	snop  }
0x6: {  	_ = 	snop  }
0x7: {  	_ = 	snop  }
__scs_overlays_trampoline_lowered:
0x8: {  	[smem:$0x3FA5] =	sst s0  }
0x9: {  	[smem:$0x3FA6] =	sst s1  }
0xa: {  	[smem:$0x3FA7] =	sst s2  }
0xb: {  	[smem:$0x3FA8] =	sst s3  }
0xc: {  	[smem:$0x3FA9] =	sst s4  }
0xd: {  	[smem:$0x3FAA] =	sst s5  }
0xe: {  	[smem:$0x3FAB] =	sst s6  }
0xf: {  	[smem:$0x3FAC] =	sst s7  }
0x10: {  	[smem:$0x3FAD] =	sst s8  }
0x11: {  	[smem:$0x3FAE] =	sst s9;
	s0 =	simm.s32 @!p0 $0x0  }
0x12: {  	s1 =	sld [smem:$0x3F94];
	s0 =	simm.s32 @p0 $0x1  }
0x13: {  	[smem:$0x3FAF] =	sst s0;
	s0 =	simm.s32 @!p1 $0x0  }
0x14: {  	s2 =	sld [smem:$0x3F93];
	s0 =	simm.s32 @p1 $0x1  }
0x15: {  	[smem:$0x3FB0] =	sst s0;
	s0 =	simm.s32 @!p2 $0x0  }
0x16: {  	s3 =	sld [smem:$0x3FDB];
	s0 =	simm.s32 @p2 $0x1  }
0x17: {  	s4 =	simm.s32 $0x1BF5;
	[smem:$0x3FB2] =	sst s0  }
0x18: {  	s0 =	sld [smem:$0x3F95];
	_ =	swait.ge [sflag:s4], $0x0  }
0x19: {  	s7 =	sld [smem:$0x3F96]  }
0x1a: {  	s8 =	sadd.s32 $0xFFFFE003, lr  }
0x1b: {  	s9 =	sadd.s32 $0xFFFFFEF7, lr;
	s5 =	simm.s32 $0xFFFFFFFF;
	p2 =	slt.u32 s8, $0xFFFFF086  }
0x1c: {  	p1 =	slt.u32 s9, $0xF7A;
	s5 =	simm.s32 @!p2 $0x0  }
0x1d: {  	s5 =	simm.s32 @p1 $0x1;
	p0 =	seq.s32 s7, s2  }
0x1e: {  	s7 =	smul.u32 @!p0 $0xF7A, s2;
	p2 =	seq.s32 @!p0 s5, $0x0  }
0x1f: {  	s9 =	smul.u32 $0xF7A, s1;
	s8 =	simm.s32 @!p0 $0x1BF5;
	p2 =	por !p2, p0  }
0x20: {  	[sflag:s8] =	ssyncset.s32 @!p0 $0xFFFFF086;
	s6 =	sadd.s32 @!p0 s3, s7;
	s7 =	simm.s32 @!p0 $0x108  }
0x21: {  	s3 =	sadd.s32 s3, s9;
	s6 =	sadd.s32 @!p0 $0x88, s6;
	s7 =	simm.s32 @p2 $0x1082  }
0x22: {  	[simem:s7], [sflag:s8] =	dma.local @!p0 [hbm:s6], $0xF7A  }
0x23: {  	s9 =	sor.u32 $0xD0000000, s2;
	s6 =	simm.s32 $0x108;
	_ =	swait.ge @!p0 [sflag:s8], $0x0  }
0x24: {  	s3 =	sadd.s32 $0x88, s3;
	s6 =	simm.s32 @!p1 $0x1082;
	[sflag:s4] =	ssyncset.s32 $0xFFFFF086  }
0x25: {  	[simem:s6], [sflag:s4] =	dma.local [hbm:s3], $0xF7A  }
0x26: {  	[smem:$0x3F96] =	sst s1;
	(tag) =	ssettag s2;
	_ =	strace s9  }
0x27: {  	s1 =	sld [smem:$0x3FA6]  }
0x28: {  	s2 =	sld [smem:$0x3FA7]  }
0x29: {  	s4 =	sld [smem:$0x3FA9]  }
0x2a: {  	p0 =	seq.s32 s5, $0x0;
	s5 =	sld [smem:$0x3FAA]  }
0x2b: {  	s6 =	sld [smem:$0x3FAB]  }
0x2c: {  	s7 =	sld [smem:$0x3FAC]  }
0x2d: {  	s3 =	simm.s32 $0x108;
	s8 =	sld [smem:$0x3FAD]  }
0x2e: {  	s3 =	simm.s32 @!p0 $0x1082;
	s9 =	sld [smem:$0x3FAE]  }
0x2f: {  	lr =	sadd.s32 s0, s3;
	s0 =	sld [smem:$0x3FA5]  }
0x30: {  	s3 =	sld [smem:$0x3FA8]  }
0x31: {  	[smem:$0x3FB1] =	sst s10  }
0x32: {  	s10 =	sld [smem:$0x3FAF];
	_ =	sdelay $0x3  }
0x33: {  	p0 =	seq.s32 s10, $0x1;
	s10 =	sld [smem:$0x3FB1];
	_ =	sdelay $0x3  }
0x34: {  	[smem:$0x3FB1] =	sst s10  }
0x35: {  	s10 =	sld [smem:$0x3FB0];
	_ =	sdelay $0x3  }
0x36: {  	p1 =	seq.s32 s10, $0x1;
	s10 =	sld [smem:$0x3FB1];
	_ =	sdelay $0x3  }
0x37: {  	[smem:$0x3FB1] =	sst s10  }
0x38: {  	s10 =	sld [smem:$0x3FB2]  }
0x39: {  	_ = 	snop;
	(pc) =	sbr.ind lr, $3  }
0x3a: {  	_ = 	snop  }
0x3b: {  	_ = 	snop  }
0x3c: {  	p2 =	seq.s32 s10, $0x1;
	s10 =	sld [smem:$0x3FB1]  }
0x3d: {  	_ =	shalt  }
0x3e: {  	_ =	shalt  }
0x3f: {  	_ =	shalt  }
0x40: {  	_ =	shalt  }
0x41: {  	_ =	shalt  }
0x42: {  	_ =	shalt  }
0x43: {  	_ =	shalt  }
0x44: {  	_ =	shalt  }
0x45: {  	_ =	shalt  }
0x46: {  	_ =	shalt  }
0x47: {  	_ =	shalt  }
0x48: {  	_ =	shalt  }
0x49: {  	_ =	shalt  }
0x4a: {  	_ =	shalt  }
0x4b: {  	_ =	shalt  }
0x4c: {  	_ =	shalt  }
0x4d: {  	_ =	shalt  }
0x4e: {  	_ =	shalt  }
0x4f: {  	_ =	shalt  }
0x50: {  	_ =	shalt  }
0x51: {  	_ =	shalt  }
0x52: {  	_ =	shalt  }
0x53: {  	_ =	shalt  }
0x54: {  	_ =	shalt  }
0x55: {  	_ =	shalt  }
0x56: {  	_ =	shalt  }
0x57: {  	_ =	shalt  }
0x58: {  	_ =	shalt  }
0x59: {  	_ =	shalt  }
0x5a: {  	_ =	shalt  }
0x5b: {  	_ =	shalt  }
0x5c: {  	_ =	shalt  }
0x5d: {  	_ =	shalt  }
0x5e: {  	_ =	shalt  }
0x5f: {  	_ =	shalt  }
0x60: {  	_ =	shalt  }
0x61: {  	_ =	shalt  }
0x62: {  	_ =	shalt  }
0x63: {  	_ =	shalt  }
0x64: {  	_ =	shalt  }
0x65: {  	_ =	shalt  }
0x66: {  	_ =	shalt  }
0x67: {  	_ =	shalt  }
0x68: {  	_ =	shalt  }
0x69: {  	_ =	shalt  }
0x6a: {  	_ =	shalt  }
0x6b: {  	_ =	shalt  }
0x6c: {  	_ =	shalt  }
0x6d: {  	_ =	shalt  }
0x6e: {  	_ =	shalt  }
0x6f: {  	_ =	shalt  }
0x70: {  	_ =	shalt  }
0x71: {  	_ =	shalt  }
0x72: {  	_ =	shalt  }
0x73: {  	_ =	shalt  }
0x74: {  	_ =	shalt  }
0x75: {  	_ =	shalt  }
0x76: {  	_ =	shalt  }
0x77: {  	_ =	shalt  }
0x78: {  	_ =	shalt  }
0x79: {  	_ =	shalt  }
0x7a: {  	_ =	shalt  }
0x7b: {  	_ =	shalt  }
0x7c: {  	_ =	shalt  }
0x7d: {  	_ =	shalt  }
0x7e: {  	_ =	shalt  }
0x7f: {  	_ =	shalt  }
0x80: {  	_ =	shalt  }
0x81: {  	_ =	shalt  }
0x82: {  	_ =	shalt  }
0x83: {  	_ =	shalt  }
0x84: {  	_ =	shalt  }
0x85: {  	_ =	shalt  }
0x86: {  	_ =	shalt  }
0x87: {  	_ =	shalt  }
.Lfunc_end0:
.L_simem_size_0:
called_computation.1_lowered:
.L_overlay_start_0:
0x88: {  	s2 =	sld [smem:$0x3FD9]  }
0x89: {  	s3 =	sld [smem:$0x3FFE];
	_ =	sdelay $0x1  }
0x8a: {  	s1 =	srdreg.scid  }
0x8b: {  	s0 =	sand.u32 $0x1, s1  }
0x8c: {  	s16 =	sshll.u32 s0, $0xA;
	s2 =	sadd.s32 s3, s2  }
0x8d: {  	s2 =	sadd.s32 s2, s16  }
0x8e: {  	[smem:$0x3FBD] =	sst s2  }
0x8f: {  	_ = 	snop  }
0x90: {  	(tm) =	ssettm $0x1  }
0x91: {  	s17 =	sld [smem:$0x3FFB];
	_ =	sdelay $0x3  }
0x92: {  	_ =	strace s17  }
0x93: {  	s2 =	sld [smem:$0x3FFC];
	_ =	sdelay $0x3  }
0x94: {  	_ =	strace s2  }
0x95: {  	s2 =	sld [smem:$0x3FFD];
	_ =	sdelay $0x3  }
0x96: {  	_ =	strace s2  }
0x97: {  	_ =	strace $0x8FFFFFFF  }
0x98: {  	s18 =	sld [smem:$0x3FDB];
	_ =	sdelay $0x1  }
0x99: {  	s19 =	simm.s32 $_scs_section_size  }
0x9a: {  	s4 =	simm.s32 $_size__tile_overlayer_lowered;
	s5 =	simm.s32 $_tile_overlayer_lowered  }
0x9b: {  	s22 =	simm.s32 $0x1BFF;
	s21 =	sshll.u32 s5, $0x1;
	s2 =	sadd.s32 s19, s18  }
0x9c: {  	s6 =	simm.s32 $0x0;
	s20 =	sshll.u32 s4, $0x1;
	s4 =	sadd.s32 s21, s2  }
0x9d: {  	[timem:s6], [sflag:s22] =	dma.local [hbm:s4], s20  }
0x9e: {  	_ =	swait.ge [sflag:s22], s20  }
0x9f: {  	s3 =	ssub.s32 $0x0, s20;
	[sflag:s22] =	ssyncset.done $0x0  }
0xa0: {  	[sflag:s22] =	ssyncadd.s32 s3;
	_ =	sdelay $0x1  }
0xa1: {  	s23 =	simm.s32 $0x1B8B  }
0xa2: {  	_ =	swait.ge [sflag:s23], $0x1  }
0xa3: {  	[sflag:s23] =	ssyncset.done $0x0  }
0xa4: {  	s25 =	simm.s32 $0x1B8E;
	s24 =	sld [smem:$0x3FFE];
	[sflag:s23] =	ssyncadd.s32 $0xFFFFFFFF  }
0xa5: {  	s26 =	simm.s32 $execute0_lowered;
	[smem:$0x3FD2] =	sst s25  }
0xa6: {  	s4 =	sshll.u32 s26, $0x1;
	_ =	strace $0x80000049;
	[dreg:$0x1] =	wrdreg $0xFFFFFFFF  }
0xa7: {  	s28 =	simm.s32 $_size_execute0_lowered;
	s2 =	sadd.s32 s2, s4;
	[dreg:$0x0] =	wrdreg $0x0  }
0xa8: {  	s4 =	sshll.u32 s28, $0x1;
	[dreg:$0x2] =	wrdreg s2  }
0xa9: {  	[dreg:$0x3] =	wrdreg s4  }
0xaa: {  	[dreg:$0x4] =	wrdreg $0xC0  }
0xab: {  	_ =	task [dreg:s6], $0x5FFFF  }
0xac: {  	[dreg:$0x1] =	wrdreg $0xFFFFFFFF  }
0xad: {  	[dreg:$0x0] =	wrdreg $0x60  }
0xae: {  	[dreg:$0x2] =	wrdreg s24  }
0xaf: {  	[dreg:$0x3] =	wrdreg $0x0  }
0xb0: {  	[dreg:$0x4] =	wrdreg $0x9  }
0xb1: {  	_ =	task.clear_ibuf [dreg:s6], $0x5FFFF;
	_ =	strace $0x90000049  }
0xb2: {  	s29 =	simm.s32 $0x9;
	_ =	strace $0x8000004B  }
0xb3: {  	_ =	swait.ge [sflag:s29], $0x1  }
0xb4: {  	[sflag:s29] =	ssyncadd.s32 $0xFFFFFFFF  }
0xb5: {  	_ =	strace $0x9000004B  }
0xb6: {  	_ =	sfence  }
0xb7: {  	s30 =	sld [smem:$0x0];
	_ =	sdelay $0x2  }
0xb8: {  	s31 =	sshll.u32 s1, $0xD;
	s1 =	sshrl.u32 s1, $0x2  }
0xb9: {  	s3 =	sand.u32 $0x4000, s31;
	s1 =	sadd.s32 s1, s30  }
0xba: {  	s0 =	sor.u32 s3, s0;
	s1 =	sshll.u32 s1, $0x11  }
0xbb: {  	s0 =	sor.u32 s1, s0  }
0xbc: {  	s0 =	sadd.s32 $0x8F2B, s0  }
0xbd: {  	[sflag:s0] =	ssyncadd.remote.s32 $0x1  }
0xbe: {  	_ =	sfence.sel $0xFFFF  }
0xbf: {  	[dreg:$0x0] =	wrdreg $0xFFFFFFFF;
	(pc) =	sbr.abs _section_cstart, $3  }
0xc0: {  	[dreg:$0x1] =	wrdreg $0xFFFFFFFF  }
0xc1: {  	_ =	task.clear_ibuf [dreg:s6], $0x2FFFF;
	_ =	strace $0x9FFFFFFF  }
0xc2: {  	(tm) =	ssettm $0x7FFFFFFF  }
0xc3: {  	_ =	shalt  }
tec
execute0_lowered:
.L_overlay_start_1:
0x0: {  	(tag) =	ssettag $0x1  }
0x1: {  	s0 =	rddreg [dreg:$0x0]  }
0x2: {  	s1 =	rddreg [dreg:$0x1]  }
0x3: {  	s2 =	simm.s32 $0x0;
	s3 =	srdreg.scid;
	s13 =	stileid.u32  }
0x4: {  	s28 =	simm.s32 $0x1C100;
	s29 =	simm.s32 $0x80;
	s30 =	simm.s32 $0x400  }
0x5: {  	s31 =	simm.s32 $0x1C200;
	[smem:$0x7FF] =	sst s2;
	s3 =	sand.u32 $0x1, s3  }
0x6: {  	s4 =	sadd.s32 $0x23400, s0;
	s5 =	sadd.s32 $0xF400, s0;
	s6 =	sadd.s32 $0x19400, s0  }
0x7: {  	s9 =	smul.u32 $0x14000, s13;
	s7 =	sadd.s32 $0x123400, s0;
	s10 =	sadd.s32 $0xC200, s0  }
0x8: {  	s11 =	smul.u32 $0x50000, s13;
	s15 =	sshll.u32 s13, $0x6;
	_ =	strace $0x8000004A  }
0x9: {  	s8 =	smul.u32 $0x140000, s3;
	s12 =	sshll.u32 s3, $0x4;
	s3 =	ssub.s32 $0x2, s3  }
0xa: {  	[dreg:$0x3] =	wrdreg s10;
	s10 =	sor.u32 s13, s12;
	s12 =	sshrl.u32 s3, $0x1  }
0xb: {  	s11 =	sshrl.u32 s11, $0x2;
	s8 =	sadd.s32 s9, s8;
	s9 =	smul.u32 $0x2800, s10  }
0xc: {  	s13 =	sor.u32 $0x1C09, s15;
	s10 =	smul.u32 $0x28000, s10;
	s3 =	ssub.s32 s3, s12  }
0xd: {  	s14 =	sadd.s32 s11, s1;
	s11 =	simm.s32 $0x14080;
	[dreg:$0x5] =	wrdreg s13  }
0xe: {  	[dreg:$0x4] =	wrdreg s14;
	s26 =	smax.u32 s3, $0x1;
	s16 =	sshrl.u32 s9, $0x3  }
0xf: {  	s8 =	sshrl.u32 s8, $0x3;
	[dreg:$0x12] =	wrdreg s26;
	s20 =	sadd.s32 s6, s16  }
0x10: {  	s17 =	sshrl.u32 s10, $0x3;
	s14 =	sadd.s32 s5, s16;
	[dreg:$0xa] =	wrdreg s20  }
0x11: {  	s0 =	sadd.s32 s8, s0;
	s12 =	sadd.s32 s7, s17;
	[dreg:$0x7] =	wrdreg s14  }
0x12: {  	s18 =	sor.u32 $0x10, s16;
	s0 =	sadd.s32 $0x4B400, s0;
	[dreg:$0x6] =	wrdreg s12  }
0x13: {  	s3 =	simm.s32 $0x1CA00;
	s15 =	sadd.s32 s5, s18;
	[dreg:$0x11] =	wrdreg s0  }
0x14: {  	s21 =	sadd.s32 $0x4F0, s16;
	s19 =	sadd.s32 $0x10, s12;
	[dreg:$0x8] =	wrdreg s15  }
0x15: {  	s16 =	simm.s32 $0x14100;
	s8 =	sadd.s32 s6, s18;
	[dreg:$0x9] =	wrdreg s19  }
0x16: {  	s17 =	simm.s32 $0x1;
	s22 =	sadd.s32 $0x20, s14;
	[dreg:$0xb] =	wrdreg s8  }
0x17: {  	s23 =	sadd.s32 $0x20, s12;
	s24 =	sadd.s32 s6, s21;
	[dreg:$0xc] =	wrdreg s22  }
0x18: {  	s25 =	sadd.s32 $0x4870, s12;
	s0 =	simm.s32 $0x1C180;
	[dreg:$0xd] =	wrdreg s23  }
0x19: {  	s18 =	simm.s32 $0x6;
	s20 =	simm.s32 $0x3;
	[dreg:$0xe] =	wrdreg s24  }
0x1a: {  	s14 =	simm.s32 $0x8;
	s8 =	sadd.s32 s5, s21;
	[dreg:$0x10] =	wrdreg s25  }
0x1b: {  	s24 =	simm.s32 $0x9;
	s15 =	simm.s32 $0x5;
	s19 =	simm.s32 $0x18100  }
0x1c: {  	s21 =	simm.s32 $0x2;
	s22 =	simm.s32 $0x7;
	s23 =	simm.s32 $0x4  }
0x1d: {  	s25 =	simm.s32 $0x0;
	[dreg:$0xf] =	wrdreg s8;
	s8 =	simm.s32 $0x14000  }
.LBB2_1:
0x1e: {  	[dreg:$0x13] =	wrdreg s25  }
0x1f: {  	s12 =	rddreg [dreg:$0x4]  }
0x20: {  	s26 =	rddreg [dreg:$0x3];
	s12 =	sshrl.u32 s12, $0x3  }
0x21: {  	[dreg:$0x14] =	wrdreg s12  }
0x22: {  	[spmem:s12], [sflag:s13] =	dma.local [hbm:s26], $0x2800  }
0x23: {  	_ =	swait.ge [sflag:s24], $0x2800  }
0x24: {  	[sflag:s24] =	ssyncset.done $0x0  }
0x25: {  	[sflag:s24] =	ssyncadd.s32 $0xFFFFD800  }
0x26: {  	[bflag:$0x0] =	sbarrier.arrive $0xFFFF  }
0x27: {  	s25 =	rddreg [dreg:$0x7]  }
0x28: {  	[tilespmem:s28], [sflag:$0x5] =	stream.linear.gather [hbm4b:s25+s2], $0x80, $0x38;
	[tilespmem:$0x1D200] =	vst v63  }
0x29: {  	s26 =	rddreg [dreg:$0x6]  }
0x2a: {  	[tilespmem:s31], [sflag:$0x5] =	stream.strided.gather [hbm4b:s26+s29], $0x800, s30, s29, $0x38;
	[tilespmem:$0x1D200] =	vst v63  }
0x2b: {  	s13 =	rddreg [dreg:$0x8]  }
0x2c: {  	[tilespmem:s0], [sflag:$0x6] =	stream.linear.gather [hbm4b:s13+s2], $0x80, $0x38;
	[tilespmem:$0x1D200] =	vst v63  }
0x2d: {  	s24 =	rddreg [dreg:$0x9]  }
0x2e: {  	[tilespmem:s3], [sflag:$0x6] =	stream.strided.gather [hbm4b:s24+s29], $0x800, s30, s29, $0x38;
	[tilespmem:$0x1D200] =	vst v63  }
0x2f: {  	s25 =	rddreg [dreg:$0xa]  }
0x30: {  	[tilespmem:s8], [sflag:$0x3] =	stream.linear.gather [hbm4b:s25+s2], $0x80, $0x38;
	[tilespmem:$0x1D200] =	vst v63  }
0x31: {  	s26 =	rddreg [dreg:$0xb]  }
0x32: {  	[tilespmem:s11], [sflag:$0x4] =	stream.linear.gather [hbm4b:s26+s2], $0x80, $0x38;
	[tilespmem:$0x1D200] =	vst v63  }
0x33: {  	_ =	swait.ge [sflag:s15], $0x80  }
0x34: {  	[sflag:s15] =	ssyncset.done $0x0  }
0x35: {  	[sflag:s15] =	ssyncadd.s32 $0xFFFFFF80  }
0x36: {  	_ =	swait.ge [sflag:s15], $0x800  }
0x37: {  	[sflag:s15] =	ssyncset.done $0x0  }
0x38: {  	[sflag:s15] =	ssyncadd.s32 $0xFFFFF800  }
0x39: {  	[tilespmem:s16], [sflag:$0x1] =	stream.indirect.gather [hbm4b:s4+s29], $0x80, s28, s29, $0xb8;
	[tilespmem:$0x1D200] =	vst v63  }
0x3a: {  	_ =	swait.ge [sflag:s17], $0x4000  }
0x3b: {  	[sflag:s17] =	ssyncset.done $0x0  }
0x3c: {  	[sflag:s17] =	ssyncadd.s32 $0xFFFFC000  }
0x3d: {  	_ =	swait.ge [sflag:s18], $0x80  }
0x3e: {  	[sflag:s18] =	ssyncset.done $0x0  }
0x3f: {  	[sflag:s18] =	ssyncadd.s32 $0xFFFFFF80  }
0x40: {  	_ =	swait.ge [sflag:s18], $0x800  }
0x41: {  	[sflag:s18] =	ssyncset.done $0x0  }
0x42: {  	[sflag:s18] =	ssyncadd.s32 $0xFFFFF800  }
0x43: {  	[tilespmem:s19], [sflag:$0x2] =	stream.indirect.gather [hbm4b:s4+s29], $0x80, s0, s29, $0xb8;
	[tilespmem:$0x1D200] =	vst v63  }
0x44: {  	s13 =	rddreg [dreg:$0xc]  }
0x45: {  	[tilespmem:s28], [sflag:$0x5] =	stream.linear.gather [hbm4b:s13+s2], $0x80, $0x38;
	[tilespmem:$0x1D200] =	vst v63  }
0x46: {  	s24 =	rddreg [dreg:$0xd]  }
0x47: {  	[tilespmem:s31], [sflag:$0x5] =	stream.strided.gather [hbm4b:s24+s29], $0x800, s30, s29, $0x38;
	[tilespmem:$0x1D200] =	vst v63  }
0x48: {  	_ =	swait.ge [sflag:s20], $0x80  }
0x49: {  	[sflag:s20] =	ssyncset.done $0x0  }
0x4a: {  	[sflag:s20] =	ssyncadd.s32 $0xFFFFFF80  }
0x4b: {  	[spmem:s1] =	stream.indirect.scatter.add.f32 [tilespmem:s16], [sflag:$0x7], $0x80, s8, s29, $0xb8;
	[tilespmem:$0x1D200] =	vst v63  }
0x4c: {  	s25 =	simm.s32 $0x100;
	_ =	swait.ge [sflag:s21], $0x4000  }
0x4d: {  	s26 =	sand.u32 $0x7C00, s25;
	[sflag:s21] =	ssyncset.done $0x0  }
0x4e: {  	s12 =	sand.u32 $0x300, s25;
	s13 =	sadd.s32 s9, s26;
	[sflag:s21] =	ssyncadd.s32 $0xFFFFC000  }
0x4f: {  	s12 =	sor.u32 s12, s13;
	_ =	swait.ge [sflag:s22], $0x4000  }
0x50: {  	s12 =	sshrl.u32 s12, $0x3;
	[sflag:s22] =	ssyncset.done $0x0  }
0x51: {  	s12 =	sadd.s32 s6, s12;
	[sflag:s22] =	ssyncadd.s32 $0xFFFFC000  }
0x52: {  	[tilespmem:s8], [sflag:$0x3] =	stream.linear.gather [hbm4b:s12+s2], $0x80, $0x38;
	[tilespmem:$0x1D200] =	vst v63  }
0x53: {  	_ =	swait.ge [sflag:s15], $0x80  }
0x54: {  	[sflag:s15] =	ssyncset.done $0x0  }
0x55: {  	s24 =	simm.s32 $0x180;
	[sflag:s15] =	ssyncadd.s32 $0xFFFFFF80  }
0x56: {  	s25 =	sadd.s32 $0x0, s9;
	s12 =	sand.u32 $0x380, s24;
	_ =	swait.ge [sflag:s15], $0x800  }
0x57: {  	s26 =	sadd.s32 $0x0, s10;
	s13 =	sor.u32 s12, s25;
	[sflag:s15] =	ssyncset.done $0x0  }
0x58: {  	s12 =	sor.u32 s12, s26;
	s13 =	sshrl.u32 s13, $0x3;
	[sflag:s15] =	ssyncadd.s32 $0xFFFFF800  }
0x59: {  	[tilespmem:s16], [sflag:$0x1] =	stream.indirect.gather [hbm4b:s4+s29], $0x80, s28, s29, $0xb8;
	[tilespmem:$0x1D200] =	vst v63  }
0x5a: {  	s12 =	sshrl.u32 s12, $0x3;
	s24 =	sadd.s32 s5, s13  }
0x5b: {  	[tilespmem:s0], [sflag:$0x6] =	stream.linear.gather [hbm4b:s24+s2], $0x80, $0x38;
	[tilespmem:$0x1D200] =	vst v63  }
0x5c: {  	s12 =	sadd.s32 s7, s12  }
0x5d: {  	[tilespmem:s3], [sflag:$0x6] =	stream.strided.gather [hbm4b:s12+s29], $0x800, s30, s29, $0x38;
	[tilespmem:$0x1D200] =	vst v63  }
0x5e: {  	_ =	swait.ge [sflag:s23], $0x80  }
0x5f: {  	[sflag:s23] =	ssyncset.done $0x0  }
0x60: {  	[sflag:s23] =	ssyncadd.s32 $0xFFFFFF80  }
0x61: {  	[spmem:s1] =	stream.indirect.scatter.add.f32 [tilespmem:s19], [sflag:$0x8], $0x80, s11, s29, $0xb8;
	[tilespmem:$0x1D200] =	vst v63  }
0x62: {  	_ =	swait.ge [sflag:s17], $0x4000  }
0x63: {  	[sflag:s17] =	ssyncset.done $0x0  }
0x64: {  	[sflag:s17] =	ssyncadd.s32 $0xFFFFC000  }
0x65: {  	_ =	swait.ge [sflag:s14], $0x4000  }
0x66: {  	[sflag:s14] =	ssyncset.done $0x0  }
0x67: {  	s26 =	smin.u32 s2, $0x4B;
	s25 =	sadd.s32 s6, s13;
	[sflag:s14] =	ssyncadd.s32 $0xFFFFC000  }
0x68: {  	[tilespmem:s11], [sflag:$0x4] =	stream.linear.gather [hbm4b:s25+s2], $0x80, $0x38;
	[tilespmem:$0x1D200] =	vst v63  }
0x69: {  	s24 =	sadd.s32 $0x4, s26;
	_ =	swait.ge [sflag:s18], $0x80  }
0x6a: {  	s13 =	sshrl.u32 s24, $0x3;
	s12 =	sshll.u32 s24, $0x7;
	[sflag:s18] =	ssyncset.done $0x0  }
0x6b: {  	s12 =	sand.u32 $0x380, s12;
	s25 =	sshll.u32 s13, $0xA;
	[sflag:s18] =	ssyncadd.s32 $0xFFFFFF80  }
0x6c: {  	s13 =	sshll.u32 s13, $0xE;
	s26 =	sadd.s32 s9, s25;
	_ =	swait.ge [sflag:s18], $0x800  }
0x6d: {  	s13 =	sadd.s32 s10, s13;
	s26 =	sor.u32 s12, s26;
	[sflag:s18] =	ssyncset.done $0x0  }
0x6e: {  	s12 =	sor.u32 s12, s13;
	s26 =	sshrl.u32 s26, $0x3;
	[sflag:s18] =	ssyncadd.s32 $0xFFFFF800  }
0x6f: {  	[tilespmem:s19], [sflag:$0x2] =	stream.indirect.gather [hbm4b:s4+s29], $0x80, s0, s29, $0xb8;
	[tilespmem:$0x1D200] =	vst v63  }
0x70: {  	s12 =	sshrl.u32 s12, $0x3;
	s13 =	sadd.s32 s5, s26  }
0x71: {  	[tilespmem:s28], [sflag:$0x5] =	stream.linear.gather [hbm4b:s13+s2], $0x80, $0x38;
	[tilespmem:$0x1D200] =	vst v63  }
0x72: {  	s12 =	sadd.s32 s7, s12  }
0x73: {  	[tilespmem:s31], [sflag:$0x5] =	stream.strided.gather [hbm4b:s12+s29], $0x800, s30, s29, $0x38;
	[tilespmem:$0x1D200] =	vst v63  }
0x74: {  	_ =	swait.ge [sflag:s20], $0x80  }
0x75: {  	s13 =	simm.s32 $0x280;
	s12 =	simm.s32 $0x0;
	[sflag:s20] =	ssyncset.done $0x0  }
.LBB2_2:
0x76: {  	p0 =	sne.s32 s13, $0x2780  }
0x77: {  	[sflag:s20] =	ssyncadd.s32 $0xFFFFFF80;
	s12 =	sadd.s32 $0x2, s12;
	s26 =	smov.u32 s13  }
0x78: {  	[spmem:s1] =	stream.indirect.scatter.add.f32 [tilespmem:s16], [sflag:$0x7], $0x80, s8, s29, $0xb8;
	[tilespmem:$0x1D200] =	vst v63  }
0x79: {  	s13 =	sadd.s32 $0x100, s13;
	s25 =	sadd.s32 $0xFFFFFF80, s26;
	_ =	swait.ge [sflag:s21], $0x4000  }
0x7a: {  	s24 =	sand.u32 $0x7C00, s25;
	[sflag:s21] =	ssyncset.done $0x0  }
0x7b: {  	s25 =	sand.u32 $0x300, s25;
	s24 =	sadd.s32 s9, s24;
	[sflag:s21] =	ssyncadd.s32 $0xFFFFC000  }
0x7c: {  	s24 =	sor.u32 s25, s24;
	_ =	swait.ge [sflag:s22], $0x4000  }
0x7d: {  	s24 =	sshrl.u32 s24, $0x3;
	[sflag:s22] =	ssyncset.done $0x0  }
0x7e: {  	s24 =	sadd.s32 s6, s24;
	[sflag:s22] =	ssyncadd.s32 $0xFFFFC000  }
0x7f: {  	[tilespmem:s8], [sflag:$0x3] =	stream.linear.gather [hbm4b:s24+s2], $0x80, $0x38;
	[tilespmem:$0x1D200] =	vst v63  }
0x80: {  	_ =	swait.ge [sflag:s15], $0x80  }
0x81: {  	s24 =	sadd.s32 $0x3, s12;
	[sflag:s15] =	ssyncset.done $0x0  }
0x82: {  	s25 =	sand.u32 $0x380, s26;
	s24 =	sshrl.u32 s24, $0x3;
	[sflag:s15] =	ssyncadd.s32 $0xFFFFFF80  }
0x83: {  	s26 =	sshll.u32 s24, $0xA;
	s24 =	sshll.u32 s24, $0xE;
	_ =	swait.ge [sflag:s15], $0x800  }
0x84: {  	s26 =	sadd.s32 s9, s26;
	s24 =	sadd.s32 s10, s24;
	[sflag:s15] =	ssyncset.done $0x0  }
0x85: {  	s26 =	sor.u32 s25, s26;
	s24 =	sor.u32 s25, s24;
	[sflag:s15] =	ssyncadd.s32 $0xFFFFF800  }
0x86: {  	[tilespmem:s16], [sflag:$0x1] =	stream.indirect.gather [hbm4b:s4+s29], $0x80, s28, s29, $0xb8;
	[tilespmem:$0x1D200] =	vst v63  }
0x87: {  	s25 =	sshrl.u32 s26, $0x3;
	s24 =	sshrl.u32 s24, $0x3  }
0x88: {  	s26 =	sadd.s32 s5, s25;
	s24 =	sadd.s32 s7, s24  }
0x89: {  	[tilespmem:s0], [sflag:$0x6] =	stream.linear.gather [hbm4b:s26+s2], $0x80, $0x38;
	[tilespmem:$0x1D200] =	vst v63  }
0x8a: {  	_ = 	snop  }
0x8b: {  	[tilespmem:s3], [sflag:$0x6] =	stream.strided.gather [hbm4b:s24+s29], $0x800, s30, s29, $0x38;
	[tilespmem:$0x1D200] =	vst v63  }
0x8c: {  	_ =	swait.ge [sflag:s23], $0x80  }
0x8d: {  	[sflag:s23] =	ssyncset.done $0x0  }
0x8e: {  	[sflag:s23] =	ssyncadd.s32 $0xFFFFFF80  }
0x8f: {  	[spmem:s1] =	stream.indirect.scatter.add.f32 [tilespmem:s19], [sflag:$0x8], $0x80, s11, s29, $0xb8;
	[tilespmem:$0x1D200] =	vst v63  }
0x90: {  	_ =	swait.ge [sflag:s17], $0x4000  }
0x91: {  	[sflag:s17] =	ssyncset.done $0x0  }
0x92: {  	[sflag:s17] =	ssyncadd.s32 $0xFFFFC000  }
0x93: {  	_ =	swait.ge [sflag:s14], $0x4000  }
0x94: {  	s24 =	sadd.s32 s6, s25;
	[sflag:s14] =	ssyncset.done $0x0  }
0x95: {  	s25 =	smin.u32 s12, $0x4B;
	[sflag:s14] =	ssyncadd.s32 $0xFFFFC000  }
0x96: {  	[tilespmem:s11], [sflag:$0x4] =	stream.linear.gather [hbm4b:s24+s2], $0x80, $0x38;
	[tilespmem:$0x1D200] =	vst v63  }
0x97: {  	s24 =	sadd.s32 $0x4, s25;
	_ =	swait.ge [sflag:s18], $0x80  }
0x98: {  	s25 =	sshrl.u32 s24, $0x3;
	s24 =	sshll.u32 s24, $0x7;
	[sflag:s18] =	ssyncset.done $0x0  }
0x99: {  	s26 =	sshll.u32 s25, $0xA;
	s25 =	sshll.u32 s25, $0xE;
	[sflag:s18] =	ssyncadd.s32 $0xFFFFFF80  }
0x9a: {  	s24 =	sand.u32 $0x380, s24;
	s26 =	sadd.s32 s9, s26;
	_ =	swait.ge [sflag:s18], $0x800  }
0x9b: {  	s25 =	sadd.s32 s10, s25;
	s26 =	sor.u32 s24, s26;
	[sflag:s18] =	ssyncset.done $0x0  }
0x9c: {  	s24 =	sor.u32 s24, s25;
	s26 =	sshrl.u32 s26, $0x3;
	[sflag:s18] =	ssyncadd.s32 $0xFFFFF800  }
0x9d: {  	[tilespmem:s19], [sflag:$0x2] =	stream.indirect.gather [hbm4b:s4+s29], $0x80, s0, s29, $0xb8;
	[tilespmem:$0x1D200] =	vst v63  }
0x9e: {  	s24 =	sshrl.u32 s24, $0x3;
	s25 =	sadd.s32 s5, s26  }
0x9f: {  	[tilespmem:s28], [sflag:$0x5] =	stream.linear.gather [hbm4b:s25+s2], $0x80, $0x38;
	[tilespmem:$0x1D200] =	vst v63  }
.Ltmp0:
0xa0: {  	_ = 	snop;
	(pc) =	sbr.rel @p0 .LBB2_2-.Ltmp0, $4  }
0xa1: {  	s24 =	sadd.s32 s7, s24  }
0xa2: {  	[tilespmem:s31], [sflag:$0x5] =	stream.strided.gather [hbm4b:s24+s29], $0x800, s30, s29, $0x38;
	[tilespmem:$0x1D200] =	vst v63  }
0xa3: {  	_ =	swait.ge [sflag:s20], $0x80  }
0xa4: {  	[sflag:s20] =	ssyncset.done $0x0  }
0xa5: {  	[sflag:s20] =	ssyncadd.s32 $0xFFFFFF80  }
0xa6: {  	[spmem:s1] =	stream.indirect.scatter.add.f32 [tilespmem:s16], [sflag:$0x7], $0x80, s8, s29, $0xb8;
	[tilespmem:$0x1D200] =	vst v63  }
0xa7: {  	_ =	swait.ge [sflag:s21], $0x4000  }
0xa8: {  	[sflag:s21] =	ssyncset.done $0x0  }
0xa9: {  	[sflag:s21] =	ssyncadd.s32 $0xFFFFC000  }
0xaa: {  	_ =	swait.ge [sflag:s22], $0x4000  }
0xab: {  	[sflag:s22] =	ssyncset.done $0x0  }
0xac: {  	s12 =	rddreg [dreg:$0xe];
	[sflag:s22] =	ssyncadd.s32 $0xFFFFC000  }
0xad: {  	[tilespmem:s8], [sflag:$0x3] =	stream.linear.gather [hbm4b:s12+s2], $0x80, $0x38;
	[tilespmem:$0x1D200] =	vst v63  }
0xae: {  	_ =	swait.ge [sflag:s15], $0x80  }
0xaf: {  	[sflag:s15] =	ssyncset.done $0x0  }
0xb0: {  	[sflag:s15] =	ssyncadd.s32 $0xFFFFFF80  }
0xb1: {  	_ =	swait.ge [sflag:s15], $0x800  }
0xb2: {  	[sflag:s15] =	ssyncset.done $0x0  }
0xb3: {  	[sflag:s15] =	ssyncadd.s32 $0xFFFFF800  }
0xb4: {  	[tilespmem:s16], [sflag:$0x1] =	stream.indirect.gather [hbm4b:s4+s29], $0x80, s28, s29, $0xb8;
	[tilespmem:$0x1D200] =	vst v63  }
0xb5: {  	s13 =	rddreg [dreg:$0xf]  }
0xb6: {  	[tilespmem:s0], [sflag:$0x6] =	stream.linear.gather [hbm4b:s13+s2], $0x80, $0x38;
	[tilespmem:$0x1D200] =	vst v63  }
0xb7: {  	s24 =	rddreg [dreg:$0x10]  }
0xb8: {  	[tilespmem:s3], [sflag:$0x6] =	stream.strided.gather [hbm4b:s24+s29], $0x800, s30, s29, $0x38;
	[tilespmem:$0x1D200] =	vst v63  }
0xb9: {  	_ =	swait.ge [sflag:s23], $0x80  }
0xba: {  	[sflag:s23] =	ssyncset.done $0x0  }
0xbb: {  	[sflag:s23] =	ssyncadd.s32 $0xFFFFFF80  }
0xbc: {  	[spmem:s1] =	stream.indirect.scatter.add.f32 [tilespmem:s19], [sflag:$0x8], $0x80, s11, s29, $0xb8;
	[tilespmem:$0x1D200] =	vst v63  }
0xbd: {  	_ =	swait.ge [sflag:s17], $0x4000  }
0xbe: {  	[sflag:s17] =	ssyncset.done $0x0  }
0xbf: {  	[sflag:s17] =	ssyncadd.s32 $0xFFFFC000  }
0xc0: {  	_ =	swait.ge [sflag:s14], $0x4000  }
0xc1: {  	[sflag:s14] =	ssyncset.done $0x0  }
0xc2: {  	[sflag:s14] =	ssyncadd.s32 $0xFFFFC000  }
0xc3: {  	_ =	swait.ge [sflag:s18], $0x80  }
0xc4: {  	[sflag:s18] =	ssyncset.done $0x0  }
0xc5: {  	[sflag:s18] =	ssyncadd.s32 $0xFFFFFF80  }
0xc6: {  	_ =	swait.ge [sflag:s18], $0x800  }
0xc7: {  	[sflag:s18] =	ssyncset.done $0x0  }
0xc8: {  	[sflag:s18] =	ssyncadd.s32 $0xFFFFF800  }
0xc9: {  	_ =	swait.ge [sflag:s20], $0x80  }
0xca: {  	[sflag:s20] =	ssyncset.done $0x0  }
0xcb: {  	[sflag:s20] =	ssyncadd.s32 $0xFFFFFF80  }
0xcc: {  	[bflag:$0x0] =	sbarrier.arrive $0xFFFF  }
0xcd: {  	s13 =	rddreg [dreg:$0x5]  }
0xce: {  	s25 =	rddreg [dreg:$0x11]  }
0xcf: {  	s24 =	rddreg [dreg:$0x14]  }
0xd0: {  	[hbm:s25], [sflag:s13] =	dma.local [spmem:s24], $0x2800  }
0xd1: {  	s24 =	simm.s32 $0x9  }
0xd2: {  	_ =	swait.ge [sflag:s24], $0x2800  }
0xd3: {  	s25 =	rddreg [dreg:$0x13]  }
0xd4: {  	s26 =	rddreg [dreg:$0x12];
	s25 =	sadd.s32 $0x1, s25  }
0xd5: {  	p0 =	sne.s32 s25, s26  }
.Ltmp1:
0xd6: {  	_ = 	snop;
	(pc) =	sbr.rel @p0 .LBB2_1-.Ltmp1, $3  }
0xd7: {  	_ =	sdelay $0x1  }
0xd8: {  	[sflag:s24] =	ssyncset.done $0x0  }
0xd9: {  	[sflag:s24] =	ssyncadd.s32 $0xFFFFD800  }
0xda: {  	_ =	sfence.sel $0x180000  }
0xdb: {  	[bflag:$0x0] =	sbarrier.arrive $0xFFFF  }
0xdc: {  	_ =	strace $0x9000004A  }
0xdd: {  	s0 =	stileid.u32;
	[bflag:$0x2] =	sbarrier.arrive $0xFFFF  }
0xde: {  	p0 =	sne.s32 s0, $0x0;
	s0 =	rddreg [dreg:$0x2]  }
0xdf: {  	s0 =	sadd.s32 @!p0 $0x100000, s0  }
0xe0: {  	[sflag:s0] =	ssyncadd.tile.s32 @!p0 $0x1;
	_ =	shalt  }
.Lfunc_end2:
_tile_overlayer_lowered:
.L_overlay_start_2:
0xe1: {  	(tag) =	ssettag $0x2  }
0xe2: {  	s0 =	rddreg [dreg:$0x0];
	s2 =	stileid.u32  }
0xe3: {  	s1 =	rddreg [dreg:$0x1];
	p0 =	sne.s32 s2, $0x0  }
0xe4: {  	s3 =	rddreg [dreg:$0x2];
	[bflag:$0x3] =	sbarrier.arrive $0xFFFF;
	s2 =	simm.s32 @!p0 $0x1C09  }
0xe5: {  	[timem:s3], [sflag:s2] =	dma.local @!p0 [hbm:s0], s1  }
0xe6: {  	s0 =	simm.s32 @!p0 $0x9  }
0xe7: {  	_ =	swait.ge @!p0 [sflag:s0], s1  }
0xe8: {  	s1 =	ssub.s32 @!p0 $0x0, s1;
	[sflag:s0] =	ssyncset.done @!p0 $0x0  }
0xe9: {  	[sflag:s0] =	ssyncadd.s32 @!p0 s1  }
0xea: {  	[bflag:$0x3] =	sbarrier.arrive $0xFFFF  }
0xeb: {  	_ =	shalt  }

// kernel: kernel.14.cloned.1.call-start
scs
__scs_entry_jumppad:
0x0: {  	(pc) =	sbr.rel $0x88, $3  }
0x1: {  	(tag) =	ssettag $0x0;
	lr =	simm.s32 $0x1  }
0x2: {  	[smem:$0x3F96] =	sst lr;
	_ =	strace $0xD0000000  }
0x3: {  	_ = 	snop  }
0x4: {  	_ = 	snop  }
0x5: {  	_ = 	snop  }
0x6: {  	_ = 	snop  }
0x7: {  	_ = 	snop  }
__scs_overlays_trampoline_lowered:
0x8: {  	[smem:$0x3FA5] =	sst s0  }
0x9: {  	[smem:$0x3FA6] =	sst s1  }
0xa: {  	[smem:$0x3FA7] =	sst s2  }
0xb: {  	[smem:$0x3FA8] =	sst s3  }
0xc: {  	[smem:$0x3FA9] =	sst s4  }
0xd: {  	[smem:$0x3FAA] =	sst s5  }
0xe: {  	[smem:$0x3FAB] =	sst s6  }
0xf: {  	[smem:$0x3FAC] =	sst s7  }
0x10: {  	[smem:$0x3FAD] =	sst s8  }
0x11: {  	[smem:$0x3FAE] =	sst s9;
	s0 =	simm.s32 @!p0 $0x0  }
0x12: {  	s1 =	sld [smem:$0x3F94];
	s0 =	simm.s32 @p0 $0x1  }
0x13: {  	[smem:$0x3FAF] =	sst s0;
	s0 =	simm.s32 @!p1 $0x0  }
0x14: {  	s2 =	sld [smem:$0x3F93];
	s0 =	simm.s32 @p1 $0x1  }
0x15: {  	[smem:$0x3FB0] =	sst s0;
	s0 =	simm.s32 @!p2 $0x0  }
0x16: {  	s3 =	sld [smem:$0x3FDB];
	s0 =	simm.s32 @p2 $0x1  }
0x17: {  	s4 =	simm.s32 $0x1BF5;
	[smem:$0x3FB2] =	sst s0  }
0x18: {  	s0 =	sld [smem:$0x3F95];
	_ =	swait.ge [sflag:s4], $0x0  }
0x19: {  	s7 =	sld [smem:$0x3F96]  }
0x1a: {  	s8 =	sadd.s32 $0xFFFFE003, lr  }
0x1b: {  	s9 =	sadd.s32 $0xFFFFFEF7, lr;
	s5 =	simm.s32 $0xFFFFFFFF;
	p2 =	slt.u32 s8, $0xFFFFF086  }
0x1c: {  	p1 =	slt.u32 s9, $0xF7A;
	s5 =	simm.s32 @!p2 $0x0  }
0x1d: {  	s5 =	simm.s32 @p1 $0x1;
	p0 =	seq.s32 s7, s2  }
0x1e: {  	s7 =	smul.u32 @!p0 $0xF7A, s2;
	p2 =	seq.s32 @!p0 s5, $0x0  }
0x1f: {  	s9 =	smul.u32 $0xF7A, s1;
	s8 =	simm.s32 @!p0 $0x1BF5;
	p2 =	por !p2, p0  }
0x20: {  	[sflag:s8] =	ssyncset.s32 @!p0 $0xFFFFF086;
	s6 =	sadd.s32 @!p0 s3, s7;
	s7 =	simm.s32 @!p0 $0x108  }
0x21: {  	s3 =	sadd.s32 s3, s9;
	s6 =	sadd.s32 @!p0 $0x88, s6;
	s7 =	simm.s32 @p2 $0x1082  }
0x22: {  	[simem:s7], [sflag:s8] =	dma.local @!p0 [hbm:s6], $0xF7A  }
0x23: {  	s9 =	sor.u32 $0xD0000000, s2;
	s6 =	simm.s32 $0x108;
	_ =	swait.ge @!p0 [sflag:s8], $0x0  }
0x24: {  	s3 =	sadd.s32 $0x88, s3;
	s6 =	simm.s32 @!p1 $0x1082;
	[sflag:s4] =	ssyncset.s32 $0xFFFFF086  }
0x25: {  	[simem:s6], [sflag:s4] =	dma.local [hbm:s3], $0xF7A  }
0x26: {  	[smem:$0x3F96] =	sst s1;
	(tag) =	ssettag s2;
	_ =	strace s9  }
0x27: {  	s1 =	sld [smem:$0x3FA6]  }
0x28: {  	s2 =	sld [smem:$0x3FA7]  }
0x29: {  	s4 =	sld [smem:$0x3FA9]  }
0x2a: {  	p0 =	seq.s32 s5, $0x0;
	s5 =	sld [smem:$0x3FAA]  }
0x2b: {  	s6 =	sld [smem:$0x3FAB]  }
0x2c: {  	s7 =	sld [smem:$0x3FAC]  }
0x2d: {  	s3 =	simm.s32 $0x108;
	s8 =	sld [smem:$0x3FAD]  }
0x2e: {  	s3 =	simm.s32 @!p0 $0x1082;
	s9 =	sld [smem:$0x3FAE]  }
0x2f: {  	lr =	sadd.s32 s0, s3;
	s0 =	sld [smem:$0x3FA5]  }
0x30: {  	s3 =	sld [smem:$0x3FA8]  }
0x31: {  	[smem:$0x3FB1] =	sst s10  }
0x32: {  	s10 =	sld [smem:$0x3FAF];
	_ =	sdelay $0x3  }
0x33: {  	p0 =	seq.s32 s10, $0x1;
	s10 =	sld [smem:$0x3FB1];
	_ =	sdelay $0x3  }
0x34: {  	[smem:$0x3FB1] =	sst s10  }
0x35: {  	s10 =	sld [smem:$0x3FB0];
	_ =	sdelay $0x3  }
0x36: {  	p1 =	seq.s32 s10, $0x1;
	s10 =	sld [smem:$0x3FB1];
	_ =	sdelay $0x3  }
0x37: {  	[smem:$0x3FB1] =	sst s10  }
0x38: {  	s10 =	sld [smem:$0x3FB2]  }
0x39: {  	_ = 	snop;
	(pc) =	sbr.ind lr, $3  }
0x3a: {  	_ = 	snop  }
0x3b: {  	_ = 	snop  }
0x3c: {  	p2 =	seq.s32 s10, $0x1;
	s10 =	sld [smem:$0x3FB1]  }
0x3d: {  	_ =	shalt  }
0x3e: {  	_ =	shalt  }
0x3f: {  	_ =	shalt  }
0x40: {  	_ =	shalt  }
0x41: {  	_ =	shalt  }
0x42: {  	_ =	shalt  }
0x43: {  	_ =	shalt  }
0x44: {  	_ =	shalt  }
0x45: {  	_ =	shalt  }
0x46: {  	_ =	shalt  }
0x47: {  	_ =	shalt  }
0x48: {  	_ =	shalt  }
0x49: {  	_ =	shalt  }
0x4a: {  	_ =	shalt  }
0x4b: {  	_ =	shalt  }
0x4c: {  	_ =	shalt  }
0x4d: {  	_ =	shalt  }
0x4e: {  	_ =	shalt  }
0x4f: {  	_ =	shalt  }
0x50: {  	_ =	shalt  }
0x51: {  	_ =	shalt  }
0x52: {  	_ =	shalt  }
0x53: {  	_ =	shalt  }
0x54: {  	_ =	shalt  }
0x55: {  	_ =	shalt  }
0x56: {  	_ =	shalt  }
0x57: {  	_ =	shalt  }
0x58: {  	_ =	shalt  }
0x59: {  	_ =	shalt  }
0x5a: {  	_ =	shalt  }
0x5b: {  	_ =	shalt  }
0x5c: {  	_ =	shalt  }
0x5d: {  	_ =	shalt  }
0x5e: {  	_ =	shalt  }
0x5f: {  	_ =	shalt  }
0x60: {  	_ =	shalt  }
0x61: {  	_ =	shalt  }
0x62: {  	_ =	shalt  }
0x63: {  	_ =	shalt  }
0x64: {  	_ =	shalt  }
0x65: {  	_ =	shalt  }
0x66: {  	_ =	shalt  }
0x67: {  	_ =	shalt  }
0x68: {  	_ =	shalt  }
0x69: {  	_ =	shalt  }
0x6a: {  	_ =	shalt  }
0x6b: {  	_ =	shalt  }
0x6c: {  	_ =	shalt  }
0x6d: {  	_ =	shalt  }
0x6e: {  	_ =	shalt  }
0x6f: {  	_ =	shalt  }
0x70: {  	_ =	shalt  }
0x71: {  	_ =	shalt  }
0x72: {  	_ =	shalt  }
0x73: {  	_ =	shalt  }
0x74: {  	_ =	shalt  }
0x75: {  	_ =	shalt  }
0x76: {  	_ =	shalt  }
0x77: {  	_ =	shalt  }
0x78: {  	_ =	shalt  }
0x79: {  	_ =	shalt  }
0x7a: {  	_ =	shalt  }
0x7b: {  	_ =	shalt  }
0x7c: {  	_ =	shalt  }
0x7d: {  	_ =	shalt  }
0x7e: {  	_ =	shalt  }
0x7f: {  	_ =	shalt  }
0x80: {  	_ =	shalt  }
0x81: {  	_ =	shalt  }
0x82: {  	_ =	shalt  }
0x83: {  	_ =	shalt  }
0x84: {  	_ =	shalt  }
0x85: {  	_ =	shalt  }
0x86: {  	_ =	shalt  }
0x87: {  	_ =	shalt  }
.Lfunc_end0:
.L_simem_size_0:
called_computation.2_lowered:
.L_overlay_start_0:
0x88: {  	s2 =	sld [smem:$0x3FD9]  }
0x89: {  	s3 =	sld [smem:$0x3FFE];
	_ =	sdelay $0x1  }
0x8a: {  	s1 =	srdreg.scid  }
0x8b: {  	s0 =	sand.u32 $0x1, s1  }
0x8c: {  	s16 =	sshll.u32 s0, $0xA;
	s2 =	sadd.s32 s3, s2  }
0x8d: {  	s2 =	sadd.s32 s2, s16  }
0x8e: {  	[smem:$0x3FBD] =	sst s2  }
0x8f: {  	_ = 	snop  }
0x90: {  	(tm) =	ssettm $0x1  }
0x91: {  	s17 =	sld [smem:$0x3FFB];
	_ =	sdelay $0x3  }
0x92: {  	_ =	strace s17  }
0x93: {  	s2 =	sld [smem:$0x3FFC];
	_ =	sdelay $0x3  }
0x94: {  	_ =	strace s2  }
0x95: {  	s2 =	sld [smem:$0x3FFD];
	_ =	sdelay $0x3  }
0x96: {  	_ =	strace s2  }
0x97: {  	_ =	strace $0x8FFFFFFF  }
0x98: {  	s18 =	sld [smem:$0x3FDB];
	_ =	sdelay $0x1  }
0x99: {  	s19 =	simm.s32 $_scs_section_size  }
0x9a: {  	s4 =	simm.s32 $_size__tile_overlayer_lowered;
	s5 =	simm.s32 $_tile_overlayer_lowered  }
0x9b: {  	s22 =	simm.s32 $0x1BFF;
	s21 =	sshll.u32 s5, $0x1;
	s2 =	sadd.s32 s19, s18  }
0x9c: {  	s6 =	simm.s32 $0x0;
	s20 =	sshll.u32 s4, $0x1;
	s4 =	sadd.s32 s21, s2  }
0x9d: {  	[timem:s6], [sflag:s22] =	dma.local [hbm:s4], s20  }
0x9e: {  	_ =	swait.ge [sflag:s22], s20  }
0x9f: {  	s3 =	ssub.s32 $0x0, s20;
	[sflag:s22] =	ssyncset.done $0x0  }
0xa0: {  	[sflag:s22] =	ssyncadd.s32 s3;
	_ =	sdelay $0x1  }
0xa1: {  	s23 =	simm.s32 $0x1B8B  }
0xa2: {  	_ =	swait.ge [sflag:s23], $0x1  }
0xa3: {  	[sflag:s23] =	ssyncset.done $0x0  }
0xa4: {  	s25 =	simm.s32 $0x1B8E;
	s24 =	sld [smem:$0x3FFE];
	[sflag:s23] =	ssyncadd.s32 $0xFFFFFFFF  }
0xa5: {  	s26 =	simm.s32 $execute0_lowered;
	[smem:$0x3FD2] =	sst s25  }
0xa6: {  	s4 =	sshll.u32 s26, $0x1;
	_ =	strace $0x8000004C;
	[dreg:$0x1] =	wrdreg $0xFFFFFFFF  }
0xa7: {  	s28 =	simm.s32 $_size_execute0_lowered;
	s2 =	sadd.s32 s2, s4;
	[dreg:$0x0] =	wrdreg $0x0  }
0xa8: {  	s4 =	sshll.u32 s28, $0x1;
	[dreg:$0x2] =	wrdreg s2  }
0xa9: {  	[dreg:$0x3] =	wrdreg s4  }
0xaa: {  	[dreg:$0x4] =	wrdreg $0xC0  }
0xab: {  	_ =	task [dreg:s6], $0x5FFFF  }
0xac: {  	[dreg:$0x1] =	wrdreg $0xFFFFFFFF  }
0xad: {  	[dreg:$0x0] =	wrdreg $0x60  }
0xae: {  	[dreg:$0x2] =	wrdreg s24  }
0xaf: {  	[dreg:$0x3] =	wrdreg $0x0  }
0xb0: {  	[dreg:$0x4] =	wrdreg $0x9  }
0xb1: {  	_ =	task.clear_ibuf [dreg:s6], $0x5FFFF;
	_ =	strace $0x9000004C  }
0xb2: {  	s29 =	simm.s32 $0x9;
	_ =	strace $0x8000004E  }
0xb3: {  	_ =	swait.ge [sflag:s29], $0x1  }
0xb4: {  	[sflag:s29] =	ssyncadd.s32 $0xFFFFFFFF  }
0xb5: {  	_ =	strace $0x9000004E  }
0xb6: {  	_ =	sfence  }
0xb7: {  	s30 =	sld [smem:$0x0];
	_ =	sdelay $0x2  }
0xb8: {  	s31 =	sshll.u32 s1, $0xD;
	s1 =	sshrl.u32 s1, $0x2  }
0xb9: {  	s3 =	sand.u32 $0x4000, s31;
	s1 =	sadd.s32 s1, s30  }
0xba: {  	s0 =	sor.u32 s3, s0;
	s1 =	sshll.u32 s1, $0x11  }
0xbb: {  	s0 =	sor.u32 s1, s0  }
0xbc: {  	s0 =	sadd.s32 $0x8F2B, s0  }
0xbd: {  	[sflag:s0] =	ssyncadd.remote.s32 $0x1  }
0xbe: {  	_ =	sfence.sel $0xFFFF  }
0xbf: {  	[dreg:$0x0] =	wrdreg $0xFFFFFFFF;
	(pc) =	sbr.abs _section_cstart, $3  }
0xc0: {  	[dreg:$0x1] =	wrdreg $0xFFFFFFFF  }
0xc1: {  	_ =	task.clear_ibuf [dreg:s6], $0x2FFFF;
	_ =	strace $0x9FFFFFFF  }
0xc2: {  	(tm) =	ssettm $0x7FFFFFFF  }
0xc3: {  	_ =	shalt  }
tec
execute0_lowered:
.L_overlay_start_1:
0x0: {  	(tag) =	ssettag $0x1  }
0x1: {  	s0 =	rddreg [dreg:$0x0]  }
0x2: {  	s1 =	rddreg [dreg:$0x1]  }
0x3: {  	s2 =	simm.s32 $0x0;
	s3 =	srdreg.scid;
	s13 =	stileid.u32  }
0x4: {  	s28 =	simm.s32 $0x1C100;
	s29 =	simm.s32 $0x80;
	s30 =	simm.s32 $0x400  }
0x5: {  	s31 =	simm.s32 $0x1C200;
	[smem:$0x7FF] =	sst s2;
	s3 =	sand.u32 $0x1, s3  }
0x6: {  	s4 =	sadd.s32 $0x23400, s0;
	s5 =	sadd.s32 $0xF400, s0;
	s6 =	sadd.s32 $0x19400, s0  }
0x7: {  	s9 =	smul.u32 $0x14000, s13;
	s7 =	sadd.s32 $0x123400, s0;
	s10 =	sadd.s32 $0xC200, s0  }
0x8: {  	s11 =	smul.u32 $0x50000, s13;
	s15 =	sshll.u32 s13, $0x6;
	_ =	strace $0x8000004D  }
0x9: {  	s8 =	smul.u32 $0x140000, s3;
	s12 =	sshll.u32 s3, $0x4;
	s3 =	ssub.s32 $0x2, s3  }
0xa: {  	[dreg:$0x3] =	wrdreg s10;
	s10 =	sor.u32 s13, s12;
	s12 =	sshrl.u32 s3, $0x1  }
0xb: {  	s11 =	sshrl.u32 s11, $0x2;
	s8 =	sadd.s32 s9, s8;
	s9 =	smul.u32 $0x2800, s10  }
0xc: {  	s13 =	sor.u32 $0x1C09, s15;
	s10 =	smul.u32 $0x28000, s10;
	s3 =	ssub.s32 s3, s12  }
0xd: {  	s14 =	sadd.s32 s11, s1;
	s11 =	simm.s32 $0x14080;
	[dreg:$0x5] =	wrdreg s13  }
0xe: {  	[dreg:$0x4] =	wrdreg s14;
	s26 =	smax.u32 s3, $0x1;
	s16 =	sshrl.u32 s9, $0x3  }
0xf: {  	s8 =	sshrl.u32 s8, $0x3;
	[dreg:$0x12] =	wrdreg s26;
	s20 =	sadd.s32 s6, s16  }
0x10: {  	s17 =	sshrl.u32 s10, $0x3;
	s14 =	sadd.s32 s5, s16;
	[dreg:$0xa] =	wrdreg s20  }
0x11: {  	s0 =	sadd.s32 s8, s0;
	s12 =	sadd.s32 s7, s17;
	[dreg:$0x7] =	wrdreg s14  }
0x12: {  	s18 =	sor.u32 $0x10, s16;
	s0 =	sadd.s32 $0x4B400, s0;
	[dreg:$0x6] =	wrdreg s12  }
0x13: {  	s3 =	simm.s32 $0x1CA00;
	s15 =	sadd.s32 s5, s18;
	[dreg:$0x11] =	wrdreg s0  }
0x14: {  	s21 =	sadd.s32 $0x4F0, s16;
	s19 =	sadd.s32 $0x10, s12;
	[dreg:$0x8] =	wrdreg s15  }
0x15: {  	s16 =	simm.s32 $0x14100;
	s8 =	sadd.s32 s6, s18;
	[dreg:$0x9] =	wrdreg s19  }
0x16: {  	s17 =	simm.s32 $0x1;
	s22 =	sadd.s32 $0x20, s14;
	[dreg:$0xb] =	wrdreg s8  }
0x17: {  	s23 =	sadd.s32 $0x20, s12;
	s24 =	sadd.s32 s6, s21;
	[dreg:$0xc] =	wrdreg s22  }
0x18: {  	s25 =	sadd.s32 $0x4870, s12;
	s0 =	simm.s32 $0x1C180;
	[dreg:$0xd] =	wrdreg s23  }
0x19: {  	s18 =	simm.s32 $0x6;
	s20 =	simm.s32 $0x3;
	[dreg:$0xe] =	wrdreg s24  }
0x1a: {  	s14 =	simm.s32 $0x8;
	s8 =	sadd.s32 s5, s21;
	[dreg:$0x10] =	wrdreg s25  }
0x1b: {  	s24 =	simm.s32 $0x9;
	s15 =	simm.s32 $0x5;
	s19 =	simm.s32 $0x18100  }
0x1c: {  	s21 =	simm.s32 $0x2;
	s22 =	simm.s32 $0x7;
	s23 =	simm.s32 $0x4  }
0x1d: {  	s25 =	simm.s32 $0x0;
	[dreg:$0xf] =	wrdreg s8;
	s8 =	simm.s32 $0x14000  }
.LBB2_1:
0x1e: {  	[dreg:$0x13] =	wrdreg s25  }
0x1f: {  	s12 =	rddreg [dreg:$0x4]  }
0x20: {  	s26 =	rddreg [dreg:$0x3];
	s12 =	sshrl.u32 s12, $0x3  }
0x21: {  	[dreg:$0x14] =	wrdreg s12  }
0x22: {  	[spmem:s12], [sflag:s13] =	dma.local [hbm:s26], $0x2800  }
0x23: {  	_ =	swait.ge [sflag:s24], $0x2800  }
0x24: {  	[sflag:s24] =	ssyncset.done $0x0  }
0x25: {  	[sflag:s24] =	ssyncadd.s32 $0xFFFFD800  }
0x26: {  	[bflag:$0x0] =	sbarrier.arrive $0xFFFF  }
0x27: {  	s25 =	rddreg [dreg:$0x7]  }
0x28: {  	[tilespmem:s28], [sflag:$0x5] =	stream.linear.gather [hbm4b:s25+s2], $0x80, $0x38;
	[tilespmem:$0x1D200] =	vst v63  }
0x29: {  	s26 =	rddreg [dreg:$0x6]  }
0x2a: {  	[tilespmem:s31], [sflag:$0x5] =	stream.strided.gather [hbm4b:s26+s29], $0x800, s30, s29, $0x38;
	[tilespmem:$0x1D200] =	vst v63  }
0x2b: {  	s13 =	rddreg [dreg:$0x8]  }
0x2c: {  	[tilespmem:s0], [sflag:$0x6] =	stream.linear.gather [hbm4b:s13+s2], $0x80, $0x38;
	[tilespmem:$0x1D200] =	vst v63  }
0x2d: {  	s24 =	rddreg [dreg:$0x9]  }
0x2e: {  	[tilespmem:s3], [sflag:$0x6] =	stream.strided.gather [hbm4b:s24+s29], $0x800, s30, s29, $0x38;
	[tilespmem:$0x1D200] =	vst v63  }
0x2f: {  	s25 =	rddreg [dreg:$0xa]  }
0x30: {  	[tilespmem:s8], [sflag:$0x3] =	stream.linear.gather [hbm4b:s25+s2], $0x80, $0x38;
	[tilespmem:$0x1D200] =	vst v63  }
0x31: {  	s26 =	rddreg [dreg:$0xb]  }
0x32: {  	[tilespmem:s11], [sflag:$0x4] =	stream.linear.gather [hbm4b:s26+s2], $0x80, $0x38;
	[tilespmem:$0x1D200] =	vst v63  }
0x33: {  	_ =	swait.ge [sflag:s15], $0x80  }
0x34: {  	[sflag:s15] =	ssyncset.done $0x0  }
0x35: {  	[sflag:s15] =	ssyncadd.s32 $0xFFFFFF80  }
0x36: {  	_ =	swait.ge [sflag:s15], $0x800  }
0x37: {  	[sflag:s15] =	ssyncset.done $0x0  }
0x38: {  	[sflag:s15] =	ssyncadd.s32 $0xFFFFF800  }
0x39: {  	[tilespmem:s16], [sflag:$0x1] =	stream.indirect.gather [hbm4b:s4+s29], $0x80, s28, s29, $0xb8;
	[tilespmem:$0x1D200] =	vst v63  }
0x3a: {  	_ =	swait.ge [sflag:s17], $0x4000  }
0x3b: {  	[sflag:s17] =	ssyncset.done $0x0  }
0x3c: {  	[sflag:s17] =	ssyncadd.s32 $0xFFFFC000  }
0x3d: {  	_ =	swait.ge [sflag:s18], $0x80  }
0x3e: {  	[sflag:s18] =	ssyncset.done $0x0  }
0x3f: {  	[sflag:s18] =	ssyncadd.s32 $0xFFFFFF80  }
0x40: {  	_ =	swait.ge [sflag:s18], $0x800  }
0x41: {  	[sflag:s18] =	ssyncset.done $0x0  }
0x42: {  	[sflag:s18] =	ssyncadd.s32 $0xFFFFF800  }
0x43: {  	[tilespmem:s19], [sflag:$0x2] =	stream.indirect.gather [hbm4b:s4+s29], $0x80, s0, s29, $0xb8;
	[tilespmem:$0x1D200] =	vst v63  }
0x44: {  	s13 =	rddreg [dreg:$0xc]  }
0x45: {  	[tilespmem:s28], [sflag:$0x5] =	stream.linear.gather [hbm4b:s13+s2], $0x80, $0x38;
	[tilespmem:$0x1D200] =	vst v63  }
0x46: {  	s24 =	rddreg [dreg:$0xd]  }
0x47: {  	[tilespmem:s31], [sflag:$0x5] =	stream.strided.gather [hbm4b:s24+s29], $0x800, s30, s29, $0x38;
	[tilespmem:$0x1D200] =	vst v63  }
0x48: {  	_ =	swait.ge [sflag:s20], $0x80  }
0x49: {  	[sflag:s20] =	ssyncset.done $0x0  }
0x4a: {  	[sflag:s20] =	ssyncadd.s32 $0xFFFFFF80  }
0x4b: {  	[spmem:s1] =	stream.indirect.scatter.add.f32 [tilespmem:s16], [sflag:$0x7], $0x80, s8, s29, $0xb8;
	[tilespmem:$0x1D200] =	vst v63  }
0x4c: {  	s25 =	simm.s32 $0x100;
	_ =	swait.ge [sflag:s21], $0x4000  }
0x4d: {  	s26 =	sand.u32 $0x7C00, s25;
	[sflag:s21] =	ssyncset.done $0x0  }
0x4e: {  	s12 =	sand.u32 $0x300, s25;
	s13 =	sadd.s32 s9, s26;
	[sflag:s21] =	ssyncadd.s32 $0xFFFFC000  }
0x4f: {  	s12 =	sor.u32 s12, s13;
	_ =	swait.ge [sflag:s22], $0x4000  }
0x50: {  	s12 =	sshrl.u32 s12, $0x3;
	[sflag:s22] =	ssyncset.done $0x0  }
0x51: {  	s12 =	sadd.s32 s6, s12;
	[sflag:s22] =	ssyncadd.s32 $0xFFFFC000  }
0x52: {  	[tilespmem:s8], [sflag:$0x3] =	stream.linear.gather [hbm4b:s12+s2], $0x80, $0x38;
	[tilespmem:$0x1D200] =	vst v63  }
0x53: {  	_ =	swait.ge [sflag:s15], $0x80  }
0x54: {  	[sflag:s15] =	ssyncset.done $0x0  }
0x55: {  	s24 =	simm.s32 $0x180;
	[sflag:s15] =	ssyncadd.s32 $0xFFFFFF80  }
0x56: {  	s25 =	sadd.s32 $0x0, s9;
	s12 =	sand.u32 $0x380, s24;
	_ =	swait.ge [sflag:s15], $0x800  }
0x57: {  	s26 =	sadd.s32 $0x0, s10;
	s13 =	sor.u32 s12, s25;
	[sflag:s15] =	ssyncset.done $0x0  }
0x58: {  	s12 =	sor.u32 s12, s26;
	s13 =	sshrl.u32 s13, $0x3;
	[sflag:s15] =	ssyncadd.s32 $0xFFFFF800  }
0x59: {  	[tilespmem:s16], [sflag:$0x1] =	stream.indirect.gather [hbm4b:s4+s29], $0x80, s28, s29, $0xb8;
	[tilespmem:$0x1D200] =	vst v63  }
0x5a: {  	s12 =	sshrl.u32 s12, $0x3;
	s24 =	sadd.s32 s5, s13  }
0x5b: {  	[tilespmem:s0], [sflag:$0x6] =	stream.linear.gather [hbm4b:s24+s2], $0x80, $0x38;
	[tilespmem:$0x1D200] =	vst v63  }
0x5c: {  	s12 =	sadd.s32 s7, s12  }
0x5d: {  	[tilespmem:s3], [sflag:$0x6] =	stream.strided.gather [hbm4b:s12+s29], $0x800, s30, s29, $0x38;
	[tilespmem:$0x1D200] =	vst v63  }
0x5e: {  	_ =	swait.ge [sflag:s23], $0x80  }
0x5f: {  	[sflag:s23] =	ssyncset.done $0x0  }
0x60: {  	[sflag:s23] =	ssyncadd.s32 $0xFFFFFF80  }
0x61: {  	[spmem:s1] =	stream.indirect.scatter.add.f32 [tilespmem:s19], [sflag:$0x8], $0x80, s11, s29, $0xb8;
	[tilespmem:$0x1D200] =	vst v63  }
0x62: {  	_ =	swait.ge [sflag:s17], $0x4000  }
0x63: {  	[sflag:s17] =	ssyncset.done $0x0  }
0x64: {  	[sflag:s17] =	ssyncadd.s32 $0xFFFFC000  }
0x65: {  	_ =	swait.ge [sflag:s14], $0x4000  }
0x66: {  	[sflag:s14] =	ssyncset.done $0x0  }
0x67: {  	s26 =	smin.u32 s2, $0x4B;
	s25 =	sadd.s32 s6, s13;
	[sflag:s14] =	ssyncadd.s32 $0xFFFFC000  }
0x68: {  	[tilespmem:s11], [sflag:$0x4] =	stream.linear.gather [hbm4b:s25+s2], $0x80, $0x38;
	[tilespmem:$0x1D200] =	vst v63  }
0x69: {  	s24 =	sadd.s32 $0x4, s26;
	_ =	swait.ge [sflag:s18], $0x80  }
0x6a: {  	s13 =	sshrl.u32 s24, $0x3;
	s12 =	sshll.u32 s24, $0x7;
	[sflag:s18] =	ssyncset.done $0x0  }
0x6b: {  	s12 =	sand.u32 $0x380, s12;
	s25 =	sshll.u32 s13, $0xA;
	[sflag:s18] =	ssyncadd.s32 $0xFFFFFF80  }
0x6c: {  	s13 =	sshll.u32 s13, $0xE;
	s26 =	sadd.s32 s9, s25;
	_ =	swait.ge [sflag:s18], $0x800  }
0x6d: {  	s13 =	sadd.s32 s10, s13;
	s26 =	sor.u32 s12, s26;
	[sflag:s18] =	ssyncset.done $0x0  }
0x6e: {  	s12 =	sor.u32 s12, s13;
	s26 =	sshrl.u32 s26, $0x3;
	[sflag:s18] =	ssyncadd.s32 $0xFFFFF800  }
0x6f: {  	[tilespmem:s19], [sflag:$0x2] =	stream.indirect.gather [hbm4b:s4+s29], $0x80, s0, s29, $0xb8;
	[tilespmem:$0x1D200] =	vst v63  }
0x70: {  	s12 =	sshrl.u32 s12, $0x3;
	s13 =	sadd.s32 s5, s26  }
0x71: {  	[tilespmem:s28], [sflag:$0x5] =	stream.linear.gather [hbm4b:s13+s2], $0x80, $0x38;
	[tilespmem:$0x1D200] =	vst v63  }
0x72: {  	s12 =	sadd.s32 s7, s12  }
0x73: {  	[tilespmem:s31], [sflag:$0x5] =	stream.strided.gather [hbm4b:s12+s29], $0x800, s30, s29, $0x38;
	[tilespmem:$0x1D200] =	vst v63  }
0x74: {  	_ =	swait.ge [sflag:s20], $0x80  }
0x75: {  	s13 =	simm.s32 $0x280;
	s12 =	simm.s32 $0x0;
	[sflag:s20] =	ssyncset.done $0x0  }
.LBB2_2:
0x76: {  	p0 =	sne.s32 s13, $0x2780  }
0x77: {  	[sflag:s20] =	ssyncadd.s32 $0xFFFFFF80;
	s12 =	sadd.s32 $0x2, s12;
	s26 =	smov.u32 s13  }
0x78: {  	[spmem:s1] =	stream.indirect.scatter.add.f32 [tilespmem:s16], [sflag:$0x7], $0x80, s8, s29, $0xb8;
	[tilespmem:$0x1D200] =	vst v63  }
0x79: {  	s13 =	sadd.s32 $0x100, s13;
	s25 =	sadd.s32 $0xFFFFFF80, s26;
	_ =	swait.ge [sflag:s21], $0x4000  }
0x7a: {  	s24 =	sand.u32 $0x7C00, s25;
	[sflag:s21] =	ssyncset.done $0x0  }
0x7b: {  	s25 =	sand.u32 $0x300, s25;
	s24 =	sadd.s32 s9, s24;
	[sflag:s21] =	ssyncadd.s32 $0xFFFFC000  }
0x7c: {  	s24 =	sor.u32 s25, s24;
	_ =	swait.ge [sflag:s22], $0x4000  }
0x7d: {  	s24 =	sshrl.u32 s24, $0x3;
	[sflag:s22] =	ssyncset.done $0x0  }
0x7e: {  	s24 =	sadd.s32 s6, s24;
	[sflag:s22] =	ssyncadd.s32 $0xFFFFC000  }
0x7f: {  	[tilespmem:s8], [sflag:$0x3] =	stream.linear.gather [hbm4b:s24+s2], $0x80, $0x38;
	[tilespmem:$0x1D200] =	vst v63  }
0x80: {  	_ =	swait.ge [sflag:s15], $0x80  }
0x81: {  	s24 =	sadd.s32 $0x3, s12;
	[sflag:s15] =	ssyncset.done $0x0  }
0x82: {  	s25 =	sand.u32 $0x380, s26;
	s24 =	sshrl.u32 s24, $0x3;
	[sflag:s15] =	ssyncadd.s32 $0xFFFFFF80  }
0x83: {  	s26 =	sshll.u32 s24, $0xA;
	s24 =	sshll.u32 s24, $0xE;
	_ =	swait.ge [sflag:s15], $0x800  }
0x84: {  	s26 =	sadd.s32 s9, s26;
	s24 =	sadd.s32 s10, s24;
	[sflag:s15] =	ssyncset.done $0x0  }
0x85: {  	s26 =	sor.u32 s25, s26;
	s24 =	sor.u32 s25, s24;
	[sflag:s15] =	ssyncadd.s32 $0xFFFFF800  }
0x86: {  	[tilespmem:s16], [sflag:$0x1] =	stream.indirect.gather [hbm4b:s4+s29], $0x80, s28, s29, $0xb8;
	[tilespmem:$0x1D200] =	vst v63  }
0x87: {  	s25 =	sshrl.u32 s26, $0x3;
	s24 =	sshrl.u32 s24, $0x3  }
0x88: {  	s26 =	sadd.s32 s5, s25;
	s24 =	sadd.s32 s7, s24  }
0x89: {  	[tilespmem:s0], [sflag:$0x6] =	stream.linear.gather [hbm4b:s26+s2], $0x80, $0x38;
	[tilespmem:$0x1D200] =	vst v63  }
0x8a: {  	_ = 	snop  }
0x8b: {  	[tilespmem:s3], [sflag:$0x6] =	stream.strided.gather [hbm4b:s24+s29], $0x800, s30, s29, $0x38;
	[tilespmem:$0x1D200] =	vst v63  }
0x8c: {  	_ =	swait.ge [sflag:s23], $0x80  }
0x8d: {  	[sflag:s23] =	ssyncset.done $0x0  }
0x8e: {  	[sflag:s23] =	ssyncadd.s32 $0xFFFFFF80  }
0x8f: {  	[spmem:s1] =	stream.indirect.scatter.add.f32 [tilespmem:s19], [sflag:$0x8], $0x80, s11, s29, $0xb8;
	[tilespmem:$0x1D200] =	vst v63  }
0x90: {  	_ =	swait.ge [sflag:s17], $0x4000  }
0x91: {  	[sflag:s17] =	ssyncset.done $0x0  }
0x92: {  	[sflag:s17] =	ssyncadd.s32 $0xFFFFC000  }
0x93: {  	_ =	swait.ge [sflag:s14], $0x4000  }
0x94: {  	s24 =	sadd.s32 s6, s25;
	[sflag:s14] =	ssyncset.done $0x0  }
0x95: {  	s25 =	smin.u32 s12, $0x4B;
	[sflag:s14] =	ssyncadd.s32 $0xFFFFC000  }
0x96: {  	[tilespmem:s11], [sflag:$0x4] =	stream.linear.gather [hbm4b:s24+s2], $0x80, $0x38;
	[tilespmem:$0x1D200] =	vst v63  }
0x97: {  	s24 =	sadd.s32 $0x4, s25;
	_ =	swait.ge [sflag:s18], $0x80  }
0x98: {  	s25 =	sshrl.u32 s24, $0x3;
	s24 =	sshll.u32 s24, $0x7;
	[sflag:s18] =	ssyncset.done $0x0  }
0x99: {  	s26 =	sshll.u32 s25, $0xA;
	s25 =	sshll.u32 s25, $0xE;
	[sflag:s18] =	ssyncadd.s32 $0xFFFFFF80  }
0x9a: {  	s24 =	sand.u32 $0x380, s24;
	s26 =	sadd.s32 s9, s26;
	_ =	swait.ge [sflag:s18], $0x800  }
0x9b: {  	s25 =	sadd.s32 s10, s25;
	s26 =	sor.u32 s24, s26;
	[sflag:s18] =	ssyncset.done $0x0  }
0x9c: {  	s24 =	sor.u32 s24, s25;
	s26 =	sshrl.u32 s26, $0x3;
	[sflag:s18] =	ssyncadd.s32 $0xFFFFF800  }
0x9d: {  	[tilespmem:s19], [sflag:$0x2] =	stream.indirect.gather [hbm4b:s4+s29], $0x80, s0, s29, $0xb8;
	[tilespmem:$0x1D200] =	vst v63  }
0x9e: {  	s24 =	sshrl.u32 s24, $0x3;
	s25 =	sadd.s32 s5, s26  }
0x9f: {  	[tilespmem:s28], [sflag:$0x5] =	stream.linear.gather [hbm4b:s25+s2], $0x80, $0x38;
	[tilespmem:$0x1D200] =	vst v63  }
.Ltmp0:
0xa0: {  	_ = 	snop;
	(pc) =	sbr.rel @p0 .LBB2_2-.Ltmp0, $4  }
0xa1: {  	s24 =	sadd.s32 s7, s24  }
0xa2: {  	[tilespmem:s31], [sflag:$0x5] =	stream.strided.gather [hbm4b:s24+s29], $0x800, s30, s29, $0x38;
	[tilespmem:$0x1D200] =	vst v63  }
0xa3: {  	_ =	swait.ge [sflag:s20], $0x80  }
0xa4: {  	[sflag:s20] =	ssyncset.done $0x0  }
0xa5: {  	[sflag:s20] =	ssyncadd.s32 $0xFFFFFF80  }
0xa6: {  	[spmem:s1] =	stream.indirect.scatter.add.f32 [tilespmem:s16], [sflag:$0x7], $0x80, s8, s29, $0xb8;
	[tilespmem:$0x1D200] =	vst v63  }
0xa7: {  	_ =	swait.ge [sflag:s21], $0x4000  }
0xa8: {  	[sflag:s21] =	ssyncset.done $0x0  }
0xa9: {  	[sflag:s21] =	ssyncadd.s32 $0xFFFFC000  }
0xaa: {  	_ =	swait.ge [sflag:s22], $0x4000  }
0xab: {  	[sflag:s22] =	ssyncset.done $0x0  }
0xac: {  	s12 =	rddreg [dreg:$0xe];
	[sflag:s22] =	ssyncadd.s32 $0xFFFFC000  }
0xad: {  	[tilespmem:s8], [sflag:$0x3] =	stream.linear.gather [hbm4b:s12+s2], $0x80, $0x38;
	[tilespmem:$0x1D200] =	vst v63  }
0xae: {  	_ =	swait.ge [sflag:s15], $0x80  }
0xaf: {  	[sflag:s15] =	ssyncset.done $0x0  }
0xb0: {  	[sflag:s15] =	ssyncadd.s32 $0xFFFFFF80  }
0xb1: {  	_ =	swait.ge [sflag:s15], $0x800  }
0xb2: {  	[sflag:s15] =	ssyncset.done $0x0  }
0xb3: {  	[sflag:s15] =	ssyncadd.s32 $0xFFFFF800  }
0xb4: {  	[tilespmem:s16], [sflag:$0x1] =	stream.indirect.gather [hbm4b:s4+s29], $0x80, s28, s29, $0xb8;
	[tilespmem:$0x1D200] =	vst v63  }
0xb5: {  	s13 =	rddreg [dreg:$0xf]  }
0xb6: {  	[tilespmem:s0], [sflag:$0x6] =	stream.linear.gather [hbm4b:s13+s2], $0x80, $0x38;
	[tilespmem:$0x1D200] =	vst v63  }
0xb7: {  	s24 =	rddreg [dreg:$0x10]  }
0xb8: {  	[tilespmem:s3], [sflag:$0x6] =	stream.strided.gather [hbm4b:s24+s29], $0x800, s30, s29, $0x38;
	[tilespmem:$0x1D200] =	vst v63  }
0xb9: {  	_ =	swait.ge [sflag:s23], $0x80  }
0xba: {  	[sflag:s23] =	ssyncset.done $0x0  }
0xbb: {  	[sflag:s23] =	ssyncadd.s32 $0xFFFFFF80  }
0xbc: {  	[spmem:s1] =	stream.indirect.scatter.add.f32 [tilespmem:s19], [sflag:$0x8], $0x80, s11, s29, $0xb8;
	[tilespmem:$0x1D200] =	vst v63  }
0xbd: {  	_ =	swait.ge [sflag:s17], $0x4000  }
0xbe: {  	[sflag:s17] =	ssyncset.done $0x0  }
0xbf: {  	[sflag:s17] =	ssyncadd.s32 $0xFFFFC000  }
0xc0: {  	_ =	swait.ge [sflag:s14], $0x4000  }
0xc1: {  	[sflag:s14] =	ssyncset.done $0x0  }
0xc2: {  	[sflag:s14] =	ssyncadd.s32 $0xFFFFC000  }
0xc3: {  	_ =	swait.ge [sflag:s18], $0x80  }
0xc4: {  	[sflag:s18] =	ssyncset.done $0x0  }
0xc5: {  	[sflag:s18] =	ssyncadd.s32 $0xFFFFFF80  }
0xc6: {  	_ =	swait.ge [sflag:s18], $0x800  }
0xc7: {  	[sflag:s18] =	ssyncset.done $0x0  }
0xc8: {  	[sflag:s18] =	ssyncadd.s32 $0xFFFFF800  }
0xc9: {  	_ =	swait.ge [sflag:s20], $0x80  }
0xca: {  	[sflag:s20] =	ssyncset.done $0x0  }
0xcb: {  	[sflag:s20] =	ssyncadd.s32 $0xFFFFFF80  }
0xcc: {  	[bflag:$0x0] =	sbarrier.arrive $0xFFFF  }
0xcd: {  	s13 =	rddreg [dreg:$0x5]  }
0xce: {  	s25 =	rddreg [dreg:$0x11]  }
0xcf: {  	s24 =	rddreg [dreg:$0x14]  }
0xd0: {  	[hbm:s25], [sflag:s13] =	dma.local [spmem:s24], $0x2800  }
0xd1: {  	s24 =	simm.s32 $0x9  }
0xd2: {  	_ =	swait.ge [sflag:s24], $0x2800  }
0xd3: {  	s25 =	rddreg [dreg:$0x13]  }
0xd4: {  	s26 =	rddreg [dreg:$0x12];
	s25 =	sadd.s32 $0x1, s25  }
0xd5: {  	p0 =	sne.s32 s25, s26  }
.Ltmp1:
0xd6: {  	_ = 	snop;
	(pc) =	sbr.rel @p0 .LBB2_1-.Ltmp1, $3  }
0xd7: {  	_ =	sdelay $0x1  }
0xd8: {  	[sflag:s24] =	ssyncset.done $0x0  }
0xd9: {  	[sflag:s24] =	ssyncadd.s32 $0xFFFFD800  }
0xda: {  	_ =	sfence.sel $0x180000  }
0xdb: {  	[bflag:$0x0] =	sbarrier.arrive $0xFFFF  }
0xdc: {  	_ =	strace $0x9000004D  }
0xdd: {  	s0 =	stileid.u32;
	[bflag:$0x2] =	sbarrier.arrive $0xFFFF  }
0xde: {  	p0 =	sne.s32 s0, $0x0;
	s0 =	rddreg [dreg:$0x2]  }
0xdf: {  	s0 =	sadd.s32 @!p0 $0x100000, s0  }
0xe0: {  	[sflag:s0] =	ssyncadd.tile.s32 @!p0 $0x1;
	_ =	shalt  }
.Lfunc_end2:
_tile_overlayer_lowered:
.L_overlay_start_2:
0xe1: {  	(tag) =	ssettag $0x2  }
0xe2: {  	s0 =	rddreg [dreg:$0x0];
	s2 =	stileid.u32  }
0xe3: {  	s1 =	rddreg [dreg:$0x1];
	p0 =	sne.s32 s2, $0x0  }
0xe4: {  	s3 =	rddreg [dreg:$0x2];
	[bflag:$0x3] =	sbarrier.arrive $0xFFFF;
	s2 =	simm.s32 @!p0 $0x1C09  }
0xe5: {  	[timem:s3], [sflag:s2] =	dma.local @!p0 [hbm:s0], s1  }
0xe6: {  	s0 =	simm.s32 @!p0 $0x9  }
0xe7: {  	_ =	swait.ge @!p0 [sflag:s0], s1  }
0xe8: {  	s1 =	ssub.s32 @!p0 $0x0, s1;
	[sflag:s0] =	ssyncset.done @!p0 $0x0  }
0xe9: {  	[sflag:s0] =	ssyncadd.s32 @!p0 s1  }
0xea: {  	[bflag:$0x3] =	sbarrier.arrive $0xFFFF  }
0xeb: {  	_ =	shalt  }

// kernel: kernel.8.cloned.1.call-start
scs
__scs_entry_jumppad:
0x0: {  	(pc) =	sbr.rel $0x88, $3  }
0x1: {  	(tag) =	ssettag $0x0;
	lr =	simm.s32 $0x1  }
0x2: {  	[smem:$0x3F96] =	sst lr;
	_ =	strace $0xD0000000  }
0x3: {  	_ = 	snop  }
0x4: {  	_ = 	snop  }
0x5: {  	_ = 	snop  }
0x6: {  	_ = 	snop  }
0x7: {  	_ = 	snop  }
__scs_overlays_trampoline_lowered:
0x8: {  	[smem:$0x3FA5] =	sst s0  }
0x9: {  	[smem:$0x3FA6] =	sst s1  }
0xa: {  	[smem:$0x3FA7] =	sst s2  }
0xb: {  	[smem:$0x3FA8] =	sst s3  }
0xc: {  	[smem:$0x3FA9] =	sst s4  }
0xd: {  	[smem:$0x3FAA] =	sst s5  }
0xe: {  	[smem:$0x3FAB] =	sst s6  }
0xf: {  	[smem:$0x3FAC] =	sst s7  }
0x10: {  	[smem:$0x3FAD] =	sst s8  }
0x11: {  	[smem:$0x3FAE] =	sst s9;
	s0 =	simm.s32 @!p0 $0x0  }
0x12: {  	s1 =	sld [smem:$0x3F94];
	s0 =	simm.s32 @p0 $0x1  }
0x13: {  	[smem:$0x3FAF] =	sst s0;
	s0 =	simm.s32 @!p1 $0x0  }
0x14: {  	s2 =	sld [smem:$0x3F93];
	s0 =	simm.s32 @p1 $0x1  }
0x15: {  	[smem:$0x3FB0] =	sst s0;
	s0 =	simm.s32 @!p2 $0x0  }
0x16: {  	s3 =	sld [smem:$0x3FDB];
	s0 =	simm.s32 @p2 $0x1  }
0x17: {  	s4 =	simm.s32 $0x1BF5;
	[smem:$0x3FB2] =	sst s0  }
0x18: {  	s0 =	sld [smem:$0x3F95];
	_ =	swait.ge [sflag:s4], $0x0  }
0x19: {  	s7 =	sld [smem:$0x3F96]  }
0x1a: {  	s8 =	sadd.s32 $0xFFFFE003, lr  }
0x1b: {  	s9 =	sadd.s32 $0xFFFFFEF7, lr;
	s5 =	simm.s32 $0xFFFFFFFF;
	p2 =	slt.u32 s8, $0xFFFFF086  }
0x1c: {  	p1 =	slt.u32 s9, $0xF7A;
	s5 =	simm.s32 @!p2 $0x0  }
0x1d: {  	s5 =	simm.s32 @p1 $0x1;
	p0 =	seq.s32 s7, s2  }
0x1e: {  	s7 =	smul.u32 @!p0 $0xF7A, s2;
	p2 =	seq.s32 @!p0 s5, $0x0  }
0x1f: {  	s9 =	smul.u32 $0xF7A, s1;
	s8 =	simm.s32 @!p0 $0x1BF5;
	p2 =	por !p2, p0  }
0x20: {  	[sflag:s8] =	ssyncset.s32 @!p0 $0xFFFFF086;
	s6 =	sadd.s32 @!p0 s3, s7;
	s7 =	simm.s32 @!p0 $0x108  }
0x21: {  	s3 =	sadd.s32 s3, s9;
	s6 =	sadd.s32 @!p0 $0x88, s6;
	s7 =	simm.s32 @p2 $0x1082  }
0x22: {  	[simem:s7], [sflag:s8] =	dma.local @!p0 [hbm:s6], $0xF7A  }
0x23: {  	s9 =	sor.u32 $0xD0000000, s2;
	s6 =	simm.s32 $0x108;
	_ =	swait.ge @!p0 [sflag:s8], $0x0  }
0x24: {  	s3 =	sadd.s32 $0x88, s3;
	s6 =	simm.s32 @!p1 $0x1082;
	[sflag:s4] =	ssyncset.s32 $0xFFFFF086  }
0x25: {  	[simem:s6], [sflag:s4] =	dma.local [hbm:s3], $0xF7A  }
0x26: {  	[smem:$0x3F96] =	sst s1;
	(tag) =	ssettag s2;
	_ =	strace s9  }
0x27: {  	s1 =	sld [smem:$0x3FA6]  }
0x28: {  	s2 =	sld [smem:$0x3FA7]  }
0x29: {  	s4 =	sld [smem:$0x3FA9]  }
0x2a: {  	p0 =	seq.s32 s5, $0x0;
	s5 =	sld [smem:$0x3FAA]  }
0x2b: {  	s6 =	sld [smem:$0x3FAB]  }
0x2c: {  	s7 =	sld [smem:$0x3FAC]  }
0x2d: {  	s3 =	simm.s32 $0x108;
	s8 =	sld [smem:$0x3FAD]  }
0x2e: {  	s3 =	simm.s32 @!p0 $0x1082;
	s9 =	sld [smem:$0x3FAE]  }
0x2f: {  	lr =	sadd.s32 s0, s3;
	s0 =	sld [smem:$0x3FA5]  }
0x30: {  	s3 =	sld [smem:$0x3FA8]  }
0x31: {  	[smem:$0x3FB1] =	sst s10  }
0x32: {  	s10 =	sld [smem:$0x3FAF];
	_ =	sdelay $0x3  }
0x33: {  	p0 =	seq.s32 s10, $0x1;
	s10 =	sld [smem:$0x3FB1];
	_ =	sdelay $0x3  }
0x34: {  	[smem:$0x3FB1] =	sst s10  }
0x35: {  	s10 =	sld [smem:$0x3FB0];
	_ =	sdelay $0x3  }
0x36: {  	p1 =	seq.s32 s10, $0x1;
	s10 =	sld [smem:$0x3FB1];
	_ =	sdelay $0x3  }
0x37: {  	[smem:$0x3FB1] =	sst s10  }
0x38: {  	s10 =	sld [smem:$0x3FB2]  }
0x39: {  	_ = 	snop;
	(pc) =	sbr.ind lr, $3  }
0x3a: {  	_ = 	snop  }
0x3b: {  	_ = 	snop  }
0x3c: {  	p2 =	seq.s32 s10, $0x1;
	s10 =	sld [smem:$0x3FB1]  }
0x3d: {  	_ =	shalt  }
0x3e: {  	_ =	shalt  }
0x3f: {  	_ =	shalt  }
0x40: {  	_ =	shalt  }
0x41: {  	_ =	shalt  }
0x42: {  	_ =	shalt  }
0x43: {  	_ =	shalt  }
0x44: {  	_ =	shalt  }
0x45: {  	_ =	shalt  }
0x46: {  	_ =	shalt  }
0x47: {  	_ =	shalt  }
0x48: {  	_ =	shalt  }
0x49: {  	_ =	shalt  }
0x4a: {  	_ =	shalt  }
0x4b: {  	_ =	shalt  }
0x4c: {  	_ =	shalt  }
0x4d: {  	_ =	shalt  }
0x4e: {  	_ =	shalt  }
0x4f: {  	_ =	shalt  }
0x50: {  	_ =	shalt  }
0x51: {  	_ =	shalt  }
0x52: {  	_ =	shalt  }
0x53: {  	_ =	shalt  }
0x54: {  	_ =	shalt  }
0x55: {  	_ =	shalt  }
0x56: {  	_ =	shalt  }
0x57: {  	_ =	shalt  }
0x58: {  	_ =	shalt  }
0x59: {  	_ =	shalt  }
0x5a: {  	_ =	shalt  }
0x5b: {  	_ =	shalt  }
0x5c: {  	_ =	shalt  }
0x5d: {  	_ =	shalt  }
0x5e: {  	_ =	shalt  }
0x5f: {  	_ =	shalt  }
0x60: {  	_ =	shalt  }
0x61: {  	_ =	shalt  }
0x62: {  	_ =	shalt  }
0x63: {  	_ =	shalt  }
0x64: {  	_ =	shalt  }
0x65: {  	_ =	shalt  }
0x66: {  	_ =	shalt  }
0x67: {  	_ =	shalt  }
0x68: {  	_ =	shalt  }
0x69: {  	_ =	shalt  }
0x6a: {  	_ =	shalt  }
0x6b: {  	_ =	shalt  }
0x6c: {  	_ =	shalt  }
0x6d: {  	_ =	shalt  }
0x6e: {  	_ =	shalt  }
0x6f: {  	_ =	shalt  }
0x70: {  	_ =	shalt  }
0x71: {  	_ =	shalt  }
0x72: {  	_ =	shalt  }
0x73: {  	_ =	shalt  }
0x74: {  	_ =	shalt  }
0x75: {  	_ =	shalt  }
0x76: {  	_ =	shalt  }
0x77: {  	_ =	shalt  }
0x78: {  	_ =	shalt  }
0x79: {  	_ =	shalt  }
0x7a: {  	_ =	shalt  }
0x7b: {  	_ =	shalt  }
0x7c: {  	_ =	shalt  }
0x7d: {  	_ =	shalt  }
0x7e: {  	_ =	shalt  }
0x7f: {  	_ =	shalt  }
0x80: {  	_ =	shalt  }
0x81: {  	_ =	shalt  }
0x82: {  	_ =	shalt  }
0x83: {  	_ =	shalt  }
0x84: {  	_ =	shalt  }
0x85: {  	_ =	shalt  }
0x86: {  	_ =	shalt  }
0x87: {  	_ =	shalt  }
.Lfunc_end0:
.L_simem_size_0:
called_computation_lowered:
.L_overlay_start_0:
0x88: {  	s2 =	sld [smem:$0x3FD9]  }
0x89: {  	s3 =	sld [smem:$0x3FFE];
	_ =	sdelay $0x1  }
0x8a: {  	s1 =	srdreg.scid  }
0x8b: {  	s0 =	sand.u32 $0x1, s1  }
0x8c: {  	s16 =	sshll.u32 s0, $0xA;
	s2 =	sadd.s32 s3, s2  }
0x8d: {  	s2 =	sadd.s32 s2, s16  }
0x8e: {  	[smem:$0x3FBD] =	sst s2  }
0x8f: {  	_ = 	snop  }
0x90: {  	(tm) =	ssettm $0x1  }
0x91: {  	s17 =	sld [smem:$0x3FFB];
	_ =	sdelay $0x3  }
0x92: {  	_ =	strace s17  }
0x93: {  	s2 =	sld [smem:$0x3FFC];
	_ =	sdelay $0x3  }
0x94: {  	_ =	strace s2  }
0x95: {  	s2 =	sld [smem:$0x3FFD];
	_ =	sdelay $0x3  }
0x96: {  	_ =	strace s2  }
0x97: {  	_ =	strace $0x8FFFFFFF  }
0x98: {  	s18 =	sld [smem:$0x3FDB];
	_ =	sdelay $0x1  }
0x99: {  	s19 =	simm.s32 $_scs_section_size  }
0x9a: {  	s4 =	simm.s32 $_size__tile_overlayer_lowered;
	s5 =	simm.s32 $_tile_overlayer_lowered  }
0x9b: {  	s22 =	simm.s32 $0x1BFF;
	s21 =	sshll.u32 s5, $0x1;
	s2 =	sadd.s32 s19, s18  }
0x9c: {  	s6 =	simm.s32 $0x0;
	s20 =	sshll.u32 s4, $0x1;
	s4 =	sadd.s32 s21, s2  }
0x9d: {  	[timem:s6], [sflag:s22] =	dma.local [hbm:s4], s20  }
0x9e: {  	_ =	swait.ge [sflag:s22], s20  }
0x9f: {  	s3 =	ssub.s32 $0x0, s20;
	[sflag:s22] =	ssyncset.done $0x0  }
0xa0: {  	[sflag:s22] =	ssyncadd.s32 s3;
	_ =	sdelay $0x1  }
0xa1: {  	s23 =	simm.s32 $0x1B8B  }
0xa2: {  	_ =	swait.ge [sflag:s23], $0x1  }
0xa3: {  	[sflag:s23] =	ssyncset.done $0x0  }
0xa4: {  	s25 =	simm.s32 $0x1B8E;
	s24 =	sld [smem:$0x3FFE];
	[sflag:s23] =	ssyncadd.s32 $0xFFFFFFFF  }
0xa5: {  	s26 =	simm.s32 $execute0_lowered;
	[smem:$0x3FD2] =	sst s25  }
0xa6: {  	s4 =	sshll.u32 s26, $0x1;
	_ =	strace $0x80000046;
	[dreg:$0x1] =	wrdreg $0xFFFFFFFF  }
0xa7: {  	s28 =	simm.s32 $_size_execute0_lowered;
	s2 =	sadd.s32 s2, s4;
	[dreg:$0x0] =	wrdreg $0x0  }
0xa8: {  	s4 =	sshll.u32 s28, $0x1;
	[dreg:$0x2] =	wrdreg s2  }
0xa9: {  	[dreg:$0x3] =	wrdreg s4  }
0xaa: {  	[dreg:$0x4] =	wrdreg $0xC0  }
0xab: {  	_ =	task [dreg:s6], $0x5FFFF  }
0xac: {  	[dreg:$0x1] =	wrdreg $0xFFFFFFFF  }
0xad: {  	[dreg:$0x0] =	wrdreg $0x60  }
0xae: {  	[dreg:$0x2] =	wrdreg s24  }
0xaf: {  	[dreg:$0x3] =	wrdreg $0x0  }
0xb0: {  	[dreg:$0x4] =	wrdreg $0x9  }
0xb1: {  	_ =	task.clear_ibuf [dreg:s6], $0x5FFFF;
	_ =	strace $0x90000046  }
0xb2: {  	s29 =	simm.s32 $0x9;
	_ =	strace $0x80000048  }
0xb3: {  	_ =	swait.ge [sflag:s29], $0x1  }
0xb4: {  	[sflag:s29] =	ssyncadd.s32 $0xFFFFFFFF  }
0xb5: {  	_ =	strace $0x90000048  }
0xb6: {  	_ =	sfence  }
0xb7: {  	s30 =	sld [smem:$0x0];
	_ =	sdelay $0x2  }
0xb8: {  	s31 =	sshll.u32 s1, $0xD;
	s1 =	sshrl.u32 s1, $0x2  }
0xb9: {  	s3 =	sand.u32 $0x4000, s31;
	s1 =	sadd.s32 s1, s30  }
0xba: {  	s0 =	sor.u32 s3, s0;
	s1 =	sshll.u32 s1, $0x11  }
0xbb: {  	s0 =	sor.u32 s1, s0  }
0xbc: {  	s0 =	sadd.s32 $0x8F2B, s0  }
0xbd: {  	[sflag:s0] =	ssyncadd.remote.s32 $0x1  }
0xbe: {  	_ =	sfence.sel $0xFFFF  }
0xbf: {  	[dreg:$0x0] =	wrdreg $0xFFFFFFFF;
	(pc) =	sbr.abs _section_cstart, $3  }
0xc0: {  	[dreg:$0x1] =	wrdreg $0xFFFFFFFF  }
0xc1: {  	_ =	task.clear_ibuf [dreg:s6], $0x2FFFF;
	_ =	strace $0x9FFFFFFF  }
0xc2: {  	(tm) =	ssettm $0x7FFFFFFF  }
0xc3: {  	_ =	shalt  }
tec
execute0_lowered:
.L_overlay_start_1:
0x0: {  	(tag) =	ssettag $0x1  }
0x1: {  	s0 =	srdreg.scid  }
0x2: {  	s3 =	rddreg [dreg:$0x0];
	s13 =	stileid.u32  }
0x3: {  	s1 =	rddreg [dreg:$0x1];
	s2 =	simm.s32 $0x0;
	s10 =	simm.s32 $0x2A80  }
0x4: {  	s11 =	simm.s32 $0x50;
	s12 =	simm.s32 $0x2B00;
	s15 =	simm.s32 $0x0  }
0x5: {  	s4 =	sand.u32 $0x1, s0;
	s6 =	smul.u32 $0x2710, s13;
	s0 =	rddreg [dreg:$0x2]  }
0x6: {  	[smem:$0x7FF] =	sst s2;
	s8 =	sshll.u32 s13, $0xA;
	s5 =	smul.u32 $0x27100, s4  }
0x7: {  	p0 =	sne.s32 s13, $0x0;
	p1 =	sgt.u32 s13, $0x9;
	s7 =	smul.u32 $0x2800, s4  }
0x8: {  	_ =	strace $0x80000047;
	s4 =	ssub.s32 $0x2, s4;
	s14 =	sadd.s32 s8, s1  }
0x9: {  	s9 =	sshrl.u32 @!p0 s1, $0x3;
	s13 =	sshll.u32 @!p1 s13, $0x6;
	s31 =	sshrl.u32 s4, $0x1  }
0xa: {  	s13 =	sor.u32 @!p1 $0x1C01, s13;
	s14 =	sshrl.u32 @!p1 s14, $0x3;
	s5 =	sadd.s32 s6, s5  }
0xb: {  	s28 =	sadd.s32 s8, s7;
	s7 =	simm.s32 $0x280;
	s5 =	sshrl.u32 s5, $0x3  }
0xc: {  	v0 =	vlaneseq.u32;
	s8 =	simm.s32 $0x1;
	s6 =	sshrl.u32 s28, $0x3;
	s29 =	sadd.s32 s5, s3  }
0xd: {  	v5 =	vimm.f32 $1.000000000e+00;
	v1 =	vor.u32 $0x10, v0;
	s30 =	sadd.s32 s6, s3;
	s3 =	sadd.s32 $0xC200, s3;
	s6 =	ssub.s32 s4, s31  }
0xe: {  	v2 =	vor.u32 $0x20, v0;
	v3 =	vor.u32 $0x30, v0;
	v4 =	vor.u32 $0x40, v0;
	s4 =	sadd.s32 $0xEA00, s30;
	s5 =	smax.u32 s6, $0x1;
	s6 =	sadd.s32 $0x2400, s29  }
.LBB2_1:
0xf: {  	[tilespmem:s7], [sflag:$0x1] =	stream.linear.gather [hbm4b:s3+s2], $0x2800, $0x38;
	[tilespmem:$0x2B80] =	vst v63  }
0x10: {  	_ =	swait.ge [sflag:s8], $0x2800  }
0x11: {  	[sflag:s8] =	ssyncset.done $0x0  }
0x12: {  	[sflag:s8] =	ssyncadd.s32 $0xFFFFD800  }
0x13: {  	[tilespmem:$0x2B00] =	vst v0  }
0x14: {  	[tilespmem:$0x2B10] =	vst v1  }
0x15: {  	[tilespmem:$0x2B20] =	vst v2  }
0x16: {  	[tilespmem:$0x2B30] =	vst v3  }
0x17: {  	s16 =	simm.s32 @!p0 $0x1C01;
	[tilespmem:$0x2B40] =	vst v4  }
0x18: {  	[spmem:s9], [sflag:s16] =	dma.local @!p0 [hbm:s3], $0x500  }
0x19: {  	s16 =	simm.s32 @!p0 $0x1  }
0x1a: {  	_ =	swait.ge @!p0 [sflag:s16], $0x500  }
0x1b: {  	[sflag:s16] =	ssyncset.done @!p0 $0x0  }
0x1c: {  	[sflag:s16] =	ssyncadd.s32 @!p0 $0xFFFFFB00  }
0x1d: {  	s16 =	simm.s32 $0x0;
	[bflag:$0x0] =	sbarrier.arrive $0xFFFF  }
.LBB2_2:
0x1e: {  	s17 =	sadd.s32 s16, s6  }
0x1f: {  	[tilespmem:s10], [sflag:$0x1] =	stream.linear.gather [hbm4b:s17+s2], $0x50, $0x38;
	[tilespmem:$0x2B80] =	vst v63  }
0x20: {  	_ =	swait.ge [sflag:s8], $0x50  }
0x21: {  	[sflag:s8] =	ssyncset.done $0x0  }
0x22: {  	[sflag:s8] =	ssyncadd.s32 $0xFFFFFFB0  }
0x23: {  	v6 =	vld [tilespmem:$0x2A80];
	_ =	sdelay $0x7  }
0x24: {  	[tilespmem:v6+s7+$0x0] =	vst.idx.add.f32.msk $0xffff, v5  }
0x25: {  	v6 =	vld [tilespmem:$0x2A90];
	_ =	sdelay $0x7  }
0x26: {  	[tilespmem:v6+s7+$0x0] =	vst.idx.add.f32.msk $0xffff, v5  }
0x27: {  	v6 =	vld [tilespmem:$0x2AA0];
	_ =	sdelay $0x7  }
0x28: {  	[tilespmem:v6+s7+$0x0] =	vst.idx.add.f32.msk $0xffff, v5  }
0x29: {  	v6 =	vld [tilespmem:$0x2AB0];
	_ =	sdelay $0x7  }
0x2a: {  	[tilespmem:v6+s7+$0x0] =	vst.idx.add.f32.msk $0xffff, v5  }
0x2b: {  	v6 =	vld [tilespmem:$0x2AC0];
	_ =	sdelay $0x2  }
0x2c: {  	p2 =	sne.s32 s16, $0x4D8  }
.Ltmp0:
0x2d: {  	_ = 	snop;
	(pc) =	sbr.rel @p2 .LBB2_2-.Ltmp0, $2  }
0x2e: {  	_ =	sdelay $0x2  }
0x2f: {  	s16 =	sadd.s32 $0xA, s16;
	[tilespmem:v6+s7+$0x0] =	vst.idx.add.f32.msk $0xffff, v5  }
0x30: {  	[spmem:s1] =	stream.indirect.scatter.add.f32 [tilespmem:s7], [sflag:$0x1], $0x80, s12, s11, $0xb8;
	[tilespmem:$0x2B80] =	vst v63  }
0x31: {  	_ =	swait.ge [sflag:s8], $0x2800  }
0x32: {  	s15 =	sadd.s32 $0x1, s15;
	[sflag:s8] =	ssyncset.done $0x0  }
0x33: {  	p2 =	sne.s32 s15, s5;
	[sflag:s8] =	ssyncadd.s32 $0xFFFFD800  }
.Ltmp1:
0x34: {  	s16 =	simm.s32 @!p1 $0x1;
	[bflag:$0x0] =	sbarrier.arrive $0xFFFF;
	(pc) =	sbr.rel @p2 .LBB2_1-.Ltmp1, $4  }
0x35: {  	[hbm:s4], [sflag:s13] =	dma.local @!p1 [spmem:s14], $0x80  }
0x36: {  	_ =	swait.ge @!p1 [sflag:s16], $0x80  }
0x37: {  	[sflag:s16] =	ssyncset.done @!p1 $0x0  }
0x38: {  	[sflag:s16] =	ssyncadd.s32 @!p1 $0xFFFFFF80  }
0x39: {  	_ =	sfence.sel $0x180000  }
0x3a: {  	[bflag:$0x0] =	sbarrier.arrive $0xFFFF  }
0x3b: {  	_ =	strace $0x90000047  }
0x3c: {  	s0 =	sadd.s32 @!p0 $0x100000, s0;
	[bflag:$0x2] =	sbarrier.arrive $0xFFFF  }
0x3d: {  	[sflag:s0] =	ssyncadd.tile.s32 @!p0 $0x1;
	_ =	shalt  }
.Lfunc_end2:
_tile_overlayer_lowered:
.L_overlay_start_2:
0x3e: {  	(tag) =	ssettag $0x2  }
0x3f: {  	s0 =	rddreg [dreg:$0x0];
	s2 =	stileid.u32  }
0x40: {  	s1 =	rddreg [dreg:$0x1];
	p0 =	sne.s32 s2, $0x0  }
0x41: {  	s3 =	rddreg [dreg:$0x2];
	[bflag:$0x3] =	sbarrier.arrive $0xFFFF;
	s2 =	simm.s32 @!p0 $0x1C01  }
0x42: {  	[timem:s3], [sflag:s2] =	dma.local @!p0 [hbm:s0], s1  }
0x43: {  	s0 =	simm.s32 @!p0 $0x1  }
0x44: {  	_ =	swait.ge @!p0 [sflag:s0], s1  }
0x45: {  	s1 =	ssub.s32 @!p0 $0x0, s1;
	[sflag:s0] =	ssyncset.done @!p0 $0x0  }
0x46: {  	[sflag:s0] =	ssyncadd.s32 @!p0 s1  }
0x47: {  	[bflag:$0x3] =	sbarrier.arrive $0xFFFF  }
0x48: {  	_ =	shalt  }

</sc_bundles>
